<compile_context>
chip_gen: v7x
topology: tpu7x:2x2x1
jax: 0.10.2.dev20260603
libtpu: 0.0.44.dev20260713+nightly
codegen_flags: <defaults>
</compile_context>

<pallas_src>
import functools
import jax
import jax.numpy as jnp
from jax import lax
from jax.experimental import pallas as pl
from jax.experimental.pallas import tpu as pltpu
from jax.experimental.pallas import tpu_sc as plsc

_ALPHA = 4
_NUM_CORES = 2
_NUM_SUBCORES = 16
_NBUF = 4
_HSPLIT = 2


def _make_sc_gather(B, C, T, S, H, W):
    n_slow = B * C * S
    n_workers = _NUM_CORES * _NUM_SUBCORES
    per_w = n_slow // n_workers
    assert per_w * n_workers == n_slow and H % _HSPLIT == 0
    hh = H // _HSPLIT
    n_chunks = per_w * _HSPLIT
    mesh = plsc.VectorSubcoreMesh(core_axis_name="c", subcore_axis_name="s")

    @functools.partial(
        pl.kernel,
        mesh=mesh,
        out_type=jax.ShapeDtypeStruct((B, C, S, H, W), jnp.float32),
        scratch_types=[
            pltpu.VMEM((_NBUF, hh, W), jnp.float32),
            pltpu.SemaphoreType.DMA((_NBUF,)),
            pltpu.SemaphoreType.DMA((_NBUF,)),
        ],
    )
    def sc_gather(x_hbm, slow_hbm, buf, sem_in, sem_out):
        wid = lax.axis_index("s") * _NUM_CORES + lax.axis_index("c")

        def job(m):
            r = wid * per_w + m // _HSPLIT
            h0 = (m % _HSPLIT) * hh
            i = r // S
            k = r - i * S
            t = ((T - 1) * k) // (S - 1)
            b = i // C
            c = i - b * C
            return (b, c, t, h0), (b, c, k, h0)

        def start_in(m):
            (b, c, t, h0), _ = job(m)
            return pltpu.async_copy(
                x_hbm.at[b, c, t, pl.ds(h0, hh)], buf.at[m % _NBUF],
                sem_in.at[m % _NBUF])

        def start_out(m):
            _, (b, c, k, h0) = job(m)
            return pltpu.async_copy(
                buf.at[m % _NBUF], slow_hbm.at[b, c, k, pl.ds(h0, hh)],
                sem_out.at[m % _NBUF])

        in_h = [None] * n_chunks
        out_h = [None] * n_chunks
        for m in range(n_chunks):
            if m >= _NBUF:
                out_h[m - _NBUF].wait()
            in_h[m] = start_in(m)
            if m >= 1:
                in_h[m - 1].wait()
                out_h[m - 1] = start_out(m - 1)
        in_h[n_chunks - 1].wait()
        out_h[n_chunks - 1] = start_out(n_chunks - 1)
        for j in range(max(n_chunks - _NBUF, 0), n_chunks):
            if out_h[j] is not None and j >= n_chunks - _NBUF:
                out_h[j].wait()

    return sc_gather


def kernel(frames):
    squeeze = frames.ndim == 4
    x = frames[None] if squeeze else frames
    B, C, T, H, W = x.shape
    S = T // _ALPHA
    slow = _make_sc_gather(B, C, T, S, H, W)(x)
    if squeeze:
        slow = slow[0]
    return (slow, frames)

# --- scband reference (transcript-rebuilt; emitter-appended) ---
"""Pipeline reference for scband-pack-pathway-60945585931057 (READ-ONLY COPY).

The authoritative reference and input builder live on the scoring server;
editing this copy changes nothing except your own understanding.
"""

import jax, jax.numpy as jnp
import numpy as np

ALPHA = 4

def setup_inputs(seed: int = 0) -> dict:
    key = jax.random.key(seed)
    frames = jax.random.normal(key, (8, 3, 32, 224, 224), dtype=jnp.float32)
    return {"frames": frames}

def reference(frames):
    # PackPathway: fast pathway = frames; slow pathway = temporal subsample by alpha.
    temporal_idx = 1 if frames.ndim == 4 else 2
    T = frames.shape[temporal_idx]
    # torch.linspace(0, T-1, T//alpha).long() -> truncating cast, matched by astype(int)
    idx = jnp.linspace(0.0, T - 1, T // ALPHA).astype(jnp.int32)
    slow_pathway = jnp.take(frames, idx, axis=temporal_idx)
    fast_pathway = frames
    return (slow_pathway, fast_pathway)

if __name__ == "__main__":
    import jax
    _d = setup_inputs()
    print(jax.jit(kernel)(*tuple(_d.values())))

</pallas_src>

<mosaic_0001>
#map = affine_map<(d0, d1) -> (0, 0, 0, 0, 0)>
module attributes {stable_mosaic.version = 14 : i64} {
  func.func @sc_gather(%arg0: i32, %arg1: i32, %arg2: memref<8x3x32x224x224xf32, #tpu.memory_space<hbm>>, %arg3: memref<8x3x8x224x224xf32, #tpu.memory_space<hbm>>, %arg4: memref<4x112x224xf32, #tpu.memory_space<vmem>>, %arg5: memref<4x!tpu.dma_semaphore, #tpu.memory_space<semaphore_mem>>, %arg6: memref<4x!tpu.dma_semaphore, #tpu.memory_space<semaphore_mem>>) attributes {dimension_semantics = [#tpu.dimension_semantics<core_parallel>, #tpu.dimension_semantics<subcore_parallel>], iteration_bounds = array<i64: 2, 16>, scalar_prefetch = 0 : i64, scratch_operands = 3 : i64, tpu.core_type = #tpu.core_type<sc_vector_subcore>, window_params = [{transform_indices = #map}, {transform_indices = #map}]} {
    %mul3A = arith.constant 2 : i32
    %mul3A_0 = arith.muli %arg1, %mul3A : i32
    %add3A = arith.addi %mul3A_0, %arg0 : i32
    %mul3A_1 = arith.constant 6 : i32
    %mul3A_2 = arith.muli %add3A, %mul3A_1 : i32
    %add3A_3 = arith.constant 0 : i32
    %add3A_4 = arith.addi %mul3A_2, %add3A_3 : i32
    %jit3A = arith.constant 8 : i32
    %div3A = arith.divsi %add3A_4, %jit3A : i32
    %sign3A = arith.constant 0 : i32
    %sign3A_5 = arith.cmpi sgt, %add3A_4, %sign3A : i32
    %sign3A_6 = arith.extui %sign3A_5 : i1 to i32
    %sign3A_7 = arith.constant 0 : i32
    %sign3A_8 = arith.cmpi slt, %add3A_4, %sign3A_7 : i32
    %sign3A_9 = arith.extui %sign3A_8 : i1 to i32
    %sign3A_10 = arith.subi %sign3A_6, %sign3A_9 : i32
    %sign3A_11 = arith.constant 0 : i32
    %sign3A_12 = arith.cmpi sgt, %jit3A, %sign3A_11 : i32
    %sign3A_13 = arith.extui %sign3A_12 : i1 to i32
    %sign3A_14 = arith.constant 0 : i32
    %sign3A_15 = arith.cmpi slt, %jit3A, %sign3A_14 : i32
    %sign3A_16 = arith.extui %sign3A_15 : i1 to i32
    %sign3A_17 = arith.subi %sign3A_13, %sign3A_16 : i32
    %ne3A = arith.cmpi ne, %sign3A_10, %sign3A_17 : i32
    %rem3A = arith.remsi %add3A_4, %jit3A : i32
    %ne3A_18 = arith.constant 0 : i32
    %ne3A_19 = arith.cmpi ne, %rem3A, %ne3A_18 : i32
    %and3A = arith.andi %ne3A, %ne3A_19 : i1
    %sub3A = arith.constant 1 : i32
    %sub3A_20 = arith.subi %div3A, %sub3A : i32
    %select_n3A = arith.select %and3A, %sub3A_20, %div3A : i32
    %mul3A_21 = arith.constant 8 : i32
    %mul3A_22 = arith.muli %select_n3A, %mul3A_21 : i32
    %sub3A_23 = arith.subi %add3A_4, %mul3A_22 : i32
    %mul3A_24 = arith.constant 31 : i32
    %mul3A_25 = arith.muli %mul3A_24, %sub3A_23 : i32
    %jit3A_26 = arith.constant 7 : i32
    %div3A_27 = arith.divsi %mul3A_25, %jit3A_26 : i32
    %sign3A_28 = arith.constant 0 : i32
    %sign3A_29 = arith.cmpi sgt, %mul3A_25, %sign3A_28 : i32
    %sign3A_30 = arith.extui %sign3A_29 : i1 to i32
    %sign3A_31 = arith.constant 0 : i32
    %sign3A_32 = arith.cmpi slt, %mul3A_25, %sign3A_31 : i32
    %sign3A_33 = arith.extui %sign3A_32 : i1 to i32
    %sign3A_34 = arith.subi %sign3A_30, %sign3A_33 : i32
    %sign3A_35 = arith.constant 0 : i32
    %sign3A_36 = arith.cmpi sgt, %jit3A_26, %sign3A_35 : i32
    %sign3A_37 = arith.extui %sign3A_36 : i1 to i32
    %sign3A_38 = arith.constant 0 : i32
    %sign3A_39 = arith.cmpi slt, %jit3A_26, %sign3A_38 : i32
    %sign3A_40 = arith.extui %sign3A_39 : i1 to i32
    %sign3A_41 = arith.subi %sign3A_37, %sign3A_40 : i32
    %ne3A_42 = arith.cmpi ne, %sign3A_34, %sign3A_41 : i32
    %rem3A_43 = arith.remsi %mul3A_25, %jit3A_26 : i32
    %ne3A_44 = arith.constant 0 : i32
    %ne3A_45 = arith.cmpi ne, %rem3A_43, %ne3A_44 : i32
    %and3A_46 = arith.andi %ne3A_42, %ne3A_45 : i1
    %sub3A_47 = arith.constant 1 : i32
    %sub3A_48 = arith.subi %div3A_27, %sub3A_47 : i32
    %select_n3A_49 = arith.select %and3A_46, %sub3A_48, %div3A_27 : i32
    %jit3A_50 = arith.constant 3 : i32
    %div3A_51 = arith.divsi %select_n3A, %jit3A_50 : i32
    %sign3A_52 = arith.constant 0 : i32
    %sign3A_53 = arith.cmpi sgt, %select_n3A, %sign3A_52 : i32
    %sign3A_54 = arith.extui %sign3A_53 : i1 to i32
    %sign3A_55 = arith.constant 0 : i32
    %sign3A_56 = arith.cmpi slt, %select_n3A, %sign3A_55 : i32
    %sign3A_57 = arith.extui %sign3A_56 : i1 to i32
    %sign3A_58 = arith.subi %sign3A_54, %sign3A_57 : i32
    %sign3A_59 = arith.constant 0 : i32
    %sign3A_60 = arith.cmpi sgt, %jit3A_50, %sign3A_59 : i32
    %sign3A_61 = arith.extui %sign3A_60 : i1 to i32
    %sign3A_62 = arith.constant 0 : i32
    %sign3A_63 = arith.cmpi slt, %jit3A_50, %sign3A_62 : i32
    %sign3A_64 = arith.extui %sign3A_63 : i1 to i32
    %sign3A_65 = arith.subi %sign3A_61, %sign3A_64 : i32
    %ne3A_66 = arith.cmpi ne, %sign3A_58, %sign3A_65 : i32
    %rem3A_67 = arith.remsi %select_n3A, %jit3A_50 : i32
    %ne3A_68 = arith.constant 0 : i32
    %ne3A_69 = arith.cmpi ne, %rem3A_67, %ne3A_68 : i32
    %and3A_70 = arith.andi %ne3A_66, %ne3A_69 : i1
    %sub3A_71 = arith.constant 1 : i32
    %sub3A_72 = arith.subi %div3A_51, %sub3A_71 : i32
    %select_n3A_73 = arith.select %and3A_70, %sub3A_72, %div3A_51 : i32
    %mul3A_74 = arith.constant 3 : i32
    %mul3A_75 = arith.muli %select_n3A_73, %mul3A_74 : i32
    %sub3A_76 = arith.subi %select_n3A, %mul3A_75 : i32
    %dma_start3A = arith.constant 0 : i32
    %dma_start3A_77 = arith.constant 0 : i32
    %dma_start3A_78 = arith.constant 0 : i32
    %dma_start3A_79 = arith.constant 0 : i32
    %dma_start3A_80 = tpu.memref_slice %arg4[%dma_start3A, %dma_start3A_78, %dma_start3A_79] : memref<4x112x224xf32, #tpu.memory_space<vmem>> -> memref<1x112x224xf32, #tpu.memory_space<vmem>>
    %dma_start3A_81 = tpu.memref_squeeze %dma_start3A_80 : memref<1x112x224xf32, #tpu.memory_space<vmem>> -> memref<112x224xf32, #tpu.memory_space<vmem>>
    %dma_start3A_82 = arith.constant 0 : i32
    %dma_start3A_83 = arith.constant 0 : i32
    %dma_start3A_84 = tpu.memref_slice %arg2[%select_n3A_73, %sub3A_76, %select_n3A_49, %dma_start3A_82, %dma_start3A_83] : memref<8x3x32x224x224xf32, #tpu.memory_space<hbm>> -> memref<1x1x1x112x224xf32, #tpu.memory_space<hbm>>
    %dma_start3A_85 = tpu.memref_squeeze %dma_start3A_84 : memref<1x1x1x112x224xf32, #tpu.memory_space<hbm>> -> memref<112x224xf32, #tpu.memory_space<hbm>>
    %dma_start3A_86 = tpu.memref_slice %arg5[%dma_start3A_77] : memref<4x!tpu.dma_semaphore, #tpu.memory_space<semaphore_mem>> -> memref<1x!tpu.dma_semaphore, #tpu.memory_space<semaphore_mem>>
    %dma_start3A_87 = tpu.memref_squeeze %dma_start3A_86 : memref<1x!tpu.dma_semaphore, #tpu.memory_space<semaphore_mem>> -> memref<!tpu.dma_semaphore, #tpu.memory_space<semaphore_mem>>
    %dma_start3A_88 = arith.constant 0 : i32
    %dma_start3A_89 = arith.constant 0 : i32
    %dma_start3A_90 = tpu.memref_slice %arg4[%dma_start3A, %dma_start3A_88, %dma_start3A_89] : memref<4x112x224xf32, #tpu.memory_space<vmem>> -> memref<1x112x224xf32, #tpu.memory_space<vmem>>
    %dma_start3A_91 = tpu.memref_squeeze %dma_start3A_90 : memref<1x112x224xf32, #tpu.memory_space<vmem>> -> memref<112x224xf32, #tpu.memory_space<vmem>>
    %dma_start3A_92 = arith.constant 0 : i32
    %dma_start3A_93 = arith.constant 0 : i32
    %dma_start3A_94 = tpu.memref_slice %arg2[%select_n3A_73, %sub3A_76, %select_n3A_49, %dma_start3A_92, %dma_start3A_93] : memref<8x3x32x224x224xf32, #tpu.memory_space<hbm>> -> memref<1x1x1x112x224xf32, #tpu.memory_space<hbm>>
    %dma_start3A_95 = tpu.memref_squeeze %dma_start3A_94 : memref<1x1x1x112x224xf32, #tpu.memory_space<hbm>> -> memref<112x224xf32, #tpu.memory_space<hbm>>
    tpu.enqueue_dma source(%dma_start3A_95 : memref<112x224xf32, #tpu.memory_space<hbm>>) target(%dma_start3A_91 : memref<112x224xf32, #tpu.memory_space<vmem>>) target_semaphore(%dma_start3A_87 : memref<!tpu.dma_semaphore, #tpu.memory_space<semaphore_mem>>)
    %mul3A_96 = arith.constant 6 : i32
    %mul3A_97 = arith.muli %add3A, %mul3A_96 : i32
    %add3A_98 = arith.constant 0 : i32
    %add3A_99 = arith.addi %mul3A_97, %add3A_98 : i32
    %jit3A_100 = arith.constant 8 : i32
    %div3A_101 = arith.divsi %add3A_99, %jit3A_100 : i32
    %sign3A_102 = arith.constant 0 : i32
    %sign3A_103 = arith.cmpi sgt, %add3A_99, %sign3A_102 : i32
    %sign3A_104 = arith.extui %sign3A_103 : i1 to i32
    %sign3A_105 = arith.constant 0 : i32
    %sign3A_106 = arith.cmpi slt, %add3A_99, %sign3A_105 : i32
    %sign3A_107 = arith.extui %sign3A_106 : i1 to i32
    %sign3A_108 = arith.subi %sign3A_104, %sign3A_107 : i32
    %sign3A_109 = arith.constant 0 : i32
    %sign3A_110 = arith.cmpi sgt, %jit3A_100, %sign3A_109 : i32
    %sign3A_111 = arith.extui %sign3A_110 : i1 to i32
    %sign3A_112 = arith.constant 0 : i32
    %sign3A_113 = arith.cmpi slt, %jit3A_100, %sign3A_112 : i32
    %sign3A_114 = arith.extui %sign3A_113 : i1 to i32
    %sign3A_115 = arith.subi %sign3A_111, %sign3A_114 : i32
    %ne3A_116 = arith.cmpi ne, %sign3A_108, %sign3A_115 : i32
    %rem3A_117 = arith.remsi %add3A_99, %jit3A_100 : i32
    %ne3A_118 = arith.constant 0 : i32
    %ne3A_119 = arith.cmpi ne, %rem3A_117, %ne3A_118 : i32
    %and3A_120 = arith.andi %ne3A_116, %ne3A_119 : i1
    %sub3A_121 = arith.constant 1 : i32
    %sub3A_122 = arith.subi %div3A_101, %sub3A_121 : i32
    %select_n3A_123 = arith.select %and3A_120, %sub3A_122, %div3A_101 : i32
    %mul3A_124 = arith.constant 8 : i32
    %mul3A_125 = arith.muli %select_n3A_123, %mul3A_124 : i32
    %sub3A_126 = arith.subi %add3A_99, %mul3A_125 : i32
    %mul3A_127 = arith.constant 31 : i32
    %mul3A_128 = arith.muli %mul3A_127, %sub3A_126 : i32
    %jit3A_129 = arith.constant 7 : i32
    %div3A_130 = arith.divsi %mul3A_128, %jit3A_129 : i32
    %sign3A_131 = arith.constant 0 : i32
    %sign3A_132 = arith.cmpi sgt, %mul3A_128, %sign3A_131 : i32
    %sign3A_133 = arith.extui %sign3A_132 : i1 to i32
    %sign3A_134 = arith.constant 0 : i32
    %sign3A_135 = arith.cmpi slt, %mul3A_128, %sign3A_134 : i32
    %sign3A_136 = arith.extui %sign3A_135 : i1 to i32
    %sign3A_137 = arith.subi %sign3A_133, %sign3A_136 : i32
    %sign3A_138 = arith.constant 0 : i32
    %sign3A_139 = arith.cmpi sgt, %jit3A_129, %sign3A_138 : i32
    %sign3A_140 = arith.extui %sign3A_139 : i1 to i32
    %sign3A_141 = arith.constant 0 : i32
    %sign3A_142 = arith.cmpi slt, %jit3A_129, %sign3A_141 : i32
    %sign3A_143 = arith.extui %sign3A_142 : i1 to i32
    %sign3A_144 = arith.subi %sign3A_140, %sign3A_143 : i32
    %ne3A_145 = arith.cmpi ne, %sign3A_137, %sign3A_144 : i32
    %rem3A_146 = arith.remsi %mul3A_128, %jit3A_129 : i32
    %ne3A_147 = arith.constant 0 : i32
    %ne3A_148 = arith.cmpi ne, %rem3A_146, %ne3A_147 : i32
    %and3A_149 = arith.andi %ne3A_145, %ne3A_148 : i1
    %sub3A_150 = arith.constant 1 : i32
    %sub3A_151 = arith.subi %div3A_130, %sub3A_150 : i32
    %select_n3A_152 = arith.select %and3A_149, %sub3A_151, %div3A_130 : i32
    %jit3A_153 = arith.constant 3 : i32
    %div3A_154 = arith.divsi %select_n3A_123, %jit3A_153 : i32
    %sign3A_155 = arith.constant 0 : i32
    %sign3A_156 = arith.cmpi sgt, %select_n3A_123, %sign3A_155 : i32
    %sign3A_157 = arith.extui %sign3A_156 : i1 to i32
    %sign3A_158 = arith.constant 0 : i32
    %sign3A_159 = arith.cmpi slt, %select_n3A_123, %sign3A_158 : i32
    %sign3A_160 = arith.extui %sign3A_159 : i1 to i32
    %sign3A_161 = arith.subi %sign3A_157, %sign3A_160 : i32
    %sign3A_162 = arith.constant 0 : i32
    %sign3A_163 = arith.cmpi sgt, %jit3A_153, %sign3A_162 : i32
    %sign3A_164 = arith.extui %sign3A_163 : i1 to i32
    %sign3A_165 = arith.constant 0 : i32
    %sign3A_166 = arith.cmpi slt, %jit3A_153, %sign3A_165 : i32
    %sign3A_167 = arith.extui %sign3A_166 : i1 to i32
    %sign3A_168 = arith.subi %sign3A_164, %sign3A_167 : i32
    %ne3A_169 = arith.cmpi ne, %sign3A_161, %sign3A_168 : i32
    %rem3A_170 = arith.remsi %select_n3A_123, %jit3A_153 : i32
    %ne3A_171 = arith.constant 0 : i32
    %ne3A_172 = arith.cmpi ne, %rem3A_170, %ne3A_171 : i32
    %and3A_173 = arith.andi %ne3A_169, %ne3A_172 : i1
    %sub3A_174 = arith.constant 1 : i32
    %sub3A_175 = arith.subi %div3A_154, %sub3A_174 : i32
    %select_n3A_176 = arith.select %and3A_173, %sub3A_175, %div3A_154 : i32
    %mul3A_177 = arith.constant 3 : i32
    %mul3A_178 = arith.muli %select_n3A_176, %mul3A_177 : i32
    %sub3A_179 = arith.subi %select_n3A_123, %mul3A_178 : i32
    %dma_start3A_180 = arith.constant 1 : i32
    %dma_start3A_181 = arith.constant 1 : i32
    %dma_start3A_182 = arith.constant 0 : i32
    %dma_start3A_183 = arith.constant 0 : i32
    %dma_start3A_184 = tpu.memref_slice %arg4[%dma_start3A_180, %dma_start3A_182, %dma_start3A_183] : memref<4x112x224xf32, #tpu.memory_space<vmem>> -> memref<1x112x224xf32, #tpu.memory_space<vmem>>
    %dma_start3A_185 = tpu.memref_squeeze %dma_start3A_184 : memref<1x112x224xf32, #tpu.memory_space<vmem>> -> memref<112x224xf32, #tpu.memory_space<vmem>>
    %dma_start3A_186 = arith.constant 112 : i32
    %dma_start3A_187 = arith.constant 0 : i32
    %dma_start3A_188 = tpu.memref_slice %arg2[%select_n3A_176, %sub3A_179, %select_n3A_152, %dma_start3A_186, %dma_start3A_187] : memref<8x3x32x224x224xf32, #tpu.memory_space<hbm>> -> memref<1x1x1x112x224xf32, #tpu.memory_space<hbm>>
    %dma_start3A_189 = tpu.memref_squeeze %dma_start3A_188 : memref<1x1x1x112x224xf32, #tpu.memory_space<hbm>> -> memref<112x224xf32, #tpu.memory_space<hbm>>
    %dma_start3A_190 = tpu.memref_slice %arg5[%dma_start3A_181] : memref<4x!tpu.dma_semaphore, #tpu.memory_space<semaphore_mem>> -> memref<1x!tpu.dma_semaphore, #tpu.memory_space<semaphore_mem>>
    %dma_start3A_191 = tpu.memref_squeeze %dma_start3A_190 : memref<1x!tpu.dma_semaphore, #tpu.memory_space<semaphore_mem>> -> memref<!tpu.dma_semaphore, #tpu.memory_space<semaphore_mem>>
    %dma_start3A_192 = arith.constant 0 : i32
    %dma_start3A_193 = arith.constant 0 : i32
    %dma_start3A_194 = tpu.memref_slice %arg4[%dma_start3A_180, %dma_start3A_192, %dma_start3A_193] : memref<4x112x224xf32, #tpu.memory_space<vmem>> -> memref<1x112x224xf32, #tpu.memory_space<vmem>>
    %dma_start3A_195 = tpu.memref_squeeze %dma_start3A_194 : memref<1x112x224xf32, #tpu.memory_space<vmem>> -> memref<112x224xf32, #tpu.memory_space<vmem>>
    %dma_start3A_196 = arith.constant 112 : i32
    %dma_start3A_197 = arith.constant 0 : i32
    %dma_start3A_198 = tpu.memref_slice %arg2[%select_n3A_176, %sub3A_179, %select_n3A_152, %dma_start3A_196, %dma_start3A_197] : memref<8x3x32x224x224xf32, #tpu.memory_space<hbm>> -> memref<1x1x1x112x224xf32, #tpu.memory_space<hbm>>
    %dma_start3A_199 = tpu.memref_squeeze %dma_start3A_198 : memref<1x1x1x112x224xf32, #tpu.memory_space<hbm>> -> memref<112x224xf32, #tpu.memory_space<hbm>>
    tpu.enqueue_dma source(%dma_start3A_199 : memref<112x224xf32, #tpu.memory_space<hbm>>) target(%dma_start3A_195 : memref<112x224xf32, #tpu.memory_space<vmem>>) target_semaphore(%dma_start3A_191 : memref<!tpu.dma_semaphore, #tpu.memory_space<semaphore_mem>>)
    %dma_wait3A = arith.constant 0 : i32
    %dma_wait3A_200 = arith.constant 0 : i32
    %dma_wait3A_201 = arith.constant 0 : i32
    %dma_wait3A_202 = arith.constant 0 : i32
    %dma_wait3A_203 = tpu.memref_slice %arg4[%dma_wait3A, %dma_wait3A_201, %dma_wait3A_202] : memref<4x112x224xf32, #tpu.memory_space<vmem>> -> memref<1x112x224xf32, #tpu.memory_space<vmem>>
    %dma_wait3A_204 = tpu.memref_squeeze %dma_wait3A_203 : memref<1x112x224xf32, #tpu.memory_space<vmem>> -> memref<112x224xf32, #tpu.memory_space<vmem>>
    %dma_wait3A_205 = arith.constant 0 : i32
    %dma_wait3A_206 = arith.constant 0 : i32
    %dma_wait3A_207 = tpu.memref_slice %arg2[%select_n3A_73, %sub3A_76, %select_n3A_49, %dma_wait3A_205, %dma_wait3A_206] : memref<8x3x32x224x224xf32, #tpu.memory_space<hbm>> -> memref<1x1x1x112x224xf32, #tpu.memory_space<hbm>>
    %dma_wait3A_208 = tpu.memref_squeeze %dma_wait3A_207 : memref<1x1x1x112x224xf32, #tpu.memory_space<hbm>> -> memref<112x224xf32, #tpu.memory_space<hbm>>
    %dma_wait3A_209 = tpu.memref_slice %arg5[%dma_wait3A_200] : memref<4x!tpu.dma_semaphore, #tpu.memory_space<semaphore_mem>> -> memref<1x!tpu.dma_semaphore, #tpu.memory_space<semaphore_mem>>
    %dma_wait3A_210 = tpu.memref_squeeze %dma_wait3A_209 : memref<1x!tpu.dma_semaphore, #tpu.memory_space<semaphore_mem>> -> memref<!tpu.dma_semaphore, #tpu.memory_space<semaphore_mem>>
    %dma_wait3A_211 = arith.constant 0 : i32
    %dma_wait3A_212 = arith.constant 0 : i32
    %dma_wait3A_213 = tpu.memref_slice %arg4[%dma_wait3A, %dma_wait3A_211, %dma_wait3A_212] : memref<4x112x224xf32, #tpu.memory_space<vmem>> -> memref<1x112x224xf32, #tpu.memory_space<vmem>>
    %dma_wait3A_214 = tpu.memref_squeeze %dma_wait3A_213 : memref<1x112x224xf32, #tpu.memory_space<vmem>> -> memref<112x224xf32, #tpu.memory_space<vmem>>
    %dma_wait3A_215 = arith.constant 0 : i32
    %dma_wait3A_216 = arith.constant 0 : i32
    %dma_wait3A_217 = tpu.memref_slice %arg2[%select_n3A_73, %sub3A_76, %select_n3A_49, %dma_wait3A_215, %dma_wait3A_216] : memref<8x3x32x224x224xf32, #tpu.memory_space<hbm>> -> memref<1x1x1x112x224xf32, #tpu.memory_space<hbm>>
    %dma_wait3A_218 = tpu.memref_squeeze %dma_wait3A_217 : memref<1x1x1x112x224xf32, #tpu.memory_space<hbm>> -> memref<112x224xf32, #tpu.memory_space<hbm>>
    tpu.wait_dma2 semaphore(%dma_wait3A_210 : memref<!tpu.dma_semaphore, #tpu.memory_space<semaphore_mem>>) src(%dma_wait3A_218 : memref<112x224xf32, #tpu.memory_space<hbm>>) dst(%dma_wait3A_214 : memref<112x224xf32, #tpu.memory_space<vmem>>)
    %mul3A_219 = arith.constant 6 : i32
    %mul3A_220 = arith.muli %add3A, %mul3A_219 : i32
    %add3A_221 = arith.constant 0 : i32
    %add3A_222 = arith.addi %mul3A_220, %add3A_221 : i32
    %jit3A_223 = arith.constant 8 : i32
    %div3A_224 = arith.divsi %add3A_222, %jit3A_223 : i32
    %sign3A_225 = arith.constant 0 : i32
    %sign3A_226 = arith.cmpi sgt, %add3A_222, %sign3A_225 : i32
    %sign3A_227 = arith.extui %sign3A_226 : i1 to i32
    %sign3A_228 = arith.constant 0 : i32
    %sign3A_229 = arith.cmpi slt, %add3A_222, %sign3A_228 : i32
    %sign3A_230 = arith.extui %sign3A_229 : i1 to i32
    %sign3A_231 = arith.subi %sign3A_227, %sign3A_230 : i32
    %sign3A_232 = arith.constant 0 : i32
    %sign3A_233 = arith.cmpi sgt, %jit3A_223, %sign3A_232 : i32
    %sign3A_234 = arith.extui %sign3A_233 : i1 to i32
    %sign3A_235 = arith.constant 0 : i32
    %sign3A_236 = arith.cmpi slt, %jit3A_223, %sign3A_235 : i32
    %sign3A_237 = arith.extui %sign3A_236 : i1 to i32
    %sign3A_238 = arith.subi %sign3A_234, %sign3A_237 : i32
    %ne3A_239 = arith.cmpi ne, %sign3A_231, %sign3A_238 : i32
    %rem3A_240 = arith.remsi %add3A_222, %jit3A_223 : i32
    %ne3A_241 = arith.constant 0 : i32
    %ne3A_242 = arith.cmpi ne, %rem3A_240, %ne3A_241 : i32
    %and3A_243 = arith.andi %ne3A_239, %ne3A_242 : i1
    %sub3A_244 = arith.constant 1 : i32
    %sub3A_245 = arith.subi %div3A_224, %sub3A_244 : i32
    %select_n3A_246 = arith.select %and3A_243, %sub3A_245, %div3A_224 : i32
    %mul3A_247 = arith.constant 8 : i32
    %mul3A_248 = arith.muli %select_n3A_246, %mul3A_247 : i32
    %sub3A_249 = arith.subi %add3A_222, %mul3A_248 : i32
    %mul3A_250 = arith.constant 31 : i32
    %mul3A_251 = arith.muli %mul3A_250, %sub3A_249 : i32
    %jit3A_252 = arith.constant 7 : i32
    %div3A_253 = arith.divsi %mul3A_251, %jit3A_252 : i32
    %sign3A_254 = arith.constant 0 : i32
    %sign3A_255 = arith.cmpi sgt, %mul3A_251, %sign3A_254 : i32
    %sign3A_256 = arith.extui %sign3A_255 : i1 to i32
    %sign3A_257 = arith.constant 0 : i32
    %sign3A_258 = arith.cmpi slt, %mul3A_251, %sign3A_257 : i32
    %sign3A_259 = arith.extui %sign3A_258 : i1 to i32
    %sign3A_260 = arith.subi %sign3A_256, %sign3A_259 : i32
    %sign3A_261 = arith.constant 0 : i32
    %sign3A_262 = arith.cmpi sgt, %jit3A_252, %sign3A_261 : i32
    %sign3A_263 = arith.extui %sign3A_262 : i1 to i32
    %sign3A_264 = arith.constant 0 : i32
    %sign3A_265 = arith.cmpi slt, %jit3A_252, %sign3A_264 : i32
    %sign3A_266 = arith.extui %sign3A_265 : i1 to i32
    %sign3A_267 = arith.subi %sign3A_263, %sign3A_266 : i32
    %ne3A_268 = arith.cmpi ne, %sign3A_260, %sign3A_267 : i32
    %rem3A_269 = arith.remsi %mul3A_251, %jit3A_252 : i32
    %ne3A_270 = arith.constant 0 : i32
    %ne3A_271 = arith.cmpi ne, %rem3A_269, %ne3A_270 : i32
    %and3A_272 = arith.andi %ne3A_268, %ne3A_271 : i1
    %sub3A_273 = arith.constant 1 : i32
    %sub3A_274 = arith.subi %div3A_253, %sub3A_273 : i32
    %select_n3A_275 = arith.select %and3A_272, %sub3A_274, %div3A_253 : i32
    %jit3A_276 = arith.constant 3 : i32
    %div3A_277 = arith.divsi %select_n3A_246, %jit3A_276 : i32
    %sign3A_278 = arith.constant 0 : i32
    %sign3A_279 = arith.cmpi sgt, %select_n3A_246, %sign3A_278 : i32
    %sign3A_280 = arith.extui %sign3A_279 : i1 to i32
    %sign3A_281 = arith.constant 0 : i32
    %sign3A_282 = arith.cmpi slt, %select_n3A_246, %sign3A_281 : i32
    %sign3A_283 = arith.extui %sign3A_282 : i1 to i32
    %sign3A_284 = arith.subi %sign3A_280, %sign3A_283 : i32
    %sign3A_285 = arith.constant 0 : i32
    %sign3A_286 = arith.cmpi sgt, %jit3A_276, %sign3A_285 : i32
    %sign3A_287 = arith.extui %sign3A_286 : i1 to i32
    %sign3A_288 = arith.constant 0 : i32
    %sign3A_289 = arith.cmpi slt, %jit3A_276, %sign3A_288 : i32
    %sign3A_290 = arith.extui %sign3A_289 : i1 to i32
    %sign3A_291 = arith.subi %sign3A_287, %sign3A_290 : i32
    %ne3A_292 = arith.cmpi ne, %sign3A_284, %sign3A_291 : i32
    %rem3A_293 = arith.remsi %select_n3A_246, %jit3A_276 : i32
    %ne3A_294 = arith.constant 0 : i32
    %ne3A_295 = arith.cmpi ne, %rem3A_293, %ne3A_294 : i32
    %and3A_296 = arith.andi %ne3A_292, %ne3A_295 : i1
    %sub3A_297 = arith.constant 1 : i32
    %sub3A_298 = arith.subi %div3A_277, %sub3A_297 : i32
    %select_n3A_299 = arith.select %and3A_296, %sub3A_298, %div3A_277 : i32
    %mul3A_300 = arith.constant 3 : i32
    %mul3A_301 = arith.muli %select_n3A_299, %mul3A_300 : i32
    %sub3A_302 = arith.subi %select_n3A_246, %mul3A_301 : i32
    %dma_start3A_303 = arith.constant 0 : i32
    %dma_start3A_304 = arith.constant 0 : i32
    %dma_start3A_305 = arith.constant 0 : i32
    %dma_start3A_306 = arith.constant 0 : i32
    %dma_start3A_307 = tpu.memref_slice %arg4[%dma_start3A_303, %dma_start3A_305, %dma_start3A_306] : memref<4x112x224xf32, #tpu.memory_space<vmem>> -> memref<1x112x224xf32, #tpu.memory_space<vmem>>
    %dma_start3A_308 = tpu.memref_squeeze %dma_start3A_307 : memref<1x112x224xf32, #tpu.memory_space<vmem>> -> memref<112x224xf32, #tpu.memory_space<vmem>>
    %dma_start3A_309 = arith.constant 0 : i32
    %dma_start3A_310 = arith.constant 0 : i32
    %dma_start3A_311 = tpu.memref_slice %arg3[%select_n3A_299, %sub3A_302, %sub3A_249, %dma_start3A_309, %dma_start3A_310] : memref<8x3x8x224x224xf32, #tpu.memory_space<hbm>> -> memref<1x1x1x112x224xf32, #tpu.memory_space<hbm>>
    %dma_start3A_312 = tpu.memref_squeeze %dma_start3A_311 : memref<1x1x1x112x224xf32, #tpu.memory_space<hbm>> -> memref<112x224xf32, #tpu.memory_space<hbm>>
    %dma_start3A_313 = tpu.memref_slice %arg6[%dma_start3A_304] : memref<4x!tpu.dma_semaphore, #tpu.memory_space<semaphore_mem>> -> memref<1x!tpu.dma_semaphore, #tpu.memory_space<semaphore_mem>>
    %dma_start3A_314 = tpu.memref_squeeze %dma_start3A_313 : memref<1x!tpu.dma_semaphore, #tpu.memory_space<semaphore_mem>> -> memref<!tpu.dma_semaphore, #tpu.memory_space<semaphore_mem>>
    %dma_start3A_315 = arith.constant 0 : i32
    %dma_start3A_316 = arith.constant 0 : i32
    %dma_start3A_317 = tpu.memref_slice %arg3[%select_n3A_299, %sub3A_302, %sub3A_249, %dma_start3A_315, %dma_start3A_316] : memref<8x3x8x224x224xf32, #tpu.memory_space<hbm>> -> memref<1x1x1x112x224xf32, #tpu.memory_space<hbm>>
    %dma_start3A_318 = tpu.memref_squeeze %dma_start3A_317 : memref<1x1x1x112x224xf32, #tpu.memory_space<hbm>> -> memref<112x224xf32, #tpu.memory_space<hbm>>
    %dma_start3A_319 = arith.constant 0 : i32
    %dma_start3A_320 = arith.constant 0 : i32
    %dma_start3A_321 = tpu.memref_slice %arg4[%dma_start3A_303, %dma_start3A_319, %dma_start3A_320] : memref<4x112x224xf32, #tpu.memory_space<vmem>> -> memref<1x112x224xf32, #tpu.memory_space<vmem>>
    %dma_start3A_322 = tpu.memref_squeeze %dma_start3A_321 : memref<1x112x224xf32, #tpu.memory_space<vmem>> -> memref<112x224xf32, #tpu.memory_space<vmem>>
    tpu.enqueue_dma source(%dma_start3A_322 : memref<112x224xf32, #tpu.memory_space<vmem>>) target(%dma_start3A_318 : memref<112x224xf32, #tpu.memory_space<hbm>>) target_semaphore(%dma_start3A_314 : memref<!tpu.dma_semaphore, #tpu.memory_space<semaphore_mem>>)
    %mul3A_323 = arith.constant 6 : i32
    %mul3A_324 = arith.muli %add3A, %mul3A_323 : i32
    %add3A_325 = arith.constant 1 : i32
    %add3A_326 = arith.addi %mul3A_324, %add3A_325 : i32
    %jit3A_327 = arith.constant 8 : i32
    %div3A_328 = arith.divsi %add3A_326, %jit3A_327 : i32
    %sign3A_329 = arith.constant 0 : i32
    %sign3A_330 = arith.cmpi sgt, %add3A_326, %sign3A_329 : i32
    %sign3A_331 = arith.extui %sign3A_330 : i1 to i32
    %sign3A_332 = arith.constant 0 : i32
    %sign3A_333 = arith.cmpi slt, %add3A_326, %sign3A_332 : i32
    %sign3A_334 = arith.extui %sign3A_333 : i1 to i32
    %sign3A_335 = arith.subi %sign3A_331, %sign3A_334 : i32
    %sign3A_336 = arith.constant 0 : i32
    %sign3A_337 = arith.cmpi sgt, %jit3A_327, %sign3A_336 : i32
    %sign3A_338 = arith.extui %sign3A_337 : i1 to i32
    %sign3A_339 = arith.constant 0 : i32
    %sign3A_340 = arith.cmpi slt, %jit3A_327, %sign3A_339 : i32
    %sign3A_341 = arith.extui %sign3A_340 : i1 to i32
    %sign3A_342 = arith.subi %sign3A_338, %sign3A_341 : i32
    %ne3A_343 = arith.cmpi ne, %sign3A_335, %sign3A_342 : i32
    %rem3A_344 = arith.remsi %add3A_326, %jit3A_327 : i32
    %ne3A_345 = arith.constant 0 : i32
    %ne3A_346 = arith.cmpi ne, %rem3A_344, %ne3A_345 : i32
    %and3A_347 = arith.andi %ne3A_343, %ne3A_346 : i1
    %sub3A_348 = arith.constant 1 : i32
    %sub3A_349 = arith.subi %div3A_328, %sub3A_348 : i32
    %select_n3A_350 = arith.select %and3A_347, %sub3A_349, %div3A_328 : i32
    %mul3A_351 = arith.constant 8 : i32
    %mul3A_352 = arith.muli %select_n3A_350, %mul3A_351 : i32
    %sub3A_353 = arith.subi %add3A_326, %mul3A_352 : i32
    %mul3A_354 = arith.constant 31 : i32
    %mul3A_355 = arith.muli %mul3A_354, %sub3A_353 : i32
    %jit3A_356 = arith.constant 7 : i32
    %div3A_357 = arith.divsi %mul3A_355, %jit3A_356 : i32
    %sign3A_358 = arith.constant 0 : i32
    %sign3A_359 = arith.cmpi sgt, %mul3A_355, %sign3A_358 : i32
    %sign3A_360 = arith.extui %sign3A_359 : i1 to i32
    %sign3A_361 = arith.constant 0 : i32
    %sign3A_362 = arith.cmpi slt, %mul3A_355, %sign3A_361 : i32
    %sign3A_363 = arith.extui %sign3A_362 : i1 to i32
    %sign3A_364 = arith.subi %sign3A_360, %sign3A_363 : i32
    %sign3A_365 = arith.constant 0 : i32
    %sign3A_366 = arith.cmpi sgt, %jit3A_356, %sign3A_365 : i32
    %sign3A_367 = arith.extui %sign3A_366 : i1 to i32
    %sign3A_368 = arith.constant 0 : i32
    %sign3A_369 = arith.cmpi slt, %jit3A_356, %sign3A_368 : i32
    %sign3A_370 = arith.extui %sign3A_369 : i1 to i32
    %sign3A_371 = arith.subi %sign3A_367, %sign3A_370 : i32
    %ne3A_372 = arith.cmpi ne, %sign3A_364, %sign3A_371 : i32
    %rem3A_373 = arith.remsi %mul3A_355, %jit3A_356 : i32
    %ne3A_374 = arith.constant 0 : i32
    %ne3A_375 = arith.cmpi ne, %rem3A_373, %ne3A_374 : i32
    %and3A_376 = arith.andi %ne3A_372, %ne3A_375 : i1
    %sub3A_377 = arith.constant 1 : i32
    %sub3A_378 = arith.subi %div3A_357, %sub3A_377 : i32
    %select_n3A_379 = arith.select %and3A_376, %sub3A_378, %div3A_357 : i32
    %jit3A_380 = arith.constant 3 : i32
    %div3A_381 = arith.divsi %select_n3A_350, %jit3A_380 : i32
    %sign3A_382 = arith.constant 0 : i32
    %sign3A_383 = arith.cmpi sgt, %select_n3A_350, %sign3A_382 : i32
    %sign3A_384 = arith.extui %sign3A_383 : i1 to i32
    %sign3A_385 = arith.constant 0 : i32
    %sign3A_386 = arith.cmpi slt, %select_n3A_350, %sign3A_385 : i32
    %sign3A_387 = arith.extui %sign3A_386 : i1 to i32
    %sign3A_388 = arith.subi %sign3A_384, %sign3A_387 : i32
    %sign3A_389 = arith.constant 0 : i32
    %sign3A_390 = arith.cmpi sgt, %jit3A_380, %sign3A_389 : i32
    %sign3A_391 = arith.extui %sign3A_390 : i1 to i32
    %sign3A_392 = arith.constant 0 : i32
    %sign3A_393 = arith.cmpi slt, %jit3A_380, %sign3A_392 : i32
    %sign3A_394 = arith.extui %sign3A_393 : i1 to i32
    %sign3A_395 = arith.subi %sign3A_391, %sign3A_394 : i32
    %ne3A_396 = arith.cmpi ne, %sign3A_388, %sign3A_395 : i32
    %rem3A_397 = arith.remsi %select_n3A_350, %jit3A_380 : i32
    %ne3A_398 = arith.constant 0 : i32
    %ne3A_399 = arith.cmpi ne, %rem3A_397, %ne3A_398 : i32
    %and3A_400 = arith.andi %ne3A_396, %ne3A_399 : i1
    %sub3A_401 = arith.constant 1 : i32
    %sub3A_402 = arith.subi %div3A_381, %sub3A_401 : i32
    %select_n3A_403 = arith.select %and3A_400, %sub3A_402, %div3A_381 : i32
    %mul3A_404 = arith.constant 3 : i32
    %mul3A_405 = arith.muli %select_n3A_403, %mul3A_404 : i32
    %sub3A_406 = arith.subi %select_n3A_350, %mul3A_405 : i32
    %dma_start3A_407 = arith.constant 2 : i32
    %dma_start3A_408 = arith.constant 2 : i32
    %dma_start3A_409 = arith.constant 0 : i32
    %dma_start3A_410 = arith.constant 0 : i32
    %dma_start3A_411 = tpu.memref_slice %arg4[%dma_start3A_407, %dma_start3A_409, %dma_start3A_410] : memref<4x112x224xf32, #tpu.memory_space<vmem>> -> memref<1x112x224xf32, #tpu.memory_space<vmem>>
    %dma_start3A_412 = tpu.memref_squeeze %dma_start3A_411 : memref<1x112x224xf32, #tpu.memory_space<vmem>> -> memref<112x224xf32, #tpu.memory_space<vmem>>
    %dma_start3A_413 = arith.constant 0 : i32
    %dma_start3A_414 = arith.constant 0 : i32
    %dma_start3A_415 = tpu.memref_slice %arg2[%select_n3A_403, %sub3A_406, %select_n3A_379, %dma_start3A_413, %dma_start3A_414] : memref<8x3x32x224x224xf32, #tpu.memory_space<hbm>> -> memref<1x1x1x112x224xf32, #tpu.memory_space<hbm>>
    %dma_start3A_416 = tpu.memref_squeeze %dma_start3A_415 : memref<1x1x1x112x224xf32, #tpu.memory_space<hbm>> -> memref<112x224xf32, #tpu.memory_space<hbm>>
    %dma_start3A_417 = tpu.memref_slice %arg5[%dma_start3A_408] : memref<4x!tpu.dma_semaphore, #tpu.memory_space<semaphore_mem>> -> memref<1x!tpu.dma_semaphore, #tpu.memory_space<semaphore_mem>>
    %dma_start3A_418 = tpu.memref_squeeze %dma_start3A_417 : memref<1x!tpu.dma_semaphore, #tpu.memory_space<semaphore_mem>> -> memref<!tpu.dma_semaphore, #tpu.memory_space<semaphore_mem>>
    %dma_start3A_419 = arith.constant 0 : i32
    %dma_start3A_420 = arith.constant 0 : i32
    %dma_start3A_421 = tpu.memref_slice %arg4[%dma_start3A_407, %dma_start3A_419, %dma_start3A_420] : memref<4x112x224xf32, #tpu.memory_space<vmem>> -> memref<1x112x224xf32, #tpu.memory_space<vmem>>
    %dma_start3A_422 = tpu.memref_squeeze %dma_start3A_421 : memref<1x112x224xf32, #tpu.memory_space<vmem>> -> memref<112x224xf32, #tpu.memory_space<vmem>>
    %dma_start3A_423 = arith.constant 0 : i32
    %dma_start3A_424 = arith.constant 0 : i32
    %dma_start3A_425 = tpu.memref_slice %arg2[%select_n3A_403, %sub3A_406, %select_n3A_379, %dma_start3A_423, %dma_start3A_424] : memref<8x3x32x224x224xf32, #tpu.memory_space<hbm>> -> memref<1x1x1x112x224xf32, #tpu.memory_space<hbm>>
    %dma_start3A_426 = tpu.memref_squeeze %dma_start3A_425 : memref<1x1x1x112x224xf32, #tpu.memory_space<hbm>> -> memref<112x224xf32, #tpu.memory_space<hbm>>
    tpu.enqueue_dma source(%dma_start3A_426 : memref<112x224xf32, #tpu.memory_space<hbm>>) target(%dma_start3A_422 : memref<112x224xf32, #tpu.memory_space<vmem>>) target_semaphore(%dma_start3A_418 : memref<!tpu.dma_semaphore, #tpu.memory_space<semaphore_mem>>)
    %dma_wait3A_427 = arith.constant 1 : i32
    %dma_wait3A_428 = arith.constant 1 : i32
    %dma_wait3A_429 = arith.constant 0 : i32
    %dma_wait3A_430 = arith.constant 0 : i32
    %dma_wait3A_431 = tpu.memref_slice %arg4[%dma_wait3A_427, %dma_wait3A_429, %dma_wait3A_430] : memref<4x112x224xf32, #tpu.memory_space<vmem>> -> memref<1x112x224xf32, #tpu.memory_space<vmem>>
    %dma_wait3A_432 = tpu.memref_squeeze %dma_wait3A_431 : memref<1x112x224xf32, #tpu.memory_space<vmem>> -> memref<112x224xf32, #tpu.memory_space<vmem>>
    %dma_wait3A_433 = arith.constant 112 : i32
    %dma_wait3A_434 = arith.constant 0 : i32
    %dma_wait3A_435 = tpu.memref_slice %arg2[%select_n3A_176, %sub3A_179, %select_n3A_152, %dma_wait3A_433, %dma_wait3A_434] : memref<8x3x32x224x224xf32, #tpu.memory_space<hbm>> -> memref<1x1x1x112x224xf32, #tpu.memory_space<hbm>>
    %dma_wait3A_436 = tpu.memref_squeeze %dma_wait3A_435 : memref<1x1x1x112x224xf32, #tpu.memory_space<hbm>> -> memref<112x224xf32, #tpu.memory_space<hbm>>
    %dma_wait3A_437 = tpu.memref_slice %arg5[%dma_wait3A_428] : memref<4x!tpu.dma_semaphore, #tpu.memory_space<semaphore_mem>> -> memref<1x!tpu.dma_semaphore, #tpu.memory_space<semaphore_mem>>
    %dma_wait3A_438 = tpu.memref_squeeze %dma_wait3A_437 : memref<1x!tpu.dma_semaphore, #tpu.memory_space<semaphore_mem>> -> memref<!tpu.dma_semaphore, #tpu.memory_space<semaphore_mem>>
    %dma_wait3A_439 = arith.constant 0 : i32
    %dma_wait3A_440 = arith.constant 0 : i32
    %dma_wait3A_441 = tpu.memref_slice %arg4[%dma_wait3A_427, %dma_wait3A_439, %dma_wait3A_440] : memref<4x112x224xf32, #tpu.memory_space<vmem>> -> memref<1x112x224xf32, #tpu.memory_space<vmem>>
    %dma_wait3A_442 = tpu.memref_squeeze %dma_wait3A_441 : memref<1x112x224xf32, #tpu.memory_space<vmem>> -> memref<112x224xf32, #tpu.memory_space<vmem>>
    %dma_wait3A_443 = arith.constant 112 : i32
    %dma_wait3A_444 = arith.constant 0 : i32
    %dma_wait3A_445 = tpu.memref_slice %arg2[%select_n3A_176, %sub3A_179, %select_n3A_152, %dma_wait3A_443, %dma_wait3A_444] : memref<8x3x32x224x224xf32, #tpu.memory_space<hbm>> -> memref<1x1x1x112x224xf32, #tpu.memory_space<hbm>>
    %dma_wait3A_446 = tpu.memref_squeeze %dma_wait3A_445 : memref<1x1x1x112x224xf32, #tpu.memory_space<hbm>> -> memref<112x224xf32, #tpu.memory_space<hbm>>
    tpu.wait_dma2 semaphore(%dma_wait3A_438 : memref<!tpu.dma_semaphore, #tpu.memory_space<semaphore_mem>>) src(%dma_wait3A_446 : memref<112x224xf32, #tpu.memory_space<hbm>>) dst(%dma_wait3A_442 : memref<112x224xf32, #tpu.memory_space<vmem>>)
    %mul3A_447 = arith.constant 6 : i32
    %mul3A_448 = arith.muli %add3A, %mul3A_447 : i32
    %add3A_449 = arith.constant 0 : i32
    %add3A_450 = arith.addi %mul3A_448, %add3A_449 : i32
    %jit3A_451 = arith.constant 8 : i32
    %div3A_452 = arith.divsi %add3A_450, %jit3A_451 : i32
    %sign3A_453 = arith.constant 0 : i32
    %sign3A_454 = arith.cmpi sgt, %add3A_450, %sign3A_453 : i32
    %sign3A_455 = arith.extui %sign3A_454 : i1 to i32
    %sign3A_456 = arith.constant 0 : i32
    %sign3A_457 = arith.cmpi slt, %add3A_450, %sign3A_456 : i32
    %sign3A_458 = arith.extui %sign3A_457 : i1 to i32
    %sign3A_459 = arith.subi %sign3A_455, %sign3A_458 : i32
    %sign3A_460 = arith.constant 0 : i32
    %sign3A_461 = arith.cmpi sgt, %jit3A_451, %sign3A_460 : i32
    %sign3A_462 = arith.extui %sign3A_461 : i1 to i32
    %sign3A_463 = arith.constant 0 : i32
    %sign3A_464 = arith.cmpi slt, %jit3A_451, %sign3A_463 : i32
    %sign3A_465 = arith.extui %sign3A_464 : i1 to i32
    %sign3A_466 = arith.subi %sign3A_462, %sign3A_465 : i32
    %ne3A_467 = arith.cmpi ne, %sign3A_459, %sign3A_466 : i32
    %rem3A_468 = arith.remsi %add3A_450, %jit3A_451 : i32
    %ne3A_469 = arith.constant 0 : i32
    %ne3A_470 = arith.cmpi ne, %rem3A_468, %ne3A_469 : i32
    %and3A_471 = arith.andi %ne3A_467, %ne3A_470 : i1
    %sub3A_472 = arith.constant 1 : i32
    %sub3A_473 = arith.subi %div3A_452, %sub3A_472 : i32
    %select_n3A_474 = arith.select %and3A_471, %sub3A_473, %div3A_452 : i32
    %mul3A_475 = arith.constant 8 : i32
    %mul3A_476 = arith.muli %select_n3A_474, %mul3A_475 : i32
    %sub3A_477 = arith.subi %add3A_450, %mul3A_476 : i32
    %mul3A_478 = arith.constant 31 : i32
    %mul3A_479 = arith.muli %mul3A_478, %sub3A_477 : i32
    %jit3A_480 = arith.constant 7 : i32
    %div3A_481 = arith.divsi %mul3A_479, %jit3A_480 : i32
    %sign3A_482 = arith.constant 0 : i32
    %sign3A_483 = arith.cmpi sgt, %mul3A_479, %sign3A_482 : i32
    %sign3A_484 = arith.extui %sign3A_483 : i1 to i32
    %sign3A_485 = arith.constant 0 : i32
    %sign3A_486 = arith.cmpi slt, %mul3A_479, %sign3A_485 : i32
    %sign3A_487 = arith.extui %sign3A_486 : i1 to i32
    %sign3A_488 = arith.subi %sign3A_484, %sign3A_487 : i32
    %sign3A_489 = arith.constant 0 : i32
    %sign3A_490 = arith.cmpi sgt, %jit3A_480, %sign3A_489 : i32
    %sign3A_491 = arith.extui %sign3A_490 : i1 to i32
    %sign3A_492 = arith.constant 0 : i32
    %sign3A_493 = arith.cmpi slt, %jit3A_480, %sign3A_492 : i32
    %sign3A_494 = arith.extui %sign3A_493 : i1 to i32
    %sign3A_495 = arith.subi %sign3A_491, %sign3A_494 : i32
    %ne3A_496 = arith.cmpi ne, %sign3A_488, %sign3A_495 : i32
    %rem3A_497 = arith.remsi %mul3A_479, %jit3A_480 : i32
    %ne3A_498 = arith.constant 0 : i32
    %ne3A_499 = arith.cmpi ne, %rem3A_497, %ne3A_498 : i32
    %and3A_500 = arith.andi %ne3A_496, %ne3A_499 : i1
    %sub3A_501 = arith.constant 1 : i32
    %sub3A_502 = arith.subi %div3A_481, %sub3A_501 : i32
    %select_n3A_503 = arith.select %and3A_500, %sub3A_502, %div3A_481 : i32
    %jit3A_504 = arith.constant 3 : i32
    %div3A_505 = arith.divsi %select_n3A_474, %jit3A_504 : i32
    %sign3A_506 = arith.constant 0 : i32
    %sign3A_507 = arith.cmpi sgt, %select_n3A_474, %sign3A_506 : i32
    %sign3A_508 = arith.extui %sign3A_507 : i1 to i32
    %sign3A_509 = arith.constant 0 : i32
    %sign3A_510 = arith.cmpi slt, %select_n3A_474, %sign3A_509 : i32
    %sign3A_511 = arith.extui %sign3A_510 : i1 to i32
    %sign3A_512 = arith.subi %sign3A_508, %sign3A_511 : i32
    %sign3A_513 = arith.constant 0 : i32
    %sign3A_514 = arith.cmpi sgt, %jit3A_504, %sign3A_513 : i32
    %sign3A_515 = arith.extui %sign3A_514 : i1 to i32
    %sign3A_516 = arith.constant 0 : i32
    %sign3A_517 = arith.cmpi slt, %jit3A_504, %sign3A_516 : i32
    %sign3A_518 = arith.extui %sign3A_517 : i1 to i32
    %sign3A_519 = arith.subi %sign3A_515, %sign3A_518 : i32
    %ne3A_520 = arith.cmpi ne, %sign3A_512, %sign3A_519 : i32
    %rem3A_521 = arith.remsi %select_n3A_474, %jit3A_504 : i32
    %ne3A_522 = arith.constant 0 : i32
    %ne3A_523 = arith.cmpi ne, %rem3A_521, %ne3A_522 : i32
    %and3A_524 = arith.andi %ne3A_520, %ne3A_523 : i1
    %sub3A_525 = arith.constant 1 : i32
    %sub3A_526 = arith.subi %div3A_505, %sub3A_525 : i32
    %select_n3A_527 = arith.select %and3A_524, %sub3A_526, %div3A_505 : i32
    %mul3A_528 = arith.constant 3 : i32
    %mul3A_529 = arith.muli %select_n3A_527, %mul3A_528 : i32
    %sub3A_530 = arith.subi %select_n3A_474, %mul3A_529 : i32
    %dma_start3A_531 = arith.constant 1 : i32
    %dma_start3A_532 = arith.constant 1 : i32
    %dma_start3A_533 = arith.constant 0 : i32
    %dma_start3A_534 = arith.constant 0 : i32
    %dma_start3A_535 = tpu.memref_slice %arg4[%dma_start3A_531, %dma_start3A_533, %dma_start3A_534] : memref<4x112x224xf32, #tpu.memory_space<vmem>> -> memref<1x112x224xf32, #tpu.memory_space<vmem>>
    %dma_start3A_536 = tpu.memref_squeeze %dma_start3A_535 : memref<1x112x224xf32, #tpu.memory_space<vmem>> -> memref<112x224xf32, #tpu.memory_space<vmem>>
    %dma_start3A_537 = arith.constant 112 : i32
    %dma_start3A_538 = arith.constant 0 : i32
    %dma_start3A_539 = tpu.memref_slice %arg3[%select_n3A_527, %sub3A_530, %sub3A_477, %dma_start3A_537, %dma_start3A_538] : memref<8x3x8x224x224xf32, #tpu.memory_space<hbm>> -> memref<1x1x1x112x224xf32, #tpu.memory_space<hbm>>
    %dma_start3A_540 = tpu.memref_squeeze %dma_start3A_539 : memref<1x1x1x112x224xf32, #tpu.memory_space<hbm>> -> memref<112x224xf32, #tpu.memory_space<hbm>>
    %dma_start3A_541 = tpu.memref_slice %arg6[%dma_start3A_532] : memref<4x!tpu.dma_semaphore, #tpu.memory_space<semaphore_mem>> -> memref<1x!tpu.dma_semaphore, #tpu.memory_space<semaphore_mem>>
    %dma_start3A_542 = tpu.memref_squeeze %dma_start3A_541 : memref<1x!tpu.dma_semaphore, #tpu.memory_space<semaphore_mem>> -> memref<!tpu.dma_semaphore, #tpu.memory_space<semaphore_mem>>
    %dma_start3A_543 = arith.constant 112 : i32
    %dma_start3A_544 = arith.constant 0 : i32
    %dma_start3A_545 = tpu.memref_slice %arg3[%select_n3A_527, %sub3A_530, %sub3A_477, %dma_start3A_543, %dma_start3A_544] : memref<8x3x8x224x224xf32, #tpu.memory_space<hbm>> -> memref<1x1x1x112x224xf32, #tpu.memory_space<hbm>>
    %dma_start3A_546 = tpu.memref_squeeze %dma_start3A_545 : memref<1x1x1x112x224xf32, #tpu.memory_space<hbm>> -> memref<112x224xf32, #tpu.memory_space<hbm>>
    %dma_start3A_547 = arith.constant 0 : i32
    %dma_start3A_548 = arith.constant 0 : i32
    %dma_start3A_549 = tpu.memref_slice %arg4[%dma_start3A_531, %dma_start3A_547, %dma_start3A_548] : memref<4x112x224xf32, #tpu.memory_space<vmem>> -> memref<1x112x224xf32, #tpu.memory_space<vmem>>
    %dma_start3A_550 = tpu.memref_squeeze %dma_start3A_549 : memref<1x112x224xf32, #tpu.memory_space<vmem>> -> memref<112x224xf32, #tpu.memory_space<vmem>>
    tpu.enqueue_dma source(%dma_start3A_550 : memref<112x224xf32, #tpu.memory_space<vmem>>) target(%dma_start3A_546 : memref<112x224xf32, #tpu.memory_space<hbm>>) target_semaphore(%dma_start3A_542 : memref<!tpu.dma_semaphore, #tpu.memory_space<semaphore_mem>>)
    %mul3A_551 = arith.constant 6 : i32
    %mul3A_552 = arith.muli %add3A, %mul3A_551 : i32
    %add3A_553 = arith.constant 1 : i32
    %add3A_554 = arith.addi %mul3A_552, %add3A_553 : i32
    %jit3A_555 = arith.constant 8 : i32
    %div3A_556 = arith.divsi %add3A_554, %jit3A_555 : i32
    %sign3A_557 = arith.constant 0 : i32
    %sign3A_558 = arith.cmpi sgt, %add3A_554, %sign3A_557 : i32
    %sign3A_559 = arith.extui %sign3A_558 : i1 to i32
    %sign3A_560 = arith.constant 0 : i32
    %sign3A_561 = arith.cmpi slt, %add3A_554, %sign3A_560 : i32
    %sign3A_562 = arith.extui %sign3A_561 : i1 to i32
    %sign3A_563 = arith.subi %sign3A_559, %sign3A_562 : i32
    %sign3A_564 = arith.constant 0 : i32
    %sign3A_565 = arith.cmpi sgt, %jit3A_555, %sign3A_564 : i32
    %sign3A_566 = arith.extui %sign3A_565 : i1 to i32
    %sign3A_567 = arith.constant 0 : i32
    %sign3A_568 = arith.cmpi slt, %jit3A_555, %sign3A_567 : i32
    %sign3A_569 = arith.extui %sign3A_568 : i1 to i32
    %sign3A_570 = arith.subi %sign3A_566, %sign3A_569 : i32
    %ne3A_571 = arith.cmpi ne, %sign3A_563, %sign3A_570 : i32
    %rem3A_572 = arith.remsi %add3A_554, %jit3A_555 : i32
    %ne3A_573 = arith.constant 0 : i32
    %ne3A_574 = arith.cmpi ne, %rem3A_572, %ne3A_573 : i32
    %and3A_575 = arith.andi %ne3A_571, %ne3A_574 : i1
    %sub3A_576 = arith.constant 1 : i32
    %sub3A_577 = arith.subi %div3A_556, %sub3A_576 : i32
    %select_n3A_578 = arith.select %and3A_575, %sub3A_577, %div3A_556 : i32
    %mul3A_579 = arith.constant 8 : i32
    %mul3A_580 = arith.muli %select_n3A_578, %mul3A_579 : i32
    %sub3A_581 = arith.subi %add3A_554, %mul3A_580 : i32
    %mul3A_582 = arith.constant 31 : i32
    %mul3A_583 = arith.muli %mul3A_582, %sub3A_581 : i32
    %jit3A_584 = arith.constant 7 : i32
    %div3A_585 = arith.divsi %mul3A_583, %jit3A_584 : i32
    %sign3A_586 = arith.constant 0 : i32
    %sign3A_587 = arith.cmpi sgt, %mul3A_583, %sign3A_586 : i32
    %sign3A_588 = arith.extui %sign3A_587 : i1 to i32
    %sign3A_589 = arith.constant 0 : i32
    %sign3A_590 = arith.cmpi slt, %mul3A_583, %sign3A_589 : i32
    %sign3A_591 = arith.extui %sign3A_590 : i1 to i32
    %sign3A_592 = arith.subi %sign3A_588, %sign3A_591 : i32
    %sign3A_593 = arith.constant 0 : i32
    %sign3A_594 = arith.cmpi sgt, %jit3A_584, %sign3A_593 : i32
    %sign3A_595 = arith.extui %sign3A_594 : i1 to i32
    %sign3A_596 = arith.constant 0 : i32
    %sign3A_597 = arith.cmpi slt, %jit3A_584, %sign3A_596 : i32
    %sign3A_598 = arith.extui %sign3A_597 : i1 to i32
    %sign3A_599 = arith.subi %sign3A_595, %sign3A_598 : i32
    %ne3A_600 = arith.cmpi ne, %sign3A_592, %sign3A_599 : i32
    %rem3A_601 = arith.remsi %mul3A_583, %jit3A_584 : i32
    %ne3A_602 = arith.constant 0 : i32
    %ne3A_603 = arith.cmpi ne, %rem3A_601, %ne3A_602 : i32
    %and3A_604 = arith.andi %ne3A_600, %ne3A_603 : i1
    %sub3A_605 = arith.constant 1 : i32
    %sub3A_606 = arith.subi %div3A_585, %sub3A_605 : i32
    %select_n3A_607 = arith.select %and3A_604, %sub3A_606, %div3A_585 : i32
    %jit3A_608 = arith.constant 3 : i32
    %div3A_609 = arith.divsi %select_n3A_578, %jit3A_608 : i32
    %sign3A_610 = arith.constant 0 : i32
    %sign3A_611 = arith.cmpi sgt, %select_n3A_578, %sign3A_610 : i32
    %sign3A_612 = arith.extui %sign3A_611 : i1 to i32
    %sign3A_613 = arith.constant 0 : i32
    %sign3A_614 = arith.cmpi slt, %select_n3A_578, %sign3A_613 : i32
    %sign3A_615 = arith.extui %sign3A_614 : i1 to i32
    %sign3A_616 = arith.subi %sign3A_612, %sign3A_615 : i32
    %sign3A_617 = arith.constant 0 : i32
    %sign3A_618 = arith.cmpi sgt, %jit3A_608, %sign3A_617 : i32
    %sign3A_619 = arith.extui %sign3A_618 : i1 to i32
    %sign3A_620 = arith.constant 0 : i32
    %sign3A_621 = arith.cmpi slt, %jit3A_608, %sign3A_620 : i32
    %sign3A_622 = arith.extui %sign3A_621 : i1 to i32
    %sign3A_623 = arith.subi %sign3A_619, %sign3A_622 : i32
    %ne3A_624 = arith.cmpi ne, %sign3A_616, %sign3A_623 : i32
    %rem3A_625 = arith.remsi %select_n3A_578, %jit3A_608 : i32
    %ne3A_626 = arith.constant 0 : i32
    %ne3A_627 = arith.cmpi ne, %rem3A_625, %ne3A_626 : i32
    %and3A_628 = arith.andi %ne3A_624, %ne3A_627 : i1
    %sub3A_629 = arith.constant 1 : i32
    %sub3A_630 = arith.subi %div3A_609, %sub3A_629 : i32
    %select_n3A_631 = arith.select %and3A_628, %sub3A_630, %div3A_609 : i32
    %mul3A_632 = arith.constant 3 : i32
    %mul3A_633 = arith.muli %select_n3A_631, %mul3A_632 : i32
    %sub3A_634 = arith.subi %select_n3A_578, %mul3A_633 : i32
    %dma_start3A_635 = arith.constant 3 : i32
    %dma_start3A_636 = arith.constant 3 : i32
    %dma_start3A_637 = arith.constant 0 : i32
    %dma_start3A_638 = arith.constant 0 : i32
    %dma_start3A_639 = tpu.memref_slice %arg4[%dma_start3A_635, %dma_start3A_637, %dma_start3A_638] : memref<4x112x224xf32, #tpu.memory_space<vmem>> -> memref<1x112x224xf32, #tpu.memory_space<vmem>>
    %dma_start3A_640 = tpu.memref_squeeze %dma_start3A_639 : memref<1x112x224xf32, #tpu.memory_space<vmem>> -> memref<112x224xf32, #tpu.memory_space<vmem>>
    %dma_start3A_641 = arith.constant 112 : i32
    %dma_start3A_642 = arith.constant 0 : i32
    %dma_start3A_643 = tpu.memref_slice %arg2[%select_n3A_631, %sub3A_634, %select_n3A_607, %dma_start3A_641, %dma_start3A_642] : memref<8x3x32x224x224xf32, #tpu.memory_space<hbm>> -> memref<1x1x1x112x224xf32, #tpu.memory_space<hbm>>
    %dma_start3A_644 = tpu.memref_squeeze %dma_start3A_643 : memref<1x1x1x112x224xf32, #tpu.memory_space<hbm>> -> memref<112x224xf32, #tpu.memory_space<hbm>>
    %dma_start3A_645 = tpu.memref_slice %arg5[%dma_start3A_636] : memref<4x!tpu.dma_semaphore, #tpu.memory_space<semaphore_mem>> -> memref<1x!tpu.dma_semaphore, #tpu.memory_space<semaphore_mem>>
    %dma_start3A_646 = tpu.memref_squeeze %dma_start3A_645 : memref<1x!tpu.dma_semaphore, #tpu.memory_space<semaphore_mem>> -> memref<!tpu.dma_semaphore, #tpu.memory_space<semaphore_mem>>
    %dma_start3A_647 = arith.constant 0 : i32
    %dma_start3A_648 = arith.constant 0 : i32
    %dma_start3A_649 = tpu.memref_slice %arg4[%dma_start3A_635, %dma_start3A_647, %dma_start3A_648] : memref<4x112x224xf32, #tpu.memory_space<vmem>> -> memref<1x112x224xf32, #tpu.memory_space<vmem>>
    %dma_start3A_650 = tpu.memref_squeeze %dma_start3A_649 : memref<1x112x224xf32, #tpu.memory_space<vmem>> -> memref<112x224xf32, #tpu.memory_space<vmem>>
    %dma_start3A_651 = arith.constant 112 : i32
    %dma_start3A_652 = arith.constant 0 : i32
    %dma_start3A_653 = tpu.memref_slice %arg2[%select_n3A_631, %sub3A_634, %select_n3A_607, %dma_start3A_651, %dma_start3A_652] : memref<8x3x32x224x224xf32, #tpu.memory_space<hbm>> -> memref<1x1x1x112x224xf32, #tpu.memory_space<hbm>>
    %dma_start3A_654 = tpu.memref_squeeze %dma_start3A_653 : memref<1x1x1x112x224xf32, #tpu.memory_space<hbm>> -> memref<112x224xf32, #tpu.memory_space<hbm>>
    tpu.enqueue_dma source(%dma_start3A_654 : memref<112x224xf32, #tpu.memory_space<hbm>>) target(%dma_start3A_650 : memref<112x224xf32, #tpu.memory_space<vmem>>) target_semaphore(%dma_start3A_646 : memref<!tpu.dma_semaphore, #tpu.memory_space<semaphore_mem>>)
    %dma_wait3A_655 = arith.constant 2 : i32
    %dma_wait3A_656 = arith.constant 2 : i32
    %dma_wait3A_657 = arith.constant 0 : i32
    %dma_wait3A_658 = arith.constant 0 : i32
    %dma_wait3A_659 = tpu.memref_slice %arg4[%dma_wait3A_655, %dma_wait3A_657, %dma_wait3A_658] : memref<4x112x224xf32, #tpu.memory_space<vmem>> -> memref<1x112x224xf32, #tpu.memory_space<vmem>>
    %dma_wait3A_660 = tpu.memref_squeeze %dma_wait3A_659 : memref<1x112x224xf32, #tpu.memory_space<vmem>> -> memref<112x224xf32, #tpu.memory_space<vmem>>
    %dma_wait3A_661 = arith.constant 0 : i32
    %dma_wait3A_662 = arith.constant 0 : i32
    %dma_wait3A_663 = tpu.memref_slice %arg2[%select_n3A_403, %sub3A_406, %select_n3A_379, %dma_wait3A_661, %dma_wait3A_662] : memref<8x3x32x224x224xf32, #tpu.memory_space<hbm>> -> memref<1x1x1x112x224xf32, #tpu.memory_space<hbm>>
    %dma_wait3A_664 = tpu.memref_squeeze %dma_wait3A_663 : memref<1x1x1x112x224xf32, #tpu.memory_space<hbm>> -> memref<112x224xf32, #tpu.memory_space<hbm>>
    %dma_wait3A_665 = tpu.memref_slice %arg5[%dma_wait3A_656] : memref<4x!tpu.dma_semaphore, #tpu.memory_space<semaphore_mem>> -> memref<1x!tpu.dma_semaphore, #tpu.memory_space<semaphore_mem>>
    %dma_wait3A_666 = tpu.memref_squeeze %dma_wait3A_665 : memref<1x!tpu.dma_semaphore, #tpu.memory_space<semaphore_mem>> -> memref<!tpu.dma_semaphore, #tpu.memory_space<semaphore_mem>>
    %dma_wait3A_667 = arith.constant 0 : i32
    %dma_wait3A_668 = arith.constant 0 : i32
    %dma_wait3A_669 = tpu.memref_slice %arg4[%dma_wait3A_655, %dma_wait3A_667, %dma_wait3A_668] : memref<4x112x224xf32, #tpu.memory_space<vmem>> -> memref<1x112x224xf32, #tpu.memory_space<vmem>>
    %dma_wait3A_670 = tpu.memref_squeeze %dma_wait3A_669 : memref<1x112x224xf32, #tpu.memory_space<vmem>> -> memref<112x224xf32, #tpu.memory_space<vmem>>
    %dma_wait3A_671 = arith.constant 0 : i32
    %dma_wait3A_672 = arith.constant 0 : i32
    %dma_wait3A_673 = tpu.memref_slice %arg2[%select_n3A_403, %sub3A_406, %select_n3A_379, %dma_wait3A_671, %dma_wait3A_672] : memref<8x3x32x224x224xf32, #tpu.memory_space<hbm>> -> memref<1x1x1x112x224xf32, #tpu.memory_space<hbm>>
    %dma_wait3A_674 = tpu.memref_squeeze %dma_wait3A_673 : memref<1x1x1x112x224xf32, #tpu.memory_space<hbm>> -> memref<112x224xf32, #tpu.memory_space<hbm>>
    tpu.wait_dma2 semaphore(%dma_wait3A_666 : memref<!tpu.dma_semaphore, #tpu.memory_space<semaphore_mem>>) src(%dma_wait3A_674 : memref<112x224xf32, #tpu.memory_space<hbm>>) dst(%dma_wait3A_670 : memref<112x224xf32, #tpu.memory_space<vmem>>)
    %mul3A_675 = arith.constant 6 : i32
    %mul3A_676 = arith.muli %add3A, %mul3A_675 : i32
    %add3A_677 = arith.constant 1 : i32
    %add3A_678 = arith.addi %mul3A_676, %add3A_677 : i32
    %jit3A_679 = arith.constant 8 : i32
    %div3A_680 = arith.divsi %add3A_678, %jit3A_679 : i32
    %sign3A_681 = arith.constant 0 : i32
    %sign3A_682 = arith.cmpi sgt, %add3A_678, %sign3A_681 : i32
    %sign3A_683 = arith.extui %sign3A_682 : i1 to i32
    %sign3A_684 = arith.constant 0 : i32
    %sign3A_685 = arith.cmpi slt, %add3A_678, %sign3A_684 : i32
    %sign3A_686 = arith.extui %sign3A_685 : i1 to i32
    %sign3A_687 = arith.subi %sign3A_683, %sign3A_686 : i32
    %sign3A_688 = arith.constant 0 : i32
    %sign3A_689 = arith.cmpi sgt, %jit3A_679, %sign3A_688 : i32
    %sign3A_690 = arith.extui %sign3A_689 : i1 to i32
    %sign3A_691 = arith.constant 0 : i32
    %sign3A_692 = arith.cmpi slt, %jit3A_679, %sign3A_691 : i32
    %sign3A_693 = arith.extui %sign3A_692 : i1 to i32
    %sign3A_694 = arith.subi %sign3A_690, %sign3A_693 : i32
    %ne3A_695 = arith.cmpi ne, %sign3A_687, %sign3A_694 : i32
    %rem3A_696 = arith.remsi %add3A_678, %jit3A_679 : i32
    %ne3A_697 = arith.constant 0 : i32
    %ne3A_698 = arith.cmpi ne, %rem3A_696, %ne3A_697 : i32
    %and3A_699 = arith.andi %ne3A_695, %ne3A_698 : i1
    %sub3A_700 = arith.constant 1 : i32
    %sub3A_701 = arith.subi %div3A_680, %sub3A_700 : i32
    %select_n3A_702 = arith.select %and3A_699, %sub3A_701, %div3A_680 : i32
    %mul3A_703 = arith.constant 8 : i32
    %mul3A_704 = arith.muli %select_n3A_702, %mul3A_703 : i32
    %sub3A_705 = arith.subi %add3A_678, %mul3A_704 : i32
    %mul3A_706 = arith.constant 31 : i32
    %mul3A_707 = arith.muli %mul3A_706, %sub3A_705 : i32
    %jit3A_708 = arith.constant 7 : i32
    %div3A_709 = arith.divsi %mul3A_707, %jit3A_708 : i32
    %sign3A_710 = arith.constant 0 : i32
    %sign3A_711 = arith.cmpi sgt, %mul3A_707, %sign3A_710 : i32
    %sign3A_712 = arith.extui %sign3A_711 : i1 to i32
    %sign3A_713 = arith.constant 0 : i32
    %sign3A_714 = arith.cmpi slt, %mul3A_707, %sign3A_713 : i32
    %sign3A_715 = arith.extui %sign3A_714 : i1 to i32
    %sign3A_716 = arith.subi %sign3A_712, %sign3A_715 : i32
    %sign3A_717 = arith.constant 0 : i32
    %sign3A_718 = arith.cmpi sgt, %jit3A_708, %sign3A_717 : i32
    %sign3A_719 = arith.extui %sign3A_718 : i1 to i32
    %sign3A_720 = arith.constant 0 : i32
    %sign3A_721 = arith.cmpi slt, %jit3A_708, %sign3A_720 : i32
    %sign3A_722 = arith.extui %sign3A_721 : i1 to i32
    %sign3A_723 = arith.subi %sign3A_719, %sign3A_722 : i32
    %ne3A_724 = arith.cmpi ne, %sign3A_716, %sign3A_723 : i32
    %rem3A_725 = arith.remsi %mul3A_707, %jit3A_708 : i32
    %ne3A_726 = arith.constant 0 : i32
    %ne3A_727 = arith.cmpi ne, %rem3A_725, %ne3A_726 : i32
    %and3A_728 = arith.andi %ne3A_724, %ne3A_727 : i1
    %sub3A_729 = arith.constant 1 : i32
    %sub3A_730 = arith.subi %div3A_709, %sub3A_729 : i32
    %select_n3A_731 = arith.select %and3A_728, %sub3A_730, %div3A_709 : i32
    %jit3A_732 = arith.constant 3 : i32
    %div3A_733 = arith.divsi %select_n3A_702, %jit3A_732 : i32
    %sign3A_734 = arith.constant 0 : i32
    %sign3A_735 = arith.cmpi sgt, %select_n3A_702, %sign3A_734 : i32
    %sign3A_736 = arith.extui %sign3A_735 : i1 to i32
    %sign3A_737 = arith.constant 0 : i32
    %sign3A_738 = arith.cmpi slt, %select_n3A_702, %sign3A_737 : i32
    %sign3A_739 = arith.extui %sign3A_738 : i1 to i32
    %sign3A_740 = arith.subi %sign3A_736, %sign3A_739 : i32
    %sign3A_741 = arith.constant 0 : i32
    %sign3A_742 = arith.cmpi sgt, %jit3A_732, %sign3A_741 : i32
    %sign3A_743 = arith.extui %sign3A_742 : i1 to i32
    %sign3A_744 = arith.constant 0 : i32
    %sign3A_745 = arith.cmpi slt, %jit3A_732, %sign3A_744 : i32
    %sign3A_746 = arith.extui %sign3A_745 : i1 to i32
    %sign3A_747 = arith.subi %sign3A_743, %sign3A_746 : i32
    %ne3A_748 = arith.cmpi ne, %sign3A_740, %sign3A_747 : i32
    %rem3A_749 = arith.remsi %select_n3A_702, %jit3A_732 : i32
    %ne3A_750 = arith.constant 0 : i32
    %ne3A_751 = arith.cmpi ne, %rem3A_749, %ne3A_750 : i32
    %and3A_752 = arith.andi %ne3A_748, %ne3A_751 : i1
    %sub3A_753 = arith.constant 1 : i32
    %sub3A_754 = arith.subi %div3A_733, %sub3A_753 : i32
    %select_n3A_755 = arith.select %and3A_752, %sub3A_754, %div3A_733 : i32
    %mul3A_756 = arith.constant 3 : i32
    %mul3A_757 = arith.muli %select_n3A_755, %mul3A_756 : i32
    %sub3A_758 = arith.subi %select_n3A_702, %mul3A_757 : i32
    %dma_start3A_759 = arith.constant 2 : i32
    %dma_start3A_760 = arith.constant 2 : i32
    %dma_start3A_761 = arith.constant 0 : i32
    %dma_start3A_762 = arith.constant 0 : i32
    %dma_start3A_763 = tpu.memref_slice %arg4[%dma_start3A_759, %dma_start3A_761, %dma_start3A_762] : memref<4x112x224xf32, #tpu.memory_space<vmem>> -> memref<1x112x224xf32, #tpu.memory_space<vmem>>
    %dma_start3A_764 = tpu.memref_squeeze %dma_start3A_763 : memref<1x112x224xf32, #tpu.memory_space<vmem>> -> memref<112x224xf32, #tpu.memory_space<vmem>>
    %dma_start3A_765 = arith.constant 0 : i32
    %dma_start3A_766 = arith.constant 0 : i32
    %dma_start3A_767 = tpu.memref_slice %arg3[%select_n3A_755, %sub3A_758, %sub3A_705, %dma_start3A_765, %dma_start3A_766] : memref<8x3x8x224x224xf32, #tpu.memory_space<hbm>> -> memref<1x1x1x112x224xf32, #tpu.memory_space<hbm>>
    %dma_start3A_768 = tpu.memref_squeeze %dma_start3A_767 : memref<1x1x1x112x224xf32, #tpu.memory_space<hbm>> -> memref<112x224xf32, #tpu.memory_space<hbm>>
    %dma_start3A_769 = tpu.memref_slice %arg6[%dma_start3A_760] : memref<4x!tpu.dma_semaphore, #tpu.memory_space<semaphore_mem>> -> memref<1x!tpu.dma_semaphore, #tpu.memory_space<semaphore_mem>>
    %dma_start3A_770 = tpu.memref_squeeze %dma_start3A_769 : memref<1x!tpu.dma_semaphore, #tpu.memory_space<semaphore_mem>> -> memref<!tpu.dma_semaphore, #tpu.memory_space<semaphore_mem>>
    %dma_start3A_771 = arith.constant 0 : i32
    %dma_start3A_772 = arith.constant 0 : i32
    %dma_start3A_773 = tpu.memref_slice %arg3[%select_n3A_755, %sub3A_758, %sub3A_705, %dma_start3A_771, %dma_start3A_772] : memref<8x3x8x224x224xf32, #tpu.memory_space<hbm>> -> memref<1x1x1x112x224xf32, #tpu.memory_space<hbm>>
    %dma_start3A_774 = tpu.memref_squeeze %dma_start3A_773 : memref<1x1x1x112x224xf32, #tpu.memory_space<hbm>> -> memref<112x224xf32, #tpu.memory_space<hbm>>
    %dma_start3A_775 = arith.constant 0 : i32
    %dma_start3A_776 = arith.constant 0 : i32
    %dma_start3A_777 = tpu.memref_slice %arg4[%dma_start3A_759, %dma_start3A_775, %dma_start3A_776] : memref<4x112x224xf32, #tpu.memory_space<vmem>> -> memref<1x112x224xf32, #tpu.memory_space<vmem>>
    %dma_start3A_778 = tpu.memref_squeeze %dma_start3A_777 : memref<1x112x224xf32, #tpu.memory_space<vmem>> -> memref<112x224xf32, #tpu.memory_space<vmem>>
    tpu.enqueue_dma source(%dma_start3A_778 : memref<112x224xf32, #tpu.memory_space<vmem>>) target(%dma_start3A_774 : memref<112x224xf32, #tpu.memory_space<hbm>>) target_semaphore(%dma_start3A_770 : memref<!tpu.dma_semaphore, #tpu.memory_space<semaphore_mem>>)
    %dma_wait3A_779 = arith.constant 0 : i32
    %dma_wait3A_780 = arith.constant 0 : i32
    %dma_wait3A_781 = arith.constant 0 : i32
    %dma_wait3A_782 = arith.constant 0 : i32
    %dma_wait3A_783 = tpu.memref_slice %arg4[%dma_wait3A_779, %dma_wait3A_781, %dma_wait3A_782] : memref<4x112x224xf32, #tpu.memory_space<vmem>> -> memref<1x112x224xf32, #tpu.memory_space<vmem>>
    %dma_wait3A_784 = tpu.memref_squeeze %dma_wait3A_783 : memref<1x112x224xf32, #tpu.memory_space<vmem>> -> memref<112x224xf32, #tpu.memory_space<vmem>>
    %dma_wait3A_785 = arith.constant 0 : i32
    %dma_wait3A_786 = arith.constant 0 : i32
    %dma_wait3A_787 = tpu.memref_slice %arg3[%select_n3A_299, %sub3A_302, %sub3A_249, %dma_wait3A_785, %dma_wait3A_786] : memref<8x3x8x224x224xf32, #tpu.memory_space<hbm>> -> memref<1x1x1x112x224xf32, #tpu.memory_space<hbm>>
    %dma_wait3A_788 = tpu.memref_squeeze %dma_wait3A_787 : memref<1x1x1x112x224xf32, #tpu.memory_space<hbm>> -> memref<112x224xf32, #tpu.memory_space<hbm>>
    %dma_wait3A_789 = tpu.memref_slice %arg6[%dma_wait3A_780] : memref<4x!tpu.dma_semaphore, #tpu.memory_space<semaphore_mem>> -> memref<1x!tpu.dma_semaphore, #tpu.memory_space<semaphore_mem>>
    %dma_wait3A_790 = tpu.memref_squeeze %dma_wait3A_789 : memref<1x!tpu.dma_semaphore, #tpu.memory_space<semaphore_mem>> -> memref<!tpu.dma_semaphore, #tpu.memory_space<semaphore_mem>>
    %dma_wait3A_791 = arith.constant 0 : i32
    %dma_wait3A_792 = arith.constant 0 : i32
    %dma_wait3A_793 = tpu.memref_slice %arg3[%select_n3A_299, %sub3A_302, %sub3A_249, %dma_wait3A_791, %dma_wait3A_792] : memref<8x3x8x224x224xf32, #tpu.memory_space<hbm>> -> memref<1x1x1x112x224xf32, #tpu.memory_space<hbm>>
    %dma_wait3A_794 = tpu.memref_squeeze %dma_wait3A_793 : memref<1x1x1x112x224xf32, #tpu.memory_space<hbm>> -> memref<112x224xf32, #tpu.memory_space<hbm>>
    %dma_wait3A_795 = arith.constant 0 : i32
    %dma_wait3A_796 = arith.constant 0 : i32
    %dma_wait3A_797 = tpu.memref_slice %arg4[%dma_wait3A_779, %dma_wait3A_795, %dma_wait3A_796] : memref<4x112x224xf32, #tpu.memory_space<vmem>> -> memref<1x112x224xf32, #tpu.memory_space<vmem>>
    %dma_wait3A_798 = tpu.memref_squeeze %dma_wait3A_797 : memref<1x112x224xf32, #tpu.memory_space<vmem>> -> memref<112x224xf32, #tpu.memory_space<vmem>>
    tpu.wait_dma2 semaphore(%dma_wait3A_790 : memref<!tpu.dma_semaphore, #tpu.memory_space<semaphore_mem>>) src(%dma_wait3A_798 : memref<112x224xf32, #tpu.memory_space<vmem>>) dst(%dma_wait3A_794 : memref<112x224xf32, #tpu.memory_space<hbm>>)
    %mul3A_799 = arith.constant 6 : i32
    %mul3A_800 = arith.muli %add3A, %mul3A_799 : i32
    %add3A_801 = arith.constant 2 : i32
    %add3A_802 = arith.addi %mul3A_800, %add3A_801 : i32
    %jit3A_803 = arith.constant 8 : i32
    %div3A_804 = arith.divsi %add3A_802, %jit3A_803 : i32
    %sign3A_805 = arith.constant 0 : i32
    %sign3A_806 = arith.cmpi sgt, %add3A_802, %sign3A_805 : i32
    %sign3A_807 = arith.extui %sign3A_806 : i1 to i32
    %sign3A_808 = arith.constant 0 : i32
    %sign3A_809 = arith.cmpi slt, %add3A_802, %sign3A_808 : i32
    %sign3A_810 = arith.extui %sign3A_809 : i1 to i32
    %sign3A_811 = arith.subi %sign3A_807, %sign3A_810 : i32
    %sign3A_812 = arith.constant 0 : i32
    %sign3A_813 = arith.cmpi sgt, %jit3A_803, %sign3A_812 : i32
    %sign3A_814 = arith.extui %sign3A_813 : i1 to i32
    %sign3A_815 = arith.constant 0 : i32
    %sign3A_816 = arith.cmpi slt, %jit3A_803, %sign3A_815 : i32
    %sign3A_817 = arith.extui %sign3A_816 : i1 to i32
    %sign3A_818 = arith.subi %sign3A_814, %sign3A_817 : i32
    %ne3A_819 = arith.cmpi ne, %sign3A_811, %sign3A_818 : i32
    %rem3A_820 = arith.remsi %add3A_802, %jit3A_803 : i32
    %ne3A_821 = arith.constant 0 : i32
    %ne3A_822 = arith.cmpi ne, %rem3A_820, %ne3A_821 : i32
    %and3A_823 = arith.andi %ne3A_819, %ne3A_822 : i1
    %sub3A_824 = arith.constant 1 : i32
    %sub3A_825 = arith.subi %div3A_804, %sub3A_824 : i32
    %select_n3A_826 = arith.select %and3A_823, %sub3A_825, %div3A_804 : i32
    %mul3A_827 = arith.constant 8 : i32
    %mul3A_828 = arith.muli %select_n3A_826, %mul3A_827 : i32
    %sub3A_829 = arith.subi %add3A_802, %mul3A_828 : i32
    %mul3A_830 = arith.constant 31 : i32
    %mul3A_831 = arith.muli %mul3A_830, %sub3A_829 : i32
    %jit3A_832 = arith.constant 7 : i32
    %div3A_833 = arith.divsi %mul3A_831, %jit3A_832 : i32
    %sign3A_834 = arith.constant 0 : i32
    %sign3A_835 = arith.cmpi sgt, %mul3A_831, %sign3A_834 : i32
    %sign3A_836 = arith.extui %sign3A_835 : i1 to i32
    %sign3A_837 = arith.constant 0 : i32
    %sign3A_838 = arith.cmpi slt, %mul3A_831, %sign3A_837 : i32
    %sign3A_839 = arith.extui %sign3A_838 : i1 to i32
    %sign3A_840 = arith.subi %sign3A_836, %sign3A_839 : i32
    %sign3A_841 = arith.constant 0 : i32
    %sign3A_842 = arith.cmpi sgt, %jit3A_832, %sign3A_841 : i32
    %sign3A_843 = arith.extui %sign3A_842 : i1 to i32
    %sign3A_844 = arith.constant 0 : i32
    %sign3A_845 = arith.cmpi slt, %jit3A_832, %sign3A_844 : i32
    %sign3A_846 = arith.extui %sign3A_845 : i1 to i32
    %sign3A_847 = arith.subi %sign3A_843, %sign3A_846 : i32
    %ne3A_848 = arith.cmpi ne, %sign3A_840, %sign3A_847 : i32
    %rem3A_849 = arith.remsi %mul3A_831, %jit3A_832 : i32
    %ne3A_850 = arith.constant 0 : i32
    %ne3A_851 = arith.cmpi ne, %rem3A_849, %ne3A_850 : i32
    %and3A_852 = arith.andi %ne3A_848, %ne3A_851 : i1
    %sub3A_853 = arith.constant 1 : i32
    %sub3A_854 = arith.subi %div3A_833, %sub3A_853 : i32
    %select_n3A_855 = arith.select %and3A_852, %sub3A_854, %div3A_833 : i32
    %jit3A_856 = arith.constant 3 : i32
    %div3A_857 = arith.divsi %select_n3A_826, %jit3A_856 : i32
    %sign3A_858 = arith.constant 0 : i32
    %sign3A_859 = arith.cmpi sgt, %select_n3A_826, %sign3A_858 : i32
    %sign3A_860 = arith.extui %sign3A_859 : i1 to i32
    %sign3A_861 = arith.constant 0 : i32
    %sign3A_862 = arith.cmpi slt, %select_n3A_826, %sign3A_861 : i32
    %sign3A_863 = arith.extui %sign3A_862 : i1 to i32
    %sign3A_864 = arith.subi %sign3A_860, %sign3A_863 : i32
    %sign3A_865 = arith.constant 0 : i32
    %sign3A_866 = arith.cmpi sgt, %jit3A_856, %sign3A_865 : i32
    %sign3A_867 = arith.extui %sign3A_866 : i1 to i32
    %sign3A_868 = arith.constant 0 : i32
    %sign3A_869 = arith.cmpi slt, %jit3A_856, %sign3A_868 : i32
    %sign3A_870 = arith.extui %sign3A_869 : i1 to i32
    %sign3A_871 = arith.subi %sign3A_867, %sign3A_870 : i32
    %ne3A_872 = arith.cmpi ne, %sign3A_864, %sign3A_871 : i32
    %rem3A_873 = arith.remsi %select_n3A_826, %jit3A_856 : i32
    %ne3A_874 = arith.constant 0 : i32
    %ne3A_875 = arith.cmpi ne, %rem3A_873, %ne3A_874 : i32
    %and3A_876 = arith.andi %ne3A_872, %ne3A_875 : i1
    %sub3A_877 = arith.constant 1 : i32
    %sub3A_878 = arith.subi %div3A_857, %sub3A_877 : i32
    %select_n3A_879 = arith.select %and3A_876, %sub3A_878, %div3A_857 : i32
    %mul3A_880 = arith.constant 3 : i32
    %mul3A_881 = arith.muli %select_n3A_879, %mul3A_880 : i32
    %sub3A_882 = arith.subi %select_n3A_826, %mul3A_881 : i32
    %dma_start3A_883 = arith.constant 0 : i32
    %dma_start3A_884 = arith.constant 0 : i32
    %dma_start3A_885 = arith.constant 0 : i32
    %dma_start3A_886 = arith.constant 0 : i32
    %dma_start3A_887 = tpu.memref_slice %arg4[%dma_start3A_883, %dma_start3A_885, %dma_start3A_886] : memref<4x112x224xf32, #tpu.memory_space<vmem>> -> memref<1x112x224xf32, #tpu.memory_space<vmem>>
    %dma_start3A_888 = tpu.memref_squeeze %dma_start3A_887 : memref<1x112x224xf32, #tpu.memory_space<vmem>> -> memref<112x224xf32, #tpu.memory_space<vmem>>
    %dma_start3A_889 = arith.constant 0 : i32
    %dma_start3A_890 = arith.constant 0 : i32
    %dma_start3A_891 = tpu.memref_slice %arg2[%select_n3A_879, %sub3A_882, %select_n3A_855, %dma_start3A_889, %dma_start3A_890] : memref<8x3x32x224x224xf32, #tpu.memory_space<hbm>> -> memref<1x1x1x112x224xf32, #tpu.memory_space<hbm>>
    %dma_start3A_892 = tpu.memref_squeeze %dma_start3A_891 : memref<1x1x1x112x224xf32, #tpu.memory_space<hbm>> -> memref<112x224xf32, #tpu.memory_space<hbm>>
    %dma_start3A_893 = tpu.memref_slice %arg5[%dma_start3A_884] : memref<4x!tpu.dma_semaphore, #tpu.memory_space<semaphore_mem>> -> memref<1x!tpu.dma_semaphore, #tpu.memory_space<semaphore_mem>>
    %dma_start3A_894 = tpu.memref_squeeze %dma_start3A_893 : memref<1x!tpu.dma_semaphore, #tpu.memory_space<semaphore_mem>> -> memref<!tpu.dma_semaphore, #tpu.memory_space<semaphore_mem>>
    %dma_start3A_895 = arith.constant 0 : i32
    %dma_start3A_896 = arith.constant 0 : i32
    %dma_start3A_897 = tpu.memref_slice %arg4[%dma_start3A_883, %dma_start3A_895, %dma_start3A_896] : memref<4x112x224xf32, #tpu.memory_space<vmem>> -> memref<1x112x224xf32, #tpu.memory_space<vmem>>
    %dma_start3A_898 = tpu.memref_squeeze %dma_start3A_897 : memref<1x112x224xf32, #tpu.memory_space<vmem>> -> memref<112x224xf32, #tpu.memory_space<vmem>>
    %dma_start3A_899 = arith.constant 0 : i32
    %dma_start3A_900 = arith.constant 0 : i32
    %dma_start3A_901 = tpu.memref_slice %arg2[%select_n3A_879, %sub3A_882, %select_n3A_855, %dma_start3A_899, %dma_start3A_900] : memref<8x3x32x224x224xf32, #tpu.memory_space<hbm>> -> memref<1x1x1x112x224xf32, #tpu.memory_space<hbm>>
    %dma_start3A_902 = tpu.memref_squeeze %dma_start3A_901 : memref<1x1x1x112x224xf32, #tpu.memory_space<hbm>> -> memref<112x224xf32, #tpu.memory_space<hbm>>
    tpu.enqueue_dma source(%dma_start3A_902 : memref<112x224xf32, #tpu.memory_space<hbm>>) target(%dma_start3A_898 : memref<112x224xf32, #tpu.memory_space<vmem>>) target_semaphore(%dma_start3A_894 : memref<!tpu.dma_semaphore, #tpu.memory_space<semaphore_mem>>)
    %dma_wait3A_903 = arith.constant 3 : i32
    %dma_wait3A_904 = arith.constant 3 : i32
    %dma_wait3A_905 = arith.constant 0 : i32
    %dma_wait3A_906 = arith.constant 0 : i32
    %dma_wait3A_907 = tpu.memref_slice %arg4[%dma_wait3A_903, %dma_wait3A_905, %dma_wait3A_906] : memref<4x112x224xf32, #tpu.memory_space<vmem>> -> memref<1x112x224xf32, #tpu.memory_space<vmem>>
    %dma_wait3A_908 = tpu.memref_squeeze %dma_wait3A_907 : memref<1x112x224xf32, #tpu.memory_space<vmem>> -> memref<112x224xf32, #tpu.memory_space<vmem>>
    %dma_wait3A_909 = arith.constant 112 : i32
    %dma_wait3A_910 = arith.constant 0 : i32
    %dma_wait3A_911 = tpu.memref_slice %arg2[%select_n3A_631, %sub3A_634, %select_n3A_607, %dma_wait3A_909, %dma_wait3A_910] : memref<8x3x32x224x224xf32, #tpu.memory_space<hbm>> -> memref<1x1x1x112x224xf32, #tpu.memory_space<hbm>>
    %dma_wait3A_912 = tpu.memref_squeeze %dma_wait3A_911 : memref<1x1x1x112x224xf32, #tpu.memory_space<hbm>> -> memref<112x224xf32, #tpu.memory_space<hbm>>
    %dma_wait3A_913 = tpu.memref_slice %arg5[%dma_wait3A_904] : memref<4x!tpu.dma_semaphore, #tpu.memory_space<semaphore_mem>> -> memref<1x!tpu.dma_semaphore, #tpu.memory_space<semaphore_mem>>
    %dma_wait3A_914 = tpu.memref_squeeze %dma_wait3A_913 : memref<1x!tpu.dma_semaphore, #tpu.memory_space<semaphore_mem>> -> memref<!tpu.dma_semaphore, #tpu.memory_space<semaphore_mem>>
    %dma_wait3A_915 = arith.constant 0 : i32
    %dma_wait3A_916 = arith.constant 0 : i32
    %dma_wait3A_917 = tpu.memref_slice %arg4[%dma_wait3A_903, %dma_wait3A_915, %dma_wait3A_916] : memref<4x112x224xf32, #tpu.memory_space<vmem>> -> memref<1x112x224xf32, #tpu.memory_space<vmem>>
    %dma_wait3A_918 = tpu.memref_squeeze %dma_wait3A_917 : memref<1x112x224xf32, #tpu.memory_space<vmem>> -> memref<112x224xf32, #tpu.memory_space<vmem>>
    %dma_wait3A_919 = arith.constant 112 : i32
    %dma_wait3A_920 = arith.constant 0 : i32
    %dma_wait3A_921 = tpu.memref_slice %arg2[%select_n3A_631, %sub3A_634, %select_n3A_607, %dma_wait3A_919, %dma_wait3A_920] : memref<8x3x32x224x224xf32, #tpu.memory_space<hbm>> -> memref<1x1x1x112x224xf32, #tpu.memory_space<hbm>>
    %dma_wait3A_922 = tpu.memref_squeeze %dma_wait3A_921 : memref<1x1x1x112x224xf32, #tpu.memory_space<hbm>> -> memref<112x224xf32, #tpu.memory_space<hbm>>
    tpu.wait_dma2 semaphore(%dma_wait3A_914 : memref<!tpu.dma_semaphore, #tpu.memory_space<semaphore_mem>>) src(%dma_wait3A_922 : memref<112x224xf32, #tpu.memory_space<hbm>>) dst(%dma_wait3A_918 : memref<112x224xf32, #tpu.memory_space<vmem>>)
    %mul3A_923 = arith.constant 6 : i32
    %mul3A_924 = arith.muli %add3A, %mul3A_923 : i32
    %add3A_925 = arith.constant 1 : i32
    %add3A_926 = arith.addi %mul3A_924, %add3A_925 : i32
    %jit3A_927 = arith.constant 8 : i32
    %div3A_928 = arith.divsi %add3A_926, %jit3A_927 : i32
    %sign3A_929 = arith.constant 0 : i32
    %sign3A_930 = arith.cmpi sgt, %add3A_926, %sign3A_929 : i32
    %sign3A_931 = arith.extui %sign3A_930 : i1 to i32
    %sign3A_932 = arith.constant 0 : i32
    %sign3A_933 = arith.cmpi slt, %add3A_926, %sign3A_932 : i32
    %sign3A_934 = arith.extui %sign3A_933 : i1 to i32
    %sign3A_935 = arith.subi %sign3A_931, %sign3A_934 : i32
    %sign3A_936 = arith.constant 0 : i32
    %sign3A_937 = arith.cmpi sgt, %jit3A_927, %sign3A_936 : i32
    %sign3A_938 = arith.extui %sign3A_937 : i1 to i32
    %sign3A_939 = arith.constant 0 : i32
    %sign3A_940 = arith.cmpi slt, %jit3A_927, %sign3A_939 : i32
    %sign3A_941 = arith.extui %sign3A_940 : i1 to i32
    %sign3A_942 = arith.subi %sign3A_938, %sign3A_941 : i32
    %ne3A_943 = arith.cmpi ne, %sign3A_935, %sign3A_942 : i32
    %rem3A_944 = arith.remsi %add3A_926, %jit3A_927 : i32
    %ne3A_945 = arith.constant 0 : i32
    %ne3A_946 = arith.cmpi ne, %rem3A_944, %ne3A_945 : i32
    %and3A_947 = arith.andi %ne3A_943, %ne3A_946 : i1
    %sub3A_948 = arith.constant 1 : i32
    %sub3A_949 = arith.subi %div3A_928, %sub3A_948 : i32
    %select_n3A_950 = arith.select %and3A_947, %sub3A_949, %div3A_928 : i32
    %mul3A_951 = arith.constant 8 : i32
    %mul3A_952 = arith.muli %select_n3A_950, %mul3A_951 : i32
    %sub3A_953 = arith.subi %add3A_926, %mul3A_952 : i32
    %mul3A_954 = arith.constant 31 : i32
    %mul3A_955 = arith.muli %mul3A_954, %sub3A_953 : i32
    %jit3A_956 = arith.constant 7 : i32
    %div3A_957 = arith.divsi %mul3A_955, %jit3A_956 : i32
    %sign3A_958 = arith.constant 0 : i32
    %sign3A_959 = arith.cmpi sgt, %mul3A_955, %sign3A_958 : i32
    %sign3A_960 = arith.extui %sign3A_959 : i1 to i32
    %sign3A_961 = arith.constant 0 : i32
    %sign3A_962 = arith.cmpi slt, %mul3A_955, %sign3A_961 : i32
    %sign3A_963 = arith.extui %sign3A_962 : i1 to i32
    %sign3A_964 = arith.subi %sign3A_960, %sign3A_963 : i32
    %sign3A_965 = arith.constant 0 : i32
    %sign3A_966 = arith.cmpi sgt, %jit3A_956, %sign3A_965 : i32
    %sign3A_967 = arith.extui %sign3A_966 : i1 to i32
    %sign3A_968 = arith.constant 0 : i32
    %sign3A_969 = arith.cmpi slt, %jit3A_956, %sign3A_968 : i32
    %sign3A_970 = arith.extui %sign3A_969 : i1 to i32
    %sign3A_971 = arith.subi %sign3A_967, %sign3A_970 : i32
    %ne3A_972 = arith.cmpi ne, %sign3A_964, %sign3A_971 : i32
    %rem3A_973 = arith.remsi %mul3A_955, %jit3A_956 : i32
    %ne3A_974 = arith.constant 0 : i32
    %ne3A_975 = arith.cmpi ne, %rem3A_973, %ne3A_974 : i32
    %and3A_976 = arith.andi %ne3A_972, %ne3A_975 : i1
    %sub3A_977 = arith.constant 1 : i32
    %sub3A_978 = arith.subi %div3A_957, %sub3A_977 : i32
    %select_n3A_979 = arith.select %and3A_976, %sub3A_978, %div3A_957 : i32
    %jit3A_980 = arith.constant 3 : i32
    %div3A_981 = arith.divsi %select_n3A_950, %jit3A_980 : i32
    %sign3A_982 = arith.constant 0 : i32
    %sign3A_983 = arith.cmpi sgt, %select_n3A_950, %sign3A_982 : i32
    %sign3A_984 = arith.extui %sign3A_983 : i1 to i32
    %sign3A_985 = arith.constant 0 : i32
    %sign3A_986 = arith.cmpi slt, %select_n3A_950, %sign3A_985 : i32
    %sign3A_987 = arith.extui %sign3A_986 : i1 to i32
    %sign3A_988 = arith.subi %sign3A_984, %sign3A_987 : i32
    %sign3A_989 = arith.constant 0 : i32
    %sign3A_990 = arith.cmpi sgt, %jit3A_980, %sign3A_989 : i32
    %sign3A_991 = arith.extui %sign3A_990 : i1 to i32
    %sign3A_992 = arith.constant 0 : i32
    %sign3A_993 = arith.cmpi slt, %jit3A_980, %sign3A_992 : i32
    %sign3A_994 = arith.extui %sign3A_993 : i1 to i32
    %sign3A_995 = arith.subi %sign3A_991, %sign3A_994 : i32
    %ne3A_996 = arith.cmpi ne, %sign3A_988, %sign3A_995 : i32
    %rem3A_997 = arith.remsi %select_n3A_950, %jit3A_980 : i32
    %ne3A_998 = arith.constant 0 : i32
    %ne3A_999 = arith.cmpi ne, %rem3A_997, %ne3A_998 : i32
    %and3A_1000 = arith.andi %ne3A_996, %ne3A_999 : i1
    %sub3A_1001 = arith.constant 1 : i32
    %sub3A_1002 = arith.subi %div3A_981, %sub3A_1001 : i32
    %select_n3A_1003 = arith.select %and3A_1000, %sub3A_1002, %div3A_981 : i32
    %mul3A_1004 = arith.constant 3 : i32
    %mul3A_1005 = arith.muli %select_n3A_1003, %mul3A_1004 : i32
    %sub3A_1006 = arith.subi %select_n3A_950, %mul3A_1005 : i32
    %dma_start3A_1007 = arith.constant 3 : i32
    %dma_start3A_1008 = arith.constant 3 : i32
    %dma_start3A_1009 = arith.constant 0 : i32
    %dma_start3A_1010 = arith.constant 0 : i32
    %dma_start3A_1011 = tpu.memref_slice %arg4[%dma_start3A_1007, %dma_start3A_1009, %dma_start3A_1010] : memref<4x112x224xf32, #tpu.memory_space<vmem>> -> memref<1x112x224xf32, #tpu.memory_space<vmem>>
    %dma_start3A_1012 = tpu.memref_squeeze %dma_start3A_1011 : memref<1x112x224xf32, #tpu.memory_space<vmem>> -> memref<112x224xf32, #tpu.memory_space<vmem>>
    %dma_start3A_1013 = arith.constant 112 : i32
    %dma_start3A_1014 = arith.constant 0 : i32
    %dma_start3A_1015 = tpu.memref_slice %arg3[%select_n3A_1003, %sub3A_1006, %sub3A_953, %dma_start3A_1013, %dma_start3A_1014] : memref<8x3x8x224x224xf32, #tpu.memory_space<hbm>> -> memref<1x1x1x112x224xf32, #tpu.memory_space<hbm>>
    %dma_start3A_1016 = tpu.memref_squeeze %dma_start3A_1015 : memref<1x1x1x112x224xf32, #tpu.memory_space<hbm>> -> memref<112x224xf32, #tpu.memory_space<hbm>>
    %dma_start3A_1017 = tpu.memref_slice %arg6[%dma_start3A_1008] : memref<4x!tpu.dma_semaphore, #tpu.memory_space<semaphore_mem>> -> memref<1x!tpu.dma_semaphore, #tpu.memory_space<semaphore_mem>>
    %dma_start3A_1018 = tpu.memref_squeeze %dma_start3A_1017 : memref<1x!tpu.dma_semaphore, #tpu.memory_space<semaphore_mem>> -> memref<!tpu.dma_semaphore, #tpu.memory_space<semaphore_mem>>
    %dma_start3A_1019 = arith.constant 112 : i32
    %dma_start3A_1020 = arith.constant 0 : i32
    %dma_start3A_1021 = tpu.memref_slice %arg3[%select_n3A_1003, %sub3A_1006, %sub3A_953, %dma_start3A_1019, %dma_start3A_1020] : memref<8x3x8x224x224xf32, #tpu.memory_space<hbm>> -> memref<1x1x1x112x224xf32, #tpu.memory_space<hbm>>
    %dma_start3A_1022 = tpu.memref_squeeze %dma_start3A_1021 : memref<1x1x1x112x224xf32, #tpu.memory_space<hbm>> -> memref<112x224xf32, #tpu.memory_space<hbm>>
    %dma_start3A_1023 = arith.constant 0 : i32
    %dma_start3A_1024 = arith.constant 0 : i32
    %dma_start3A_1025 = tpu.memref_slice %arg4[%dma_start3A_1007, %dma_start3A_1023, %dma_start3A_1024] : memref<4x112x224xf32, #tpu.memory_space<vmem>> -> memref<1x112x224xf32, #tpu.memory_space<vmem>>
    %dma_start3A_1026 = tpu.memref_squeeze %dma_start3A_1025 : memref<1x112x224xf32, #tpu.memory_space<vmem>> -> memref<112x224xf32, #tpu.memory_space<vmem>>
    tpu.enqueue_dma source(%dma_start3A_1026 : memref<112x224xf32, #tpu.memory_space<vmem>>) target(%dma_start3A_1022 : memref<112x224xf32, #tpu.memory_space<hbm>>) target_semaphore(%dma_start3A_1018 : memref<!tpu.dma_semaphore, #tpu.memory_space<semaphore_mem>>)
    %dma_wait3A_1027 = arith.constant 1 : i32
    %dma_wait3A_1028 = arith.constant 1 : i32
    %dma_wait3A_1029 = arith.constant 0 : i32
    %dma_wait3A_1030 = arith.constant 0 : i32
    %dma_wait3A_1031 = tpu.memref_slice %arg4[%dma_wait3A_1027, %dma_wait3A_1029, %dma_wait3A_1030] : memref<4x112x224xf32, #tpu.memory_space<vmem>> -> memref<1x112x224xf32, #tpu.memory_space<vmem>>
    %dma_wait3A_1032 = tpu.memref_squeeze %dma_wait3A_1031 : memref<1x112x224xf32, #tpu.memory_space<vmem>> -> memref<112x224xf32, #tpu.memory_space<vmem>>
    %dma_wait3A_1033 = arith.constant 112 : i32
    %dma_wait3A_1034 = arith.constant 0 : i32
    %dma_wait3A_1035 = tpu.memref_slice %arg3[%select_n3A_527, %sub3A_530, %sub3A_477, %dma_wait3A_1033, %dma_wait3A_1034] : memref<8x3x8x224x224xf32, #tpu.memory_space<hbm>> -> memref<1x1x1x112x224xf32, #tpu.memory_space<hbm>>
    %dma_wait3A_1036 = tpu.memref_squeeze %dma_wait3A_1035 : memref<1x1x1x112x224xf32, #tpu.memory_space<hbm>> -> memref<112x224xf32, #tpu.memory_space<hbm>>
    %dma_wait3A_1037 = tpu.memref_slice %arg6[%dma_wait3A_1028] : memref<4x!tpu.dma_semaphore, #tpu.memory_space<semaphore_mem>> -> memref<1x!tpu.dma_semaphore, #tpu.memory_space<semaphore_mem>>
    %dma_wait3A_1038 = tpu.memref_squeeze %dma_wait3A_1037 : memref<1x!tpu.dma_semaphore, #tpu.memory_space<semaphore_mem>> -> memref<!tpu.dma_semaphore, #tpu.memory_space<semaphore_mem>>
    %dma_wait3A_1039 = arith.constant 112 : i32
    %dma_wait3A_1040 = arith.constant 0 : i32
    %dma_wait3A_1041 = tpu.memref_slice %arg3[%select_n3A_527, %sub3A_530, %sub3A_477, %dma_wait3A_1039, %dma_wait3A_1040] : memref<8x3x8x224x224xf32, #tpu.memory_space<hbm>> -> memref<1x1x1x112x224xf32, #tpu.memory_space<hbm>>
    %dma_wait3A_1042 = tpu.memref_squeeze %dma_wait3A_1041 : memref<1x1x1x112x224xf32, #tpu.memory_space<hbm>> -> memref<112x224xf32, #tpu.memory_space<hbm>>
    %dma_wait3A_1043 = arith.constant 0 : i32
    %dma_wait3A_1044 = arith.constant 0 : i32
    %dma_wait3A_1045 = tpu.memref_slice %arg4[%dma_wait3A_1027, %dma_wait3A_1043, %dma_wait3A_1044] : memref<4x112x224xf32, #tpu.memory_space<vmem>> -> memref<1x112x224xf32, #tpu.memory_space<vmem>>
    %dma_wait3A_1046 = tpu.memref_squeeze %dma_wait3A_1045 : memref<1x112x224xf32, #tpu.memory_space<vmem>> -> memref<112x224xf32, #tpu.memory_space<vmem>>
    tpu.wait_dma2 semaphore(%dma_wait3A_1038 : memref<!tpu.dma_semaphore, #tpu.memory_space<semaphore_mem>>) src(%dma_wait3A_1046 : memref<112x224xf32, #tpu.memory_space<vmem>>) dst(%dma_wait3A_1042 : memref<112x224xf32, #tpu.memory_space<hbm>>)
    %mul3A_1047 = arith.constant 6 : i32
    %mul3A_1048 = arith.muli %add3A, %mul3A_1047 : i32
    %add3A_1049 = arith.constant 2 : i32
    %add3A_1050 = arith.addi %mul3A_1048, %add3A_1049 : i32
    %jit3A_1051 = arith.constant 8 : i32
    %div3A_1052 = arith.divsi %add3A_1050, %jit3A_1051 : i32
    %sign3A_1053 = arith.constant 0 : i32
    %sign3A_1054 = arith.cmpi sgt, %add3A_1050, %sign3A_1053 : i32
    %sign3A_1055 = arith.extui %sign3A_1054 : i1 to i32
    %sign3A_1056 = arith.constant 0 : i32
    %sign3A_1057 = arith.cmpi slt, %add3A_1050, %sign3A_1056 : i32
    %sign3A_1058 = arith.extui %sign3A_1057 : i1 to i32
    %sign3A_1059 = arith.subi %sign3A_1055, %sign3A_1058 : i32
    %sign3A_1060 = arith.constant 0 : i32
    %sign3A_1061 = arith.cmpi sgt, %jit3A_1051, %sign3A_1060 : i32
    %sign3A_1062 = arith.extui %sign3A_1061 : i1 to i32
    %sign3A_1063 = arith.constant 0 : i32
    %sign3A_1064 = arith.cmpi slt, %jit3A_1051, %sign3A_1063 : i32
    %sign3A_1065 = arith.extui %sign3A_1064 : i1 to i32
    %sign3A_1066 = arith.subi %sign3A_1062, %sign3A_1065 : i32
    %ne3A_1067 = arith.cmpi ne, %sign3A_1059, %sign3A_1066 : i32
    %rem3A_1068 = arith.remsi %add3A_1050, %jit3A_1051 : i32
    %ne3A_1069 = arith.constant 0 : i32
    %ne3A_1070 = arith.cmpi ne, %rem3A_1068, %ne3A_1069 : i32
    %and3A_1071 = arith.andi %ne3A_1067, %ne3A_1070 : i1
    %sub3A_1072 = arith.constant 1 : i32
    %sub3A_1073 = arith.subi %div3A_1052, %sub3A_1072 : i32
    %select_n3A_1074 = arith.select %and3A_1071, %sub3A_1073, %div3A_1052 : i32
    %mul3A_1075 = arith.constant 8 : i32
    %mul3A_1076 = arith.muli %select_n3A_1074, %mul3A_1075 : i32
    %sub3A_1077 = arith.subi %add3A_1050, %mul3A_1076 : i32
    %mul3A_1078 = arith.constant 31 : i32
    %mul3A_1079 = arith.muli %mul3A_1078, %sub3A_1077 : i32
    %jit3A_1080 = arith.constant 7 : i32
    %div3A_1081 = arith.divsi %mul3A_1079, %jit3A_1080 : i32
    %sign3A_1082 = arith.constant 0 : i32
    %sign3A_1083 = arith.cmpi sgt, %mul3A_1079, %sign3A_1082 : i32
    %sign3A_1084 = arith.extui %sign3A_1083 : i1 to i32
    %sign3A_1085 = arith.constant 0 : i32
    %sign3A_1086 = arith.cmpi slt, %mul3A_1079, %sign3A_1085 : i32
    %sign3A_1087 = arith.extui %sign3A_1086 : i1 to i32
    %sign3A_1088 = arith.subi %sign3A_1084, %sign3A_1087 : i32
    %sign3A_1089 = arith.constant 0 : i32
    %sign3A_1090 = arith.cmpi sgt, %jit3A_1080, %sign3A_1089 : i32
    %sign3A_1091 = arith.extui %sign3A_1090 : i1 to i32
    %sign3A_1092 = arith.constant 0 : i32
    %sign3A_1093 = arith.cmpi slt, %jit3A_1080, %sign3A_1092 : i32
    %sign3A_1094 = arith.extui %sign3A_1093 : i1 to i32
    %sign3A_1095 = arith.subi %sign3A_1091, %sign3A_1094 : i32
    %ne3A_1096 = arith.cmpi ne, %sign3A_1088, %sign3A_1095 : i32
    %rem3A_1097 = arith.remsi %mul3A_1079, %jit3A_1080 : i32
    %ne3A_1098 = arith.constant 0 : i32
    %ne3A_1099 = arith.cmpi ne, %rem3A_1097, %ne3A_1098 : i32
    %and3A_1100 = arith.andi %ne3A_1096, %ne3A_1099 : i1
    %sub3A_1101 = arith.constant 1 : i32
    %sub3A_1102 = arith.subi %div3A_1081, %sub3A_1101 : i32
    %select_n3A_1103 = arith.select %and3A_1100, %sub3A_1102, %div3A_1081 : i32
    %jit3A_1104 = arith.constant 3 : i32
    %div3A_1105 = arith.divsi %select_n3A_1074, %jit3A_1104 : i32
    %sign3A_1106 = arith.constant 0 : i32
    %sign3A_1107 = arith.cmpi sgt, %select_n3A_1074, %sign3A_1106 : i32
    %sign3A_1108 = arith.extui %sign3A_1107 : i1 to i32
    %sign3A_1109 = arith.constant 0 : i32
    %sign3A_1110 = arith.cmpi slt, %select_n3A_1074, %sign3A_1109 : i32
    %sign3A_1111 = arith.extui %sign3A_1110 : i1 to i32
    %sign3A_1112 = arith.subi %sign3A_1108, %sign3A_1111 : i32
    %sign3A_1113 = arith.constant 0 : i32
    %sign3A_1114 = arith.cmpi sgt, %jit3A_1104, %sign3A_1113 : i32
    %sign3A_1115 = arith.extui %sign3A_1114 : i1 to i32
    %sign3A_1116 = arith.constant 0 : i32
    %sign3A_1117 = arith.cmpi slt, %jit3A_1104, %sign3A_1116 : i32
    %sign3A_1118 = arith.extui %sign3A_1117 : i1 to i32
    %sign3A_1119 = arith.subi %sign3A_1115, %sign3A_1118 : i32
    %ne3A_1120 = arith.cmpi ne, %sign3A_1112, %sign3A_1119 : i32
    %rem3A_1121 = arith.remsi %select_n3A_1074, %jit3A_1104 : i32
    %ne3A_1122 = arith.constant 0 : i32
    %ne3A_1123 = arith.cmpi ne, %rem3A_1121, %ne3A_1122 : i32
    %and3A_1124 = arith.andi %ne3A_1120, %ne3A_1123 : i1
    %sub3A_1125 = arith.constant 1 : i32
    %sub3A_1126 = arith.subi %div3A_1105, %sub3A_1125 : i32
    %select_n3A_1127 = arith.select %and3A_1124, %sub3A_1126, %div3A_1105 : i32
    %mul3A_1128 = arith.constant 3 : i32
    %mul3A_1129 = arith.muli %select_n3A_1127, %mul3A_1128 : i32
    %sub3A_1130 = arith.subi %select_n3A_1074, %mul3A_1129 : i32
    %dma_start3A_1131 = arith.constant 1 : i32
    %dma_start3A_1132 = arith.constant 1 : i32
    %dma_start3A_1133 = arith.constant 0 : i32
    %dma_start3A_1134 = arith.constant 0 : i32
    %dma_start3A_1135 = tpu.memref_slice %arg4[%dma_start3A_1131, %dma_start3A_1133, %dma_start3A_1134] : memref<4x112x224xf32, #tpu.memory_space<vmem>> -> memref<1x112x224xf32, #tpu.memory_space<vmem>>
    %dma_start3A_1136 = tpu.memref_squeeze %dma_start3A_1135 : memref<1x112x224xf32, #tpu.memory_space<vmem>> -> memref<112x224xf32, #tpu.memory_space<vmem>>
    %dma_start3A_1137 = arith.constant 112 : i32
    %dma_start3A_1138 = arith.constant 0 : i32
    %dma_start3A_1139 = tpu.memref_slice %arg2[%select_n3A_1127, %sub3A_1130, %select_n3A_1103, %dma_start3A_1137, %dma_start3A_1138] : memref<8x3x32x224x224xf32, #tpu.memory_space<hbm>> -> memref<1x1x1x112x224xf32, #tpu.memory_space<hbm>>
    %dma_start3A_1140 = tpu.memref_squeeze %dma_start3A_1139 : memref<1x1x1x112x224xf32, #tpu.memory_space<hbm>> -> memref<112x224xf32, #tpu.memory_space<hbm>>
    %dma_start3A_1141 = tpu.memref_slice %arg5[%dma_start3A_1132] : memref<4x!tpu.dma_semaphore, #tpu.memory_space<semaphore_mem>> -> memref<1x!tpu.dma_semaphore, #tpu.memory_space<semaphore_mem>>
    %dma_start3A_1142 = tpu.memref_squeeze %dma_start3A_1141 : memref<1x!tpu.dma_semaphore, #tpu.memory_space<semaphore_mem>> -> memref<!tpu.dma_semaphore, #tpu.memory_space<semaphore_mem>>
    %dma_start3A_1143 = arith.constant 0 : i32
    %dma_start3A_1144 = arith.constant 0 : i32
    %dma_start3A_1145 = tpu.memref_slice %arg4[%dma_start3A_1131, %dma_start3A_1143, %dma_start3A_1144] : memref<4x112x224xf32, #tpu.memory_space<vmem>> -> memref<1x112x224xf32, #tpu.memory_space<vmem>>
    %dma_start3A_1146 = tpu.memref_squeeze %dma_start3A_1145 : memref<1x112x224xf32, #tpu.memory_space<vmem>> -> memref<112x224xf32, #tpu.memory_space<vmem>>
    %dma_start3A_1147 = arith.constant 112 : i32
    %dma_start3A_1148 = arith.constant 0 : i32
    %dma_start3A_1149 = tpu.memref_slice %arg2[%select_n3A_1127, %sub3A_1130, %select_n3A_1103, %dma_start3A_1147, %dma_start3A_1148] : memref<8x3x32x224x224xf32, #tpu.memory_space<hbm>> -> memref<1x1x1x112x224xf32, #tpu.memory_space<hbm>>
    %dma_start3A_1150 = tpu.memref_squeeze %dma_start3A_1149 : memref<1x1x1x112x224xf32, #tpu.memory_space<hbm>> -> memref<112x224xf32, #tpu.memory_space<hbm>>
    tpu.enqueue_dma source(%dma_start3A_1150 : memref<112x224xf32, #tpu.memory_space<hbm>>) target(%dma_start3A_1146 : memref<112x224xf32, #tpu.memory_space<vmem>>) target_semaphore(%dma_start3A_1142 : memref<!tpu.dma_semaphore, #tpu.memory_space<semaphore_mem>>)
    %dma_wait3A_1151 = arith.constant 0 : i32
    %dma_wait3A_1152 = arith.constant 0 : i32
    %dma_wait3A_1153 = arith.constant 0 : i32
    %dma_wait3A_1154 = arith.constant 0 : i32
    %dma_wait3A_1155 = tpu.memref_slice %arg4[%dma_wait3A_1151, %dma_wait3A_1153, %dma_wait3A_1154] : memref<4x112x224xf32, #tpu.memory_space<vmem>> -> memref<1x112x224xf32, #tpu.memory_space<vmem>>
    %dma_wait3A_1156 = tpu.memref_squeeze %dma_wait3A_1155 : memref<1x112x224xf32, #tpu.memory_space<vmem>> -> memref<112x224xf32, #tpu.memory_space<vmem>>
    %dma_wait3A_1157 = arith.constant 0 : i32
    %dma_wait3A_1158 = arith.constant 0 : i32
    %dma_wait3A_1159 = tpu.memref_slice %arg2[%select_n3A_879, %sub3A_882, %select_n3A_855, %dma_wait3A_1157, %dma_wait3A_1158] : memref<8x3x32x224x224xf32, #tpu.memory_space<hbm>> -> memref<1x1x1x112x224xf32, #tpu.memory_space<hbm>>
    %dma_wait3A_1160 = tpu.memref_squeeze %dma_wait3A_1159 : memref<1x1x1x112x224xf32, #tpu.memory_space<hbm>> -> memref<112x224xf32, #tpu.memory_space<hbm>>
    %dma_wait3A_1161 = tpu.memref_slice %arg5[%dma_wait3A_1152] : memref<4x!tpu.dma_semaphore, #tpu.memory_space<semaphore_mem>> -> memref<1x!tpu.dma_semaphore, #tpu.memory_space<semaphore_mem>>
    %dma_wait3A_1162 = tpu.memref_squeeze %dma_wait3A_1161 : memref<1x!tpu.dma_semaphore, #tpu.memory_space<semaphore_mem>> -> memref<!tpu.dma_semaphore, #tpu.memory_space<semaphore_mem>>
    %dma_wait3A_1163 = arith.constant 0 : i32
    %dma_wait3A_1164 = arith.constant 0 : i32
    %dma_wait3A_1165 = tpu.memref_slice %arg4[%dma_wait3A_1151, %dma_wait3A_1163, %dma_wait3A_1164] : memref<4x112x224xf32, #tpu.memory_space<vmem>> -> memref<1x112x224xf32, #tpu.memory_space<vmem>>
    %dma_wait3A_1166 = tpu.memref_squeeze %dma_wait3A_1165 : memref<1x112x224xf32, #tpu.memory_space<vmem>> -> memref<112x224xf32, #tpu.memory_space<vmem>>
    %dma_wait3A_1167 = arith.constant 0 : i32
    %dma_wait3A_1168 = arith.constant 0 : i32
    %dma_wait3A_1169 = tpu.memref_slice %arg2[%select_n3A_879, %sub3A_882, %select_n3A_855, %dma_wait3A_1167, %dma_wait3A_1168] : memref<8x3x32x224x224xf32, #tpu.memory_space<hbm>> -> memref<1x1x1x112x224xf32, #tpu.memory_space<hbm>>
    %dma_wait3A_1170 = tpu.memref_squeeze %dma_wait3A_1169 : memref<1x1x1x112x224xf32, #tpu.memory_space<hbm>> -> memref<112x224xf32, #tpu.memory_space<hbm>>
    tpu.wait_dma2 semaphore(%dma_wait3A_1162 : memref<!tpu.dma_semaphore, #tpu.memory_space<semaphore_mem>>) src(%dma_wait3A_1170 : memref<112x224xf32, #tpu.memory_space<hbm>>) dst(%dma_wait3A_1166 : memref<112x224xf32, #tpu.memory_space<vmem>>)
    %mul3A_1171 = arith.constant 6 : i32
    %mul3A_1172 = arith.muli %add3A, %mul3A_1171 : i32
    %add3A_1173 = arith.constant 2 : i32
    %add3A_1174 = arith.addi %mul3A_1172, %add3A_1173 : i32
    %jit3A_1175 = arith.constant 8 : i32
    %div3A_1176 = arith.divsi %add3A_1174, %jit3A_1175 : i32
    %sign3A_1177 = arith.constant 0 : i32
    %sign3A_1178 = arith.cmpi sgt, %add3A_1174, %sign3A_1177 : i32
    %sign3A_1179 = arith.extui %sign3A_1178 : i1 to i32
    %sign3A_1180 = arith.constant 0 : i32
    %sign3A_1181 = arith.cmpi slt, %add3A_1174, %sign3A_1180 : i32
    %sign3A_1182 = arith.extui %sign3A_1181 : i1 to i32
    %sign3A_1183 = arith.subi %sign3A_1179, %sign3A_1182 : i32
    %sign3A_1184 = arith.constant 0 : i32
    %sign3A_1185 = arith.cmpi sgt, %jit3A_1175, %sign3A_1184 : i32
    %sign3A_1186 = arith.extui %sign3A_1185 : i1 to i32
    %sign3A_1187 = arith.constant 0 : i32
    %sign3A_1188 = arith.cmpi slt, %jit3A_1175, %sign3A_1187 : i32
    %sign3A_1189 = arith.extui %sign3A_1188 : i1 to i32
    %sign3A_1190 = arith.subi %sign3A_1186, %sign3A_1189 : i32
    %ne3A_1191 = arith.cmpi ne, %sign3A_1183, %sign3A_1190 : i32
    %rem3A_1192 = arith.remsi %add3A_1174, %jit3A_1175 : i32
    %ne3A_1193 = arith.constant 0 : i32
    %ne3A_1194 = arith.cmpi ne, %rem3A_1192, %ne3A_1193 : i32
    %and3A_1195 = arith.andi %ne3A_1191, %ne3A_1194 : i1
    %sub3A_1196 = arith.constant 1 : i32
    %sub3A_1197 = arith.subi %div3A_1176, %sub3A_1196 : i32
    %select_n3A_1198 = arith.select %and3A_1195, %sub3A_1197, %div3A_1176 : i32
    %mul3A_1199 = arith.constant 8 : i32
    %mul3A_1200 = arith.muli %select_n3A_1198, %mul3A_1199 : i32
    %sub3A_1201 = arith.subi %add3A_1174, %mul3A_1200 : i32
    %mul3A_1202 = arith.constant 31 : i32
    %mul3A_1203 = arith.muli %mul3A_1202, %sub3A_1201 : i32
    %jit3A_1204 = arith.constant 7 : i32
    %div3A_1205 = arith.divsi %mul3A_1203, %jit3A_1204 : i32
    %sign3A_1206 = arith.constant 0 : i32
    %sign3A_1207 = arith.cmpi sgt, %mul3A_1203, %sign3A_1206 : i32
    %sign3A_1208 = arith.extui %sign3A_1207 : i1 to i32
    %sign3A_1209 = arith.constant 0 : i32
    %sign3A_1210 = arith.cmpi slt, %mul3A_1203, %sign3A_1209 : i32
    %sign3A_1211 = arith.extui %sign3A_1210 : i1 to i32
    %sign3A_1212 = arith.subi %sign3A_1208, %sign3A_1211 : i32
    %sign3A_1213 = arith.constant 0 : i32
    %sign3A_1214 = arith.cmpi sgt, %jit3A_1204, %sign3A_1213 : i32
    %sign3A_1215 = arith.extui %sign3A_1214 : i1 to i32
    %sign3A_1216 = arith.constant 0 : i32
    %sign3A_1217 = arith.cmpi slt, %jit3A_1204, %sign3A_1216 : i32
    %sign3A_1218 = arith.extui %sign3A_1217 : i1 to i32
    %sign3A_1219 = arith.subi %sign3A_1215, %sign3A_1218 : i32
    %ne3A_1220 = arith.cmpi ne, %sign3A_1212, %sign3A_1219 : i32
    %rem3A_1221 = arith.remsi %mul3A_1203, %jit3A_1204 : i32
    %ne3A_1222 = arith.constant 0 : i32
    %ne3A_1223 = arith.cmpi ne, %rem3A_1221, %ne3A_1222 : i32
    %and3A_1224 = arith.andi %ne3A_1220, %ne3A_1223 : i1
    %sub3A_1225 = arith.constant 1 : i32
    %sub3A_1226 = arith.subi %div3A_1205, %sub3A_1225 : i32
    %select_n3A_1227 = arith.select %and3A_1224, %sub3A_1226, %div3A_1205 : i32
    %jit3A_1228 = arith.constant 3 : i32
    %div3A_1229 = arith.divsi %select_n3A_1198, %jit3A_1228 : i32
    %sign3A_1230 = arith.constant 0 : i32
    %sign3A_1231 = arith.cmpi sgt, %select_n3A_1198, %sign3A_1230 : i32
    %sign3A_1232 = arith.extui %sign3A_1231 : i1 to i32
    %sign3A_1233 = arith.constant 0 : i32
    %sign3A_1234 = arith.cmpi slt, %select_n3A_1198, %sign3A_1233 : i32
    %sign3A_1235 = arith.extui %sign3A_1234 : i1 to i32
    %sign3A_1236 = arith.subi %sign3A_1232, %sign3A_1235 : i32
    %sign3A_1237 = arith.constant 0 : i32
    %sign3A_1238 = arith.cmpi sgt, %jit3A_1228, %sign3A_1237 : i32
    %sign3A_1239 = arith.extui %sign3A_1238 : i1 to i32
    %sign3A_1240 = arith.constant 0 : i32
    %sign3A_1241 = arith.cmpi slt, %jit3A_1228, %sign3A_1240 : i32
    %sign3A_1242 = arith.extui %sign3A_1241 : i1 to i32
    %sign3A_1243 = arith.subi %sign3A_1239, %sign3A_1242 : i32
    %ne3A_1244 = arith.cmpi ne, %sign3A_1236, %sign3A_1243 : i32
    %rem3A_1245 = arith.remsi %select_n3A_1198, %jit3A_1228 : i32
    %ne3A_1246 = arith.constant 0 : i32
    %ne3A_1247 = arith.cmpi ne, %rem3A_1245, %ne3A_1246 : i32
    %and3A_1248 = arith.andi %ne3A_1244, %ne3A_1247 : i1
    %sub3A_1249 = arith.constant 1 : i32
    %sub3A_1250 = arith.subi %div3A_1229, %sub3A_1249 : i32
    %select_n3A_1251 = arith.select %and3A_1248, %sub3A_1250, %div3A_1229 : i32
    %mul3A_1252 = arith.constant 3 : i32
    %mul3A_1253 = arith.muli %select_n3A_1251, %mul3A_1252 : i32
    %sub3A_1254 = arith.subi %select_n3A_1198, %mul3A_1253 : i32
    %dma_start3A_1255 = arith.constant 0 : i32
    %dma_start3A_1256 = arith.constant 0 : i32
    %dma_start3A_1257 = arith.constant 0 : i32
    %dma_start3A_1258 = arith.constant 0 : i32
    %dma_start3A_1259 = tpu.memref_slice %arg4[%dma_start3A_1255, %dma_start3A_1257, %dma_start3A_1258] : memref<4x112x224xf32, #tpu.memory_space<vmem>> -> memref<1x112x224xf32, #tpu.memory_space<vmem>>
    %dma_start3A_1260 = tpu.memref_squeeze %dma_start3A_1259 : memref<1x112x224xf32, #tpu.memory_space<vmem>> -> memref<112x224xf32, #tpu.memory_space<vmem>>
    %dma_start3A_1261 = arith.constant 0 : i32
    %dma_start3A_1262 = arith.constant 0 : i32
    %dma_start3A_1263 = tpu.memref_slice %arg3[%select_n3A_1251, %sub3A_1254, %sub3A_1201, %dma_start3A_1261, %dma_start3A_1262] : memref<8x3x8x224x224xf32, #tpu.memory_space<hbm>> -> memref<1x1x1x112x224xf32, #tpu.memory_space<hbm>>
    %dma_start3A_1264 = tpu.memref_squeeze %dma_start3A_1263 : memref<1x1x1x112x224xf32, #tpu.memory_space<hbm>> -> memref<112x224xf32, #tpu.memory_space<hbm>>
    %dma_start3A_1265 = tpu.memref_slice %arg6[%dma_start3A_1256] : memref<4x!tpu.dma_semaphore, #tpu.memory_space<semaphore_mem>> -> memref<1x!tpu.dma_semaphore, #tpu.memory_space<semaphore_mem>>
    %dma_start3A_1266 = tpu.memref_squeeze %dma_start3A_1265 : memref<1x!tpu.dma_semaphore, #tpu.memory_space<semaphore_mem>> -> memref<!tpu.dma_semaphore, #tpu.memory_space<semaphore_mem>>
    %dma_start3A_1267 = arith.constant 0 : i32
    %dma_start3A_1268 = arith.constant 0 : i32
    %dma_start3A_1269 = tpu.memref_slice %arg3[%select_n3A_1251, %sub3A_1254, %sub3A_1201, %dma_start3A_1267, %dma_start3A_1268] : memref<8x3x8x224x224xf32, #tpu.memory_space<hbm>> -> memref<1x1x1x112x224xf32, #tpu.memory_space<hbm>>
    %dma_start3A_1270 = tpu.memref_squeeze %dma_start3A_1269 : memref<1x1x1x112x224xf32, #tpu.memory_space<hbm>> -> memref<112x224xf32, #tpu.memory_space<hbm>>
    %dma_start3A_1271 = arith.constant 0 : i32
    %dma_start3A_1272 = arith.constant 0 : i32
    %dma_start3A_1273 = tpu.memref_slice %arg4[%dma_start3A_1255, %dma_start3A_1271, %dma_start3A_1272] : memref<4x112x224xf32, #tpu.memory_space<vmem>> -> memref<1x112x224xf32, #tpu.memory_space<vmem>>
    %dma_start3A_1274 = tpu.memref_squeeze %dma_start3A_1273 : memref<1x112x224xf32, #tpu.memory_space<vmem>> -> memref<112x224xf32, #tpu.memory_space<vmem>>
    tpu.enqueue_dma source(%dma_start3A_1274 : memref<112x224xf32, #tpu.memory_space<vmem>>) target(%dma_start3A_1270 : memref<112x224xf32, #tpu.memory_space<hbm>>) target_semaphore(%dma_start3A_1266 : memref<!tpu.dma_semaphore, #tpu.memory_space<semaphore_mem>>)
    %dma_wait3A_1275 = arith.constant 2 : i32
    %dma_wait3A_1276 = arith.constant 2 : i32
    %dma_wait3A_1277 = arith.constant 0 : i32
    %dma_wait3A_1278 = arith.constant 0 : i32
    %dma_wait3A_1279 = tpu.memref_slice %arg4[%dma_wait3A_1275, %dma_wait3A_1277, %dma_wait3A_1278] : memref<4x112x224xf32, #tpu.memory_space<vmem>> -> memref<1x112x224xf32, #tpu.memory_space<vmem>>
    %dma_wait3A_1280 = tpu.memref_squeeze %dma_wait3A_1279 : memref<1x112x224xf32, #tpu.memory_space<vmem>> -> memref<112x224xf32, #tpu.memory_space<vmem>>
    %dma_wait3A_1281 = arith.constant 0 : i32
    %dma_wait3A_1282 = arith.constant 0 : i32
    %dma_wait3A_1283 = tpu.memref_slice %arg3[%select_n3A_755, %sub3A_758, %sub3A_705, %dma_wait3A_1281, %dma_wait3A_1282] : memref<8x3x8x224x224xf32, #tpu.memory_space<hbm>> -> memref<1x1x1x112x224xf32, #tpu.memory_space<hbm>>
    %dma_wait3A_1284 = tpu.memref_squeeze %dma_wait3A_1283 : memref<1x1x1x112x224xf32, #tpu.memory_space<hbm>> -> memref<112x224xf32, #tpu.memory_space<hbm>>
    %dma_wait3A_1285 = tpu.memref_slice %arg6[%dma_wait3A_1276] : memref<4x!tpu.dma_semaphore, #tpu.memory_space<semaphore_mem>> -> memref<1x!tpu.dma_semaphore, #tpu.memory_space<semaphore_mem>>
    %dma_wait3A_1286 = tpu.memref_squeeze %dma_wait3A_1285 : memref<1x!tpu.dma_semaphore, #tpu.memory_space<semaphore_mem>> -> memref<!tpu.dma_semaphore, #tpu.memory_space<semaphore_mem>>
    %dma_wait3A_1287 = arith.constant 0 : i32
    %dma_wait3A_1288 = arith.constant 0 : i32
    %dma_wait3A_1289 = tpu.memref_slice %arg3[%select_n3A_755, %sub3A_758, %sub3A_705, %dma_wait3A_1287, %dma_wait3A_1288] : memref<8x3x8x224x224xf32, #tpu.memory_space<hbm>> -> memref<1x1x1x112x224xf32, #tpu.memory_space<hbm>>
    %dma_wait3A_1290 = tpu.memref_squeeze %dma_wait3A_1289 : memref<1x1x1x112x224xf32, #tpu.memory_space<hbm>> -> memref<112x224xf32, #tpu.memory_space<hbm>>
    %dma_wait3A_1291 = arith.constant 0 : i32
    %dma_wait3A_1292 = arith.constant 0 : i32
    %dma_wait3A_1293 = tpu.memref_slice %arg4[%dma_wait3A_1275, %dma_wait3A_1291, %dma_wait3A_1292] : memref<4x112x224xf32, #tpu.memory_space<vmem>> -> memref<1x112x224xf32, #tpu.memory_space<vmem>>
    %dma_wait3A_1294 = tpu.memref_squeeze %dma_wait3A_1293 : memref<1x112x224xf32, #tpu.memory_space<vmem>> -> memref<112x224xf32, #tpu.memory_space<vmem>>
    tpu.wait_dma2 semaphore(%dma_wait3A_1286 : memref<!tpu.dma_semaphore, #tpu.memory_space<semaphore_mem>>) src(%dma_wait3A_1294 : memref<112x224xf32, #tpu.memory_space<vmem>>) dst(%dma_wait3A_1290 : memref<112x224xf32, #tpu.memory_space<hbm>>)
    %mul3A_1295 = arith.constant 6 : i32
    %mul3A_1296 = arith.muli %add3A, %mul3A_1295 : i32
    %add3A_1297 = arith.constant 3 : i32
    %add3A_1298 = arith.addi %mul3A_1296, %add3A_1297 : i32
    %jit3A_1299 = arith.constant 8 : i32
    %div3A_1300 = arith.divsi %add3A_1298, %jit3A_1299 : i32
    %sign3A_1301 = arith.constant 0 : i32
    %sign3A_1302 = arith.cmpi sgt, %add3A_1298, %sign3A_1301 : i32
    %sign3A_1303 = arith.extui %sign3A_1302 : i1 to i32
    %sign3A_1304 = arith.constant 0 : i32
    %sign3A_1305 = arith.cmpi slt, %add3A_1298, %sign3A_1304 : i32
    %sign3A_1306 = arith.extui %sign3A_1305 : i1 to i32
    %sign3A_1307 = arith.subi %sign3A_1303, %sign3A_1306 : i32
    %sign3A_1308 = arith.constant 0 : i32
    %sign3A_1309 = arith.cmpi sgt, %jit3A_1299, %sign3A_1308 : i32
    %sign3A_1310 = arith.extui %sign3A_1309 : i1 to i32
    %sign3A_1311 = arith.constant 0 : i32
    %sign3A_1312 = arith.cmpi slt, %jit3A_1299, %sign3A_1311 : i32
    %sign3A_1313 = arith.extui %sign3A_1312 : i1 to i32
    %sign3A_1314 = arith.subi %sign3A_1310, %sign3A_1313 : i32
    %ne3A_1315 = arith.cmpi ne, %sign3A_1307, %sign3A_1314 : i32
    %rem3A_1316 = arith.remsi %add3A_1298, %jit3A_1299 : i32
    %ne3A_1317 = arith.constant 0 : i32
    %ne3A_1318 = arith.cmpi ne, %rem3A_1316, %ne3A_1317 : i32
    %and3A_1319 = arith.andi %ne3A_1315, %ne3A_1318 : i1
    %sub3A_1320 = arith.constant 1 : i32
    %sub3A_1321 = arith.subi %div3A_1300, %sub3A_1320 : i32
    %select_n3A_1322 = arith.select %and3A_1319, %sub3A_1321, %div3A_1300 : i32
    %mul3A_1323 = arith.constant 8 : i32
    %mul3A_1324 = arith.muli %select_n3A_1322, %mul3A_1323 : i32
    %sub3A_1325 = arith.subi %add3A_1298, %mul3A_1324 : i32
    %mul3A_1326 = arith.constant 31 : i32
    %mul3A_1327 = arith.muli %mul3A_1326, %sub3A_1325 : i32
    %jit3A_1328 = arith.constant 7 : i32
    %div3A_1329 = arith.divsi %mul3A_1327, %jit3A_1328 : i32
    %sign3A_1330 = arith.constant 0 : i32
    %sign3A_1331 = arith.cmpi sgt, %mul3A_1327, %sign3A_1330 : i32
    %sign3A_1332 = arith.extui %sign3A_1331 : i1 to i32
    %sign3A_1333 = arith.constant 0 : i32
    %sign3A_1334 = arith.cmpi slt, %mul3A_1327, %sign3A_1333 : i32
    %sign3A_1335 = arith.extui %sign3A_1334 : i1 to i32
    %sign3A_1336 = arith.subi %sign3A_1332, %sign3A_1335 : i32
    %sign3A_1337 = arith.constant 0 : i32
    %sign3A_1338 = arith.cmpi sgt, %jit3A_1328, %sign3A_1337 : i32
    %sign3A_1339 = arith.extui %sign3A_1338 : i1 to i32
    %sign3A_1340 = arith.constant 0 : i32
    %sign3A_1341 = arith.cmpi slt, %jit3A_1328, %sign3A_1340 : i32
    %sign3A_1342 = arith.extui %sign3A_1341 : i1 to i32
    %sign3A_1343 = arith.subi %sign3A_1339, %sign3A_1342 : i32
    %ne3A_1344 = arith.cmpi ne, %sign3A_1336, %sign3A_1343 : i32
    %rem3A_1345 = arith.remsi %mul3A_1327, %jit3A_1328 : i32
    %ne3A_1346 = arith.constant 0 : i32
    %ne3A_1347 = arith.cmpi ne, %rem3A_1345, %ne3A_1346 : i32
    %and3A_1348 = arith.andi %ne3A_1344, %ne3A_1347 : i1
    %sub3A_1349 = arith.constant 1 : i32
    %sub3A_1350 = arith.subi %div3A_1329, %sub3A_1349 : i32
    %select_n3A_1351 = arith.select %and3A_1348, %sub3A_1350, %div3A_1329 : i32
    %jit3A_1352 = arith.constant 3 : i32
    %div3A_1353 = arith.divsi %select_n3A_1322, %jit3A_1352 : i32
    %sign3A_1354 = arith.constant 0 : i32
    %sign3A_1355 = arith.cmpi sgt, %select_n3A_1322, %sign3A_1354 : i32
    %sign3A_1356 = arith.extui %sign3A_1355 : i1 to i32
    %sign3A_1357 = arith.constant 0 : i32
    %sign3A_1358 = arith.cmpi slt, %select_n3A_1322, %sign3A_1357 : i32
    %sign3A_1359 = arith.extui %sign3A_1358 : i1 to i32
    %sign3A_1360 = arith.subi %sign3A_1356, %sign3A_1359 : i32
    %sign3A_1361 = arith.constant 0 : i32
    %sign3A_1362 = arith.cmpi sgt, %jit3A_1352, %sign3A_1361 : i32
    %sign3A_1363 = arith.extui %sign3A_1362 : i1 to i32
    %sign3A_1364 = arith.constant 0 : i32
    %sign3A_1365 = arith.cmpi slt, %jit3A_1352, %sign3A_1364 : i32
    %sign3A_1366 = arith.extui %sign3A_1365 : i1 to i32
    %sign3A_1367 = arith.subi %sign3A_1363, %sign3A_1366 : i32
    %ne3A_1368 = arith.cmpi ne, %sign3A_1360, %sign3A_1367 : i32
    %rem3A_1369 = arith.remsi %select_n3A_1322, %jit3A_1352 : i32
    %ne3A_1370 = arith.constant 0 : i32
    %ne3A_1371 = arith.cmpi ne, %rem3A_1369, %ne3A_1370 : i32
    %and3A_1372 = arith.andi %ne3A_1368, %ne3A_1371 : i1
    %sub3A_1373 = arith.constant 1 : i32
    %sub3A_1374 = arith.subi %div3A_1353, %sub3A_1373 : i32
    %select_n3A_1375 = arith.select %and3A_1372, %sub3A_1374, %div3A_1353 : i32
    %mul3A_1376 = arith.constant 3 : i32
    %mul3A_1377 = arith.muli %select_n3A_1375, %mul3A_1376 : i32
    %sub3A_1378 = arith.subi %select_n3A_1322, %mul3A_1377 : i32
    %dma_start3A_1379 = arith.constant 2 : i32
    %dma_start3A_1380 = arith.constant 2 : i32
    %dma_start3A_1381 = arith.constant 0 : i32
    %dma_start3A_1382 = arith.constant 0 : i32
    %dma_start3A_1383 = tpu.memref_slice %arg4[%dma_start3A_1379, %dma_start3A_1381, %dma_start3A_1382] : memref<4x112x224xf32, #tpu.memory_space<vmem>> -> memref<1x112x224xf32, #tpu.memory_space<vmem>>
    %dma_start3A_1384 = tpu.memref_squeeze %dma_start3A_1383 : memref<1x112x224xf32, #tpu.memory_space<vmem>> -> memref<112x224xf32, #tpu.memory_space<vmem>>
    %dma_start3A_1385 = arith.constant 0 : i32
    %dma_start3A_1386 = arith.constant 0 : i32
    %dma_start3A_1387 = tpu.memref_slice %arg2[%select_n3A_1375, %sub3A_1378, %select_n3A_1351, %dma_start3A_1385, %dma_start3A_1386] : memref<8x3x32x224x224xf32, #tpu.memory_space<hbm>> -> memref<1x1x1x112x224xf32, #tpu.memory_space<hbm>>
    %dma_start3A_1388 = tpu.memref_squeeze %dma_start3A_1387 : memref<1x1x1x112x224xf32, #tpu.memory_space<hbm>> -> memref<112x224xf32, #tpu.memory_space<hbm>>
    %dma_start3A_1389 = tpu.memref_slice %arg5[%dma_start3A_1380] : memref<4x!tpu.dma_semaphore, #tpu.memory_space<semaphore_mem>> -> memref<1x!tpu.dma_semaphore, #tpu.memory_space<semaphore_mem>>
    %dma_start3A_1390 = tpu.memref_squeeze %dma_start3A_1389 : memref<1x!tpu.dma_semaphore, #tpu.memory_space<semaphore_mem>> -> memref<!tpu.dma_semaphore, #tpu.memory_space<semaphore_mem>>
    %dma_start3A_1391 = arith.constant 0 : i32
    %dma_start3A_1392 = arith.constant 0 : i32
    %dma_start3A_1393 = tpu.memref_slice %arg4[%dma_start3A_1379, %dma_start3A_1391, %dma_start3A_1392] : memref<4x112x224xf32, #tpu.memory_space<vmem>> -> memref<1x112x224xf32, #tpu.memory_space<vmem>>
    %dma_start3A_1394 = tpu.memref_squeeze %dma_start3A_1393 : memref<1x112x224xf32, #tpu.memory_space<vmem>> -> memref<112x224xf32, #tpu.memory_space<vmem>>
    %dma_start3A_1395 = arith.constant 0 : i32
    %dma_start3A_1396 = arith.constant 0 : i32
    %dma_start3A_1397 = tpu.memref_slice %arg2[%select_n3A_1375, %sub3A_1378, %select_n3A_1351, %dma_start3A_1395, %dma_start3A_1396] : memref<8x3x32x224x224xf32, #tpu.memory_space<hbm>> -> memref<1x1x1x112x224xf32, #tpu.memory_space<hbm>>
    %dma_start3A_1398 = tpu.memref_squeeze %dma_start3A_1397 : memref<1x1x1x112x224xf32, #tpu.memory_space<hbm>> -> memref<112x224xf32, #tpu.memory_space<hbm>>
    tpu.enqueue_dma source(%dma_start3A_1398 : memref<112x224xf32, #tpu.memory_space<hbm>>) target(%dma_start3A_1394 : memref<112x224xf32, #tpu.memory_space<vmem>>) target_semaphore(%dma_start3A_1390 : memref<!tpu.dma_semaphore, #tpu.memory_space<semaphore_mem>>)
    %dma_wait3A_1399 = arith.constant 1 : i32
    %dma_wait3A_1400 = arith.constant 1 : i32
    %dma_wait3A_1401 = arith.constant 0 : i32
    %dma_wait3A_1402 = arith.constant 0 : i32
    %dma_wait3A_1403 = tpu.memref_slice %arg4[%dma_wait3A_1399, %dma_wait3A_1401, %dma_wait3A_1402] : memref<4x112x224xf32, #tpu.memory_space<vmem>> -> memref<1x112x224xf32, #tpu.memory_space<vmem>>
    %dma_wait3A_1404 = tpu.memref_squeeze %dma_wait3A_1403 : memref<1x112x224xf32, #tpu.memory_space<vmem>> -> memref<112x224xf32, #tpu.memory_space<vmem>>
    %dma_wait3A_1405 = arith.constant 112 : i32
    %dma_wait3A_1406 = arith.constant 0 : i32
    %dma_wait3A_1407 = tpu.memref_slice %arg2[%select_n3A_1127, %sub3A_1130, %select_n3A_1103, %dma_wait3A_1405, %dma_wait3A_1406] : memref<8x3x32x224x224xf32, #tpu.memory_space<hbm>> -> memref<1x1x1x112x224xf32, #tpu.memory_space<hbm>>
    %dma_wait3A_1408 = tpu.memref_squeeze %dma_wait3A_1407 : memref<1x1x1x112x224xf32, #tpu.memory_space<hbm>> -> memref<112x224xf32, #tpu.memory_space<hbm>>
    %dma_wait3A_1409 = tpu.memref_slice %arg5[%dma_wait3A_1400] : memref<4x!tpu.dma_semaphore, #tpu.memory_space<semaphore_mem>> -> memref<1x!tpu.dma_semaphore, #tpu.memory_space<semaphore_mem>>
    %dma_wait3A_1410 = tpu.memref_squeeze %dma_wait3A_1409 : memref<1x!tpu.dma_semaphore, #tpu.memory_space<semaphore_mem>> -> memref<!tpu.dma_semaphore, #tpu.memory_space<semaphore_mem>>
    %dma_wait3A_1411 = arith.constant 0 : i32
    %dma_wait3A_1412 = arith.constant 0 : i32
    %dma_wait3A_1413 = tpu.memref_slice %arg4[%dma_wait3A_1399, %dma_wait3A_1411, %dma_wait3A_1412] : memref<4x112x224xf32, #tpu.memory_space<vmem>> -> memref<1x112x224xf32, #tpu.memory_space<vmem>>
    %dma_wait3A_1414 = tpu.memref_squeeze %dma_wait3A_1413 : memref<1x112x224xf32, #tpu.memory_space<vmem>> -> memref<112x224xf32, #tpu.memory_space<vmem>>
    %dma_wait3A_1415 = arith.constant 112 : i32
    %dma_wait3A_1416 = arith.constant 0 : i32
    %dma_wait3A_1417 = tpu.memref_slice %arg2[%select_n3A_1127, %sub3A_1130, %select_n3A_1103, %dma_wait3A_1415, %dma_wait3A_1416] : memref<8x3x32x224x224xf32, #tpu.memory_space<hbm>> -> memref<1x1x1x112x224xf32, #tpu.memory_space<hbm>>
    %dma_wait3A_1418 = tpu.memref_squeeze %dma_wait3A_1417 : memref<1x1x1x112x224xf32, #tpu.memory_space<hbm>> -> memref<112x224xf32, #tpu.memory_space<hbm>>
    tpu.wait_dma2 semaphore(%dma_wait3A_1410 : memref<!tpu.dma_semaphore, #tpu.memory_space<semaphore_mem>>) src(%dma_wait3A_1418 : memref<112x224xf32, #tpu.memory_space<hbm>>) dst(%dma_wait3A_1414 : memref<112x224xf32, #tpu.memory_space<vmem>>)
    %mul3A_1419 = arith.constant 6 : i32
    %mul3A_1420 = arith.muli %add3A, %mul3A_1419 : i32
    %add3A_1421 = arith.constant 2 : i32
    %add3A_1422 = arith.addi %mul3A_1420, %add3A_1421 : i32
    %jit3A_1423 = arith.constant 8 : i32
    %div3A_1424 = arith.divsi %add3A_1422, %jit3A_1423 : i32
    %sign3A_1425 = arith.constant 0 : i32
    %sign3A_1426 = arith.cmpi sgt, %add3A_1422, %sign3A_1425 : i32
    %sign3A_1427 = arith.extui %sign3A_1426 : i1 to i32
    %sign3A_1428 = arith.constant 0 : i32
    %sign3A_1429 = arith.cmpi slt, %add3A_1422, %sign3A_1428 : i32
    %sign3A_1430 = arith.extui %sign3A_1429 : i1 to i32
    %sign3A_1431 = arith.subi %sign3A_1427, %sign3A_1430 : i32
    %sign3A_1432 = arith.constant 0 : i32
    %sign3A_1433 = arith.cmpi sgt, %jit3A_1423, %sign3A_1432 : i32
    %sign3A_1434 = arith.extui %sign3A_1433 : i1 to i32
    %sign3A_1435 = arith.constant 0 : i32
    %sign3A_1436 = arith.cmpi slt, %jit3A_1423, %sign3A_1435 : i32
    %sign3A_1437 = arith.extui %sign3A_1436 : i1 to i32
    %sign3A_1438 = arith.subi %sign3A_1434, %sign3A_1437 : i32
    %ne3A_1439 = arith.cmpi ne, %sign3A_1431, %sign3A_1438 : i32
    %rem3A_1440 = arith.remsi %add3A_1422, %jit3A_1423 : i32
    %ne3A_1441 = arith.constant 0 : i32
    %ne3A_1442 = arith.cmpi ne, %rem3A_1440, %ne3A_1441 : i32
    %and3A_1443 = arith.andi %ne3A_1439, %ne3A_1442 : i1
    %sub3A_1444 = arith.constant 1 : i32
    %sub3A_1445 = arith.subi %div3A_1424, %sub3A_1444 : i32
    %select_n3A_1446 = arith.select %and3A_1443, %sub3A_1445, %div3A_1424 : i32
    %mul3A_1447 = arith.constant 8 : i32
    %mul3A_1448 = arith.muli %select_n3A_1446, %mul3A_1447 : i32
    %sub3A_1449 = arith.subi %add3A_1422, %mul3A_1448 : i32
    %mul3A_1450 = arith.constant 31 : i32
    %mul3A_1451 = arith.muli %mul3A_1450, %sub3A_1449 : i32
    %jit3A_1452 = arith.constant 7 : i32
    %div3A_1453 = arith.divsi %mul3A_1451, %jit3A_1452 : i32
    %sign3A_1454 = arith.constant 0 : i32
    %sign3A_1455 = arith.cmpi sgt, %mul3A_1451, %sign3A_1454 : i32
    %sign3A_1456 = arith.extui %sign3A_1455 : i1 to i32
    %sign3A_1457 = arith.constant 0 : i32
    %sign3A_1458 = arith.cmpi slt, %mul3A_1451, %sign3A_1457 : i32
    %sign3A_1459 = arith.extui %sign3A_1458 : i1 to i32
    %sign3A_1460 = arith.subi %sign3A_1456, %sign3A_1459 : i32
    %sign3A_1461 = arith.constant 0 : i32
    %sign3A_1462 = arith.cmpi sgt, %jit3A_1452, %sign3A_1461 : i32
    %sign3A_1463 = arith.extui %sign3A_1462 : i1 to i32
    %sign3A_1464 = arith.constant 0 : i32
    %sign3A_1465 = arith.cmpi slt, %jit3A_1452, %sign3A_1464 : i32
    %sign3A_1466 = arith.extui %sign3A_1465 : i1 to i32
    %sign3A_1467 = arith.subi %sign3A_1463, %sign3A_1466 : i32
    %ne3A_1468 = arith.cmpi ne, %sign3A_1460, %sign3A_1467 : i32
    %rem3A_1469 = arith.remsi %mul3A_1451, %jit3A_1452 : i32
    %ne3A_1470 = arith.constant 0 : i32
    %ne3A_1471 = arith.cmpi ne, %rem3A_1469, %ne3A_1470 : i32
    %and3A_1472 = arith.andi %ne3A_1468, %ne3A_1471 : i1
    %sub3A_1473 = arith.constant 1 : i32
    %sub3A_1474 = arith.subi %div3A_1453, %sub3A_1473 : i32
    %select_n3A_1475 = arith.select %and3A_1472, %sub3A_1474, %div3A_1453 : i32
    %jit3A_1476 = arith.constant 3 : i32
    %div3A_1477 = arith.divsi %select_n3A_1446, %jit3A_1476 : i32
    %sign3A_1478 = arith.constant 0 : i32
    %sign3A_1479 = arith.cmpi sgt, %select_n3A_1446, %sign3A_1478 : i32
    %sign3A_1480 = arith.extui %sign3A_1479 : i1 to i32
    %sign3A_1481 = arith.constant 0 : i32
    %sign3A_1482 = arith.cmpi slt, %select_n3A_1446, %sign3A_1481 : i32
    %sign3A_1483 = arith.extui %sign3A_1482 : i1 to i32
    %sign3A_1484 = arith.subi %sign3A_1480, %sign3A_1483 : i32
    %sign3A_1485 = arith.constant 0 : i32
    %sign3A_1486 = arith.cmpi sgt, %jit3A_1476, %sign3A_1485 : i32
    %sign3A_1487 = arith.extui %sign3A_1486 : i1 to i32
    %sign3A_1488 = arith.constant 0 : i32
    %sign3A_1489 = arith.cmpi slt, %jit3A_1476, %sign3A_1488 : i32
    %sign3A_1490 = arith.extui %sign3A_1489 : i1 to i32
    %sign3A_1491 = arith.subi %sign3A_1487, %sign3A_1490 : i32
    %ne3A_1492 = arith.cmpi ne, %sign3A_1484, %sign3A_1491 : i32
    %rem3A_1493 = arith.remsi %select_n3A_1446, %jit3A_1476 : i32
    %ne3A_1494 = arith.constant 0 : i32
    %ne3A_1495 = arith.cmpi ne, %rem3A_1493, %ne3A_1494 : i32
    %and3A_1496 = arith.andi %ne3A_1492, %ne3A_1495 : i1
    %sub3A_1497 = arith.constant 1 : i32
    %sub3A_1498 = arith.subi %div3A_1477, %sub3A_1497 : i32
    %select_n3A_1499 = arith.select %and3A_1496, %sub3A_1498, %div3A_1477 : i32
    %mul3A_1500 = arith.constant 3 : i32
    %mul3A_1501 = arith.muli %select_n3A_1499, %mul3A_1500 : i32
    %sub3A_1502 = arith.subi %select_n3A_1446, %mul3A_1501 : i32
    %dma_start3A_1503 = arith.constant 1 : i32
    %dma_start3A_1504 = arith.constant 1 : i32
    %dma_start3A_1505 = arith.constant 0 : i32
    %dma_start3A_1506 = arith.constant 0 : i32
    %dma_start3A_1507 = tpu.memref_slice %arg4[%dma_start3A_1503, %dma_start3A_1505, %dma_start3A_1506] : memref<4x112x224xf32, #tpu.memory_space<vmem>> -> memref<1x112x224xf32, #tpu.memory_space<vmem>>
    %dma_start3A_1508 = tpu.memref_squeeze %dma_start3A_1507 : memref<1x112x224xf32, #tpu.memory_space<vmem>> -> memref<112x224xf32, #tpu.memory_space<vmem>>
    %dma_start3A_1509 = arith.constant 112 : i32
    %dma_start3A_1510 = arith.constant 0 : i32
    %dma_start3A_1511 = tpu.memref_slice %arg3[%select_n3A_1499, %sub3A_1502, %sub3A_1449, %dma_start3A_1509, %dma_start3A_1510] : memref<8x3x8x224x224xf32, #tpu.memory_space<hbm>> -> memref<1x1x1x112x224xf32, #tpu.memory_space<hbm>>
    %dma_start3A_1512 = tpu.memref_squeeze %dma_start3A_1511 : memref<1x1x1x112x224xf32, #tpu.memory_space<hbm>> -> memref<112x224xf32, #tpu.memory_space<hbm>>
    %dma_start3A_1513 = tpu.memref_slice %arg6[%dma_start3A_1504] : memref<4x!tpu.dma_semaphore, #tpu.memory_space<semaphore_mem>> -> memref<1x!tpu.dma_semaphore, #tpu.memory_space<semaphore_mem>>
    %dma_start3A_1514 = tpu.memref_squeeze %dma_start3A_1513 : memref<1x!tpu.dma_semaphore, #tpu.memory_space<semaphore_mem>> -> memref<!tpu.dma_semaphore, #tpu.memory_space<semaphore_mem>>
    %dma_start3A_1515 = arith.constant 112 : i32
    %dma_start3A_1516 = arith.constant 0 : i32
    %dma_start3A_1517 = tpu.memref_slice %arg3[%select_n3A_1499, %sub3A_1502, %sub3A_1449, %dma_start3A_1515, %dma_start3A_1516] : memref<8x3x8x224x224xf32, #tpu.memory_space<hbm>> -> memref<1x1x1x112x224xf32, #tpu.memory_space<hbm>>
    %dma_start3A_1518 = tpu.memref_squeeze %dma_start3A_1517 : memref<1x1x1x112x224xf32, #tpu.memory_space<hbm>> -> memref<112x224xf32, #tpu.memory_space<hbm>>
    %dma_start3A_1519 = arith.constant 0 : i32
    %dma_start3A_1520 = arith.constant 0 : i32
    %dma_start3A_1521 = tpu.memref_slice %arg4[%dma_start3A_1503, %dma_start3A_1519, %dma_start3A_1520] : memref<4x112x224xf32, #tpu.memory_space<vmem>> -> memref<1x112x224xf32, #tpu.memory_space<vmem>>
    %dma_start3A_1522 = tpu.memref_squeeze %dma_start3A_1521 : memref<1x112x224xf32, #tpu.memory_space<vmem>> -> memref<112x224xf32, #tpu.memory_space<vmem>>
    tpu.enqueue_dma source(%dma_start3A_1522 : memref<112x224xf32, #tpu.memory_space<vmem>>) target(%dma_start3A_1518 : memref<112x224xf32, #tpu.memory_space<hbm>>) target_semaphore(%dma_start3A_1514 : memref<!tpu.dma_semaphore, #tpu.memory_space<semaphore_mem>>)
    %dma_wait3A_1523 = arith.constant 3 : i32
    %dma_wait3A_1524 = arith.constant 3 : i32
    %dma_wait3A_1525 = arith.constant 0 : i32
    %dma_wait3A_1526 = arith.constant 0 : i32
    %dma_wait3A_1527 = tpu.memref_slice %arg4[%dma_wait3A_1523, %dma_wait3A_1525, %dma_wait3A_1526] : memref<4x112x224xf32, #tpu.memory_space<vmem>> -> memref<1x112x224xf32, #tpu.memory_space<vmem>>
    %dma_wait3A_1528 = tpu.memref_squeeze %dma_wait3A_1527 : memref<1x112x224xf32, #tpu.memory_space<vmem>> -> memref<112x224xf32, #tpu.memory_space<vmem>>
    %dma_wait3A_1529 = arith.constant 112 : i32
    %dma_wait3A_1530 = arith.constant 0 : i32
    %dma_wait3A_1531 = tpu.memref_slice %arg3[%select_n3A_1003, %sub3A_1006, %sub3A_953, %dma_wait3A_1529, %dma_wait3A_1530] : memref<8x3x8x224x224xf32, #tpu.memory_space<hbm>> -> memref<1x1x1x112x224xf32, #tpu.memory_space<hbm>>
    %dma_wait3A_1532 = tpu.memref_squeeze %dma_wait3A_1531 : memref<1x1x1x112x224xf32, #tpu.memory_space<hbm>> -> memref<112x224xf32, #tpu.memory_space<hbm>>
    %dma_wait3A_1533 = tpu.memref_slice %arg6[%dma_wait3A_1524] : memref<4x!tpu.dma_semaphore, #tpu.memory_space<semaphore_mem>> -> memref<1x!tpu.dma_semaphore, #tpu.memory_space<semaphore_mem>>
    %dma_wait3A_1534 = tpu.memref_squeeze %dma_wait3A_1533 : memref<1x!tpu.dma_semaphore, #tpu.memory_space<semaphore_mem>> -> memref<!tpu.dma_semaphore, #tpu.memory_space<semaphore_mem>>
    %dma_wait3A_1535 = arith.constant 112 : i32
    %dma_wait3A_1536 = arith.constant 0 : i32
    %dma_wait3A_1537 = tpu.memref_slice %arg3[%select_n3A_1003, %sub3A_1006, %sub3A_953, %dma_wait3A_1535, %dma_wait3A_1536] : memref<8x3x8x224x224xf32, #tpu.memory_space<hbm>> -> memref<1x1x1x112x224xf32, #tpu.memory_space<hbm>>
    %dma_wait3A_1538 = tpu.memref_squeeze %dma_wait3A_1537 : memref<1x1x1x112x224xf32, #tpu.memory_space<hbm>> -> memref<112x224xf32, #tpu.memory_space<hbm>>
    %dma_wait3A_1539 = arith.constant 0 : i32
    %dma_wait3A_1540 = arith.constant 0 : i32
    %dma_wait3A_1541 = tpu.memref_slice %arg4[%dma_wait3A_1523, %dma_wait3A_1539, %dma_wait3A_1540] : memref<4x112x224xf32, #tpu.memory_space<vmem>> -> memref<1x112x224xf32, #tpu.memory_space<vmem>>
    %dma_wait3A_1542 = tpu.memref_squeeze %dma_wait3A_1541 : memref<1x112x224xf32, #tpu.memory_space<vmem>> -> memref<112x224xf32, #tpu.memory_space<vmem>>
    tpu.wait_dma2 semaphore(%dma_wait3A_1534 : memref<!tpu.dma_semaphore, #tpu.memory_space<semaphore_mem>>) src(%dma_wait3A_1542 : memref<112x224xf32, #tpu.memory_space<vmem>>) dst(%dma_wait3A_1538 : memref<112x224xf32, #tpu.memory_space<hbm>>)
    %mul3A_1543 = arith.constant 6 : i32
    %mul3A_1544 = arith.muli %add3A, %mul3A_1543 : i32
    %add3A_1545 = arith.constant 3 : i32
    %add3A_1546 = arith.addi %mul3A_1544, %add3A_1545 : i32
    %jit3A_1547 = arith.constant 8 : i32
    %div3A_1548 = arith.divsi %add3A_1546, %jit3A_1547 : i32
    %sign3A_1549 = arith.constant 0 : i32
    %sign3A_1550 = arith.cmpi sgt, %add3A_1546, %sign3A_1549 : i32
    %sign3A_1551 = arith.extui %sign3A_1550 : i1 to i32
    %sign3A_1552 = arith.constant 0 : i32
    %sign3A_1553 = arith.cmpi slt, %add3A_1546, %sign3A_1552 : i32
    %sign3A_1554 = arith.extui %sign3A_1553 : i1 to i32
    %sign3A_1555 = arith.subi %sign3A_1551, %sign3A_1554 : i32
    %sign3A_1556 = arith.constant 0 : i32
    %sign3A_1557 = arith.cmpi sgt, %jit3A_1547, %sign3A_1556 : i32
    %sign3A_1558 = arith.extui %sign3A_1557 : i1 to i32
    %sign3A_1559 = arith.constant 0 : i32
    %sign3A_1560 = arith.cmpi slt, %jit3A_1547, %sign3A_1559 : i32
    %sign3A_1561 = arith.extui %sign3A_1560 : i1 to i32
    %sign3A_1562 = arith.subi %sign3A_1558, %sign3A_1561 : i32
    %ne3A_1563 = arith.cmpi ne, %sign3A_1555, %sign3A_1562 : i32
    %rem3A_1564 = arith.remsi %add3A_1546, %jit3A_1547 : i32
    %ne3A_1565 = arith.constant 0 : i32
    %ne3A_1566 = arith.cmpi ne, %rem3A_1564, %ne3A_1565 : i32
    %and3A_1567 = arith.andi %ne3A_1563, %ne3A_1566 : i1
    %sub3A_1568 = arith.constant 1 : i32
    %sub3A_1569 = arith.subi %div3A_1548, %sub3A_1568 : i32
    %select_n3A_1570 = arith.select %and3A_1567, %sub3A_1569, %div3A_1548 : i32
    %mul3A_1571 = arith.constant 8 : i32
    %mul3A_1572 = arith.muli %select_n3A_1570, %mul3A_1571 : i32
    %sub3A_1573 = arith.subi %add3A_1546, %mul3A_1572 : i32
    %mul3A_1574 = arith.constant 31 : i32
    %mul3A_1575 = arith.muli %mul3A_1574, %sub3A_1573 : i32
    %jit3A_1576 = arith.constant 7 : i32
    %div3A_1577 = arith.divsi %mul3A_1575, %jit3A_1576 : i32
    %sign3A_1578 = arith.constant 0 : i32
    %sign3A_1579 = arith.cmpi sgt, %mul3A_1575, %sign3A_1578 : i32
    %sign3A_1580 = arith.extui %sign3A_1579 : i1 to i32
    %sign3A_1581 = arith.constant 0 : i32
    %sign3A_1582 = arith.cmpi slt, %mul3A_1575, %sign3A_1581 : i32
    %sign3A_1583 = arith.extui %sign3A_1582 : i1 to i32
    %sign3A_1584 = arith.subi %sign3A_1580, %sign3A_1583 : i32
    %sign3A_1585 = arith.constant 0 : i32
    %sign3A_1586 = arith.cmpi sgt, %jit3A_1576, %sign3A_1585 : i32
    %sign3A_1587 = arith.extui %sign3A_1586 : i1 to i32
    %sign3A_1588 = arith.constant 0 : i32
    %sign3A_1589 = arith.cmpi slt, %jit3A_1576, %sign3A_1588 : i32
    %sign3A_1590 = arith.extui %sign3A_1589 : i1 to i32
    %sign3A_1591 = arith.subi %sign3A_1587, %sign3A_1590 : i32
    %ne3A_1592 = arith.cmpi ne, %sign3A_1584, %sign3A_1591 : i32
    %rem3A_1593 = arith.remsi %mul3A_1575, %jit3A_1576 : i32
    %ne3A_1594 = arith.constant 0 : i32
    %ne3A_1595 = arith.cmpi ne, %rem3A_1593, %ne3A_1594 : i32
    %and3A_1596 = arith.andi %ne3A_1592, %ne3A_1595 : i1
    %sub3A_1597 = arith.constant 1 : i32
    %sub3A_1598 = arith.subi %div3A_1577, %sub3A_1597 : i32
    %select_n3A_1599 = arith.select %and3A_1596, %sub3A_1598, %div3A_1577 : i32
    %jit3A_1600 = arith.constant 3 : i32
    %div3A_1601 = arith.divsi %select_n3A_1570, %jit3A_1600 : i32
    %sign3A_1602 = arith.constant 0 : i32
    %sign3A_1603 = arith.cmpi sgt, %select_n3A_1570, %sign3A_1602 : i32
    %sign3A_1604 = arith.extui %sign3A_1603 : i1 to i32
    %sign3A_1605 = arith.constant 0 : i32
    %sign3A_1606 = arith.cmpi slt, %select_n3A_1570, %sign3A_1605 : i32
    %sign3A_1607 = arith.extui %sign3A_1606 : i1 to i32
    %sign3A_1608 = arith.subi %sign3A_1604, %sign3A_1607 : i32
    %sign3A_1609 = arith.constant 0 : i32
    %sign3A_1610 = arith.cmpi sgt, %jit3A_1600, %sign3A_1609 : i32
    %sign3A_1611 = arith.extui %sign3A_1610 : i1 to i32
    %sign3A_1612 = arith.constant 0 : i32
    %sign3A_1613 = arith.cmpi slt, %jit3A_1600, %sign3A_1612 : i32
    %sign3A_1614 = arith.extui %sign3A_1613 : i1 to i32
    %sign3A_1615 = arith.subi %sign3A_1611, %sign3A_1614 : i32
    %ne3A_1616 = arith.cmpi ne, %sign3A_1608, %sign3A_1615 : i32
    %rem3A_1617 = arith.remsi %select_n3A_1570, %jit3A_1600 : i32
    %ne3A_1618 = arith.constant 0 : i32
    %ne3A_1619 = arith.cmpi ne, %rem3A_1617, %ne3A_1618 : i32
    %and3A_1620 = arith.andi %ne3A_1616, %ne3A_1619 : i1
    %sub3A_1621 = arith.constant 1 : i32
    %sub3A_1622 = arith.subi %div3A_1601, %sub3A_1621 : i32
    %select_n3A_1623 = arith.select %and3A_1620, %sub3A_1622, %div3A_1601 : i32
    %mul3A_1624 = arith.constant 3 : i32
    %mul3A_1625 = arith.muli %select_n3A_1623, %mul3A_1624 : i32
    %sub3A_1626 = arith.subi %select_n3A_1570, %mul3A_1625 : i32
    %dma_start3A_1627 = arith.constant 3 : i32
    %dma_start3A_1628 = arith.constant 3 : i32
    %dma_start3A_1629 = arith.constant 0 : i32
    %dma_start3A_1630 = arith.constant 0 : i32
    %dma_start3A_1631 = tpu.memref_slice %arg4[%dma_start3A_1627, %dma_start3A_1629, %dma_start3A_1630] : memref<4x112x224xf32, #tpu.memory_space<vmem>> -> memref<1x112x224xf32, #tpu.memory_space<vmem>>
    %dma_start3A_1632 = tpu.memref_squeeze %dma_start3A_1631 : memref<1x112x224xf32, #tpu.memory_space<vmem>> -> memref<112x224xf32, #tpu.memory_space<vmem>>
    %dma_start3A_1633 = arith.constant 112 : i32
    %dma_start3A_1634 = arith.constant 0 : i32
    %dma_start3A_1635 = tpu.memref_slice %arg2[%select_n3A_1623, %sub3A_1626, %select_n3A_1599, %dma_start3A_1633, %dma_start3A_1634] : memref<8x3x32x224x224xf32, #tpu.memory_space<hbm>> -> memref<1x1x1x112x224xf32, #tpu.memory_space<hbm>>
    %dma_start3A_1636 = tpu.memref_squeeze %dma_start3A_1635 : memref<1x1x1x112x224xf32, #tpu.memory_space<hbm>> -> memref<112x224xf32, #tpu.memory_space<hbm>>
    %dma_start3A_1637 = tpu.memref_slice %arg5[%dma_start3A_1628] : memref<4x!tpu.dma_semaphore, #tpu.memory_space<semaphore_mem>> -> memref<1x!tpu.dma_semaphore, #tpu.memory_space<semaphore_mem>>
    %dma_start3A_1638 = tpu.memref_squeeze %dma_start3A_1637 : memref<1x!tpu.dma_semaphore, #tpu.memory_space<semaphore_mem>> -> memref<!tpu.dma_semaphore, #tpu.memory_space<semaphore_mem>>
    %dma_start3A_1639 = arith.constant 0 : i32
    %dma_start3A_1640 = arith.constant 0 : i32
    %dma_start3A_1641 = tpu.memref_slice %arg4[%dma_start3A_1627, %dma_start3A_1639, %dma_start3A_1640] : memref<4x112x224xf32, #tpu.memory_space<vmem>> -> memref<1x112x224xf32, #tpu.memory_space<vmem>>
    %dma_start3A_1642 = tpu.memref_squeeze %dma_start3A_1641 : memref<1x112x224xf32, #tpu.memory_space<vmem>> -> memref<112x224xf32, #tpu.memory_space<vmem>>
    %dma_start3A_1643 = arith.constant 112 : i32
    %dma_start3A_1644 = arith.constant 0 : i32
    %dma_start3A_1645 = tpu.memref_slice %arg2[%select_n3A_1623, %sub3A_1626, %select_n3A_1599, %dma_start3A_1643, %dma_start3A_1644] : memref<8x3x32x224x224xf32, #tpu.memory_space<hbm>> -> memref<1x1x1x112x224xf32, #tpu.memory_space<hbm>>
    %dma_start3A_1646 = tpu.memref_squeeze %dma_start3A_1645 : memref<1x1x1x112x224xf32, #tpu.memory_space<hbm>> -> memref<112x224xf32, #tpu.memory_space<hbm>>
    tpu.enqueue_dma source(%dma_start3A_1646 : memref<112x224xf32, #tpu.memory_space<hbm>>) target(%dma_start3A_1642 : memref<112x224xf32, #tpu.memory_space<vmem>>) target_semaphore(%dma_start3A_1638 : memref<!tpu.dma_semaphore, #tpu.memory_space<semaphore_mem>>)
    %dma_wait3A_1647 = arith.constant 2 : i32
    %dma_wait3A_1648 = arith.constant 2 : i32
    %dma_wait3A_1649 = arith.constant 0 : i32
    %dma_wait3A_1650 = arith.constant 0 : i32
    %dma_wait3A_1651 = tpu.memref_slice %arg4[%dma_wait3A_1647, %dma_wait3A_1649, %dma_wait3A_1650] : memref<4x112x224xf32, #tpu.memory_space<vmem>> -> memref<1x112x224xf32, #tpu.memory_space<vmem>>
    %dma_wait3A_1652 = tpu.memref_squeeze %dma_wait3A_1651 : memref<1x112x224xf32, #tpu.memory_space<vmem>> -> memref<112x224xf32, #tpu.memory_space<vmem>>
    %dma_wait3A_1653 = arith.constant 0 : i32
    %dma_wait3A_1654 = arith.constant 0 : i32
    %dma_wait3A_1655 = tpu.memref_slice %arg2[%select_n3A_1375, %sub3A_1378, %select_n3A_1351, %dma_wait3A_1653, %dma_wait3A_1654] : memref<8x3x32x224x224xf32, #tpu.memory_space<hbm>> -> memref<1x1x1x112x224xf32, #tpu.memory_space<hbm>>
    %dma_wait3A_1656 = tpu.memref_squeeze %dma_wait3A_1655 : memref<1x1x1x112x224xf32, #tpu.memory_space<hbm>> -> memref<112x224xf32, #tpu.memory_space<hbm>>
    %dma_wait3A_1657 = tpu.memref_slice %arg5[%dma_wait3A_1648] : memref<4x!tpu.dma_semaphore, #tpu.memory_space<semaphore_mem>> -> memref<1x!tpu.dma_semaphore, #tpu.memory_space<semaphore_mem>>
    %dma_wait3A_1658 = tpu.memref_squeeze %dma_wait3A_1657 : memref<1x!tpu.dma_semaphore, #tpu.memory_space<semaphore_mem>> -> memref<!tpu.dma_semaphore, #tpu.memory_space<semaphore_mem>>
    %dma_wait3A_1659 = arith.constant 0 : i32
    %dma_wait3A_1660 = arith.constant 0 : i32
    %dma_wait3A_1661 = tpu.memref_slice %arg4[%dma_wait3A_1647, %dma_wait3A_1659, %dma_wait3A_1660] : memref<4x112x224xf32, #tpu.memory_space<vmem>> -> memref<1x112x224xf32, #tpu.memory_space<vmem>>
    %dma_wait3A_1662 = tpu.memref_squeeze %dma_wait3A_1661 : memref<1x112x224xf32, #tpu.memory_space<vmem>> -> memref<112x224xf32, #tpu.memory_space<vmem>>
    %dma_wait3A_1663 = arith.constant 0 : i32
    %dma_wait3A_1664 = arith.constant 0 : i32
    %dma_wait3A_1665 = tpu.memref_slice %arg2[%select_n3A_1375, %sub3A_1378, %select_n3A_1351, %dma_wait3A_1663, %dma_wait3A_1664] : memref<8x3x32x224x224xf32, #tpu.memory_space<hbm>> -> memref<1x1x1x112x224xf32, #tpu.memory_space<hbm>>
    %dma_wait3A_1666 = tpu.memref_squeeze %dma_wait3A_1665 : memref<1x1x1x112x224xf32, #tpu.memory_space<hbm>> -> memref<112x224xf32, #tpu.memory_space<hbm>>
    tpu.wait_dma2 semaphore(%dma_wait3A_1658 : memref<!tpu.dma_semaphore, #tpu.memory_space<semaphore_mem>>) src(%dma_wait3A_1666 : memref<112x224xf32, #tpu.memory_space<hbm>>) dst(%dma_wait3A_1662 : memref<112x224xf32, #tpu.memory_space<vmem>>)
    %mul3A_1667 = arith.constant 6 : i32
    %mul3A_1668 = arith.muli %add3A, %mul3A_1667 : i32
    %add3A_1669 = arith.constant 3 : i32
    %add3A_1670 = arith.addi %mul3A_1668, %add3A_1669 : i32
    %jit3A_1671 = arith.constant 8 : i32
    %div3A_1672 = arith.divsi %add3A_1670, %jit3A_1671 : i32
    %sign3A_1673 = arith.constant 0 : i32
    %sign3A_1674 = arith.cmpi sgt, %add3A_1670, %sign3A_1673 : i32
    %sign3A_1675 = arith.extui %sign3A_1674 : i1 to i32
    %sign3A_1676 = arith.constant 0 : i32
    %sign3A_1677 = arith.cmpi slt, %add3A_1670, %sign3A_1676 : i32
    %sign3A_1678 = arith.extui %sign3A_1677 : i1 to i32
    %sign3A_1679 = arith.subi %sign3A_1675, %sign3A_1678 : i32
    %sign3A_1680 = arith.constant 0 : i32
    %sign3A_1681 = arith.cmpi sgt, %jit3A_1671, %sign3A_1680 : i32
    %sign3A_1682 = arith.extui %sign3A_1681 : i1 to i32
    %sign3A_1683 = arith.constant 0 : i32
    %sign3A_1684 = arith.cmpi slt, %jit3A_1671, %sign3A_1683 : i32
    %sign3A_1685 = arith.extui %sign3A_1684 : i1 to i32
    %sign3A_1686 = arith.subi %sign3A_1682, %sign3A_1685 : i32
    %ne3A_1687 = arith.cmpi ne, %sign3A_1679, %sign3A_1686 : i32
    %rem3A_1688 = arith.remsi %add3A_1670, %jit3A_1671 : i32
    %ne3A_1689 = arith.constant 0 : i32
    %ne3A_1690 = arith.cmpi ne, %rem3A_1688, %ne3A_1689 : i32
    %and3A_1691 = arith.andi %ne3A_1687, %ne3A_1690 : i1
    %sub3A_1692 = arith.constant 1 : i32
    %sub3A_1693 = arith.subi %div3A_1672, %sub3A_1692 : i32
    %select_n3A_1694 = arith.select %and3A_1691, %sub3A_1693, %div3A_1672 : i32
    %mul3A_1695 = arith.constant 8 : i32
    %mul3A_1696 = arith.muli %select_n3A_1694, %mul3A_1695 : i32
    %sub3A_1697 = arith.subi %add3A_1670, %mul3A_1696 : i32
    %mul3A_1698 = arith.constant 31 : i32
    %mul3A_1699 = arith.muli %mul3A_1698, %sub3A_1697 : i32
    %jit3A_1700 = arith.constant 7 : i32
    %div3A_1701 = arith.divsi %mul3A_1699, %jit3A_1700 : i32
    %sign3A_1702 = arith.constant 0 : i32
    %sign3A_1703 = arith.cmpi sgt, %mul3A_1699, %sign3A_1702 : i32
    %sign3A_1704 = arith.extui %sign3A_1703 : i1 to i32
    %sign3A_1705 = arith.constant 0 : i32
    %sign3A_1706 = arith.cmpi slt, %mul3A_1699, %sign3A_1705 : i32
    %sign3A_1707 = arith.extui %sign3A_1706 : i1 to i32
    %sign3A_1708 = arith.subi %sign3A_1704, %sign3A_1707 : i32
    %sign3A_1709 = arith.constant 0 : i32
    %sign3A_1710 = arith.cmpi sgt, %jit3A_1700, %sign3A_1709 : i32
    %sign3A_1711 = arith.extui %sign3A_1710 : i1 to i32
    %sign3A_1712 = arith.constant 0 : i32
    %sign3A_1713 = arith.cmpi slt, %jit3A_1700, %sign3A_1712 : i32
    %sign3A_1714 = arith.extui %sign3A_1713 : i1 to i32
    %sign3A_1715 = arith.subi %sign3A_1711, %sign3A_1714 : i32
    %ne3A_1716 = arith.cmpi ne, %sign3A_1708, %sign3A_1715 : i32
    %rem3A_1717 = arith.remsi %mul3A_1699, %jit3A_1700 : i32
    %ne3A_1718 = arith.constant 0 : i32
    %ne3A_1719 = arith.cmpi ne, %rem3A_1717, %ne3A_1718 : i32
    %and3A_1720 = arith.andi %ne3A_1716, %ne3A_1719 : i1
    %sub3A_1721 = arith.constant 1 : i32
    %sub3A_1722 = arith.subi %div3A_1701, %sub3A_1721 : i32
    %select_n3A_1723 = arith.select %and3A_1720, %sub3A_1722, %div3A_1701 : i32
    %jit3A_1724 = arith.constant 3 : i32
    %div3A_1725 = arith.divsi %select_n3A_1694, %jit3A_1724 : i32
    %sign3A_1726 = arith.constant 0 : i32
    %sign3A_1727 = arith.cmpi sgt, %select_n3A_1694, %sign3A_1726 : i32
    %sign3A_1728 = arith.extui %sign3A_1727 : i1 to i32
    %sign3A_1729 = arith.constant 0 : i32
    %sign3A_1730 = arith.cmpi slt, %select_n3A_1694, %sign3A_1729 : i32
    %sign3A_1731 = arith.extui %sign3A_1730 : i1 to i32
    %sign3A_1732 = arith.subi %sign3A_1728, %sign3A_1731 : i32
    %sign3A_1733 = arith.constant 0 : i32
    %sign3A_1734 = arith.cmpi sgt, %jit3A_1724, %sign3A_1733 : i32
    %sign3A_1735 = arith.extui %sign3A_1734 : i1 to i32
    %sign3A_1736 = arith.constant 0 : i32
    %sign3A_1737 = arith.cmpi slt, %jit3A_1724, %sign3A_1736 : i32
    %sign3A_1738 = arith.extui %sign3A_1737 : i1 to i32
    %sign3A_1739 = arith.subi %sign3A_1735, %sign3A_1738 : i32
    %ne3A_1740 = arith.cmpi ne, %sign3A_1732, %sign3A_1739 : i32
    %rem3A_1741 = arith.remsi %select_n3A_1694, %jit3A_1724 : i32
    %ne3A_1742 = arith.constant 0 : i32
    %ne3A_1743 = arith.cmpi ne, %rem3A_1741, %ne3A_1742 : i32
    %and3A_1744 = arith.andi %ne3A_1740, %ne3A_1743 : i1
    %sub3A_1745 = arith.constant 1 : i32
    %sub3A_1746 = arith.subi %div3A_1725, %sub3A_1745 : i32
    %select_n3A_1747 = arith.select %and3A_1744, %sub3A_1746, %div3A_1725 : i32
    %mul3A_1748 = arith.constant 3 : i32
    %mul3A_1749 = arith.muli %select_n3A_1747, %mul3A_1748 : i32
    %sub3A_1750 = arith.subi %select_n3A_1694, %mul3A_1749 : i32
    %dma_start3A_1751 = arith.constant 2 : i32
    %dma_start3A_1752 = arith.constant 2 : i32
    %dma_start3A_1753 = arith.constant 0 : i32
    %dma_start3A_1754 = arith.constant 0 : i32
    %dma_start3A_1755 = tpu.memref_slice %arg4[%dma_start3A_1751, %dma_start3A_1753, %dma_start3A_1754] : memref<4x112x224xf32, #tpu.memory_space<vmem>> -> memref<1x112x224xf32, #tpu.memory_space<vmem>>
    %dma_start3A_1756 = tpu.memref_squeeze %dma_start3A_1755 : memref<1x112x224xf32, #tpu.memory_space<vmem>> -> memref<112x224xf32, #tpu.memory_space<vmem>>
    %dma_start3A_1757 = arith.constant 0 : i32
    %dma_start3A_1758 = arith.constant 0 : i32
    %dma_start3A_1759 = tpu.memref_slice %arg3[%select_n3A_1747, %sub3A_1750, %sub3A_1697, %dma_start3A_1757, %dma_start3A_1758] : memref<8x3x8x224x224xf32, #tpu.memory_space<hbm>> -> memref<1x1x1x112x224xf32, #tpu.memory_space<hbm>>
    %dma_start3A_1760 = tpu.memref_squeeze %dma_start3A_1759 : memref<1x1x1x112x224xf32, #tpu.memory_space<hbm>> -> memref<112x224xf32, #tpu.memory_space<hbm>>
    %dma_start3A_1761 = tpu.memref_slice %arg6[%dma_start3A_1752] : memref<4x!tpu.dma_semaphore, #tpu.memory_space<semaphore_mem>> -> memref<1x!tpu.dma_semaphore, #tpu.memory_space<semaphore_mem>>
    %dma_start3A_1762 = tpu.memref_squeeze %dma_start3A_1761 : memref<1x!tpu.dma_semaphore, #tpu.memory_space<semaphore_mem>> -> memref<!tpu.dma_semaphore, #tpu.memory_space<semaphore_mem>>
    %dma_start3A_1763 = arith.constant 0 : i32
    %dma_start3A_1764 = arith.constant 0 : i32
    %dma_start3A_1765 = tpu.memref_slice %arg3[%select_n3A_1747, %sub3A_1750, %sub3A_1697, %dma_start3A_1763, %dma_start3A_1764] : memref<8x3x8x224x224xf32, #tpu.memory_space<hbm>> -> memref<1x1x1x112x224xf32, #tpu.memory_space<hbm>>
    %dma_start3A_1766 = tpu.memref_squeeze %dma_start3A_1765 : memref<1x1x1x112x224xf32, #tpu.memory_space<hbm>> -> memref<112x224xf32, #tpu.memory_space<hbm>>
    %dma_start3A_1767 = arith.constant 0 : i32
    %dma_start3A_1768 = arith.constant 0 : i32
    %dma_start3A_1769 = tpu.memref_slice %arg4[%dma_start3A_1751, %dma_start3A_1767, %dma_start3A_1768] : memref<4x112x224xf32, #tpu.memory_space<vmem>> -> memref<1x112x224xf32, #tpu.memory_space<vmem>>
    %dma_start3A_1770 = tpu.memref_squeeze %dma_start3A_1769 : memref<1x112x224xf32, #tpu.memory_space<vmem>> -> memref<112x224xf32, #tpu.memory_space<vmem>>
    tpu.enqueue_dma source(%dma_start3A_1770 : memref<112x224xf32, #tpu.memory_space<vmem>>) target(%dma_start3A_1766 : memref<112x224xf32, #tpu.memory_space<hbm>>) target_semaphore(%dma_start3A_1762 : memref<!tpu.dma_semaphore, #tpu.memory_space<semaphore_mem>>)
    %dma_wait3A_1771 = arith.constant 0 : i32
    %dma_wait3A_1772 = arith.constant 0 : i32
    %dma_wait3A_1773 = arith.constant 0 : i32
    %dma_wait3A_1774 = arith.constant 0 : i32
    %dma_wait3A_1775 = tpu.memref_slice %arg4[%dma_wait3A_1771, %dma_wait3A_1773, %dma_wait3A_1774] : memref<4x112x224xf32, #tpu.memory_space<vmem>> -> memref<1x112x224xf32, #tpu.memory_space<vmem>>
    %dma_wait3A_1776 = tpu.memref_squeeze %dma_wait3A_1775 : memref<1x112x224xf32, #tpu.memory_space<vmem>> -> memref<112x224xf32, #tpu.memory_space<vmem>>
    %dma_wait3A_1777 = arith.constant 0 : i32
    %dma_wait3A_1778 = arith.constant 0 : i32
    %dma_wait3A_1779 = tpu.memref_slice %arg3[%select_n3A_1251, %sub3A_1254, %sub3A_1201, %dma_wait3A_1777, %dma_wait3A_1778] : memref<8x3x8x224x224xf32, #tpu.memory_space<hbm>> -> memref<1x1x1x112x224xf32, #tpu.memory_space<hbm>>
    %dma_wait3A_1780 = tpu.memref_squeeze %dma_wait3A_1779 : memref<1x1x1x112x224xf32, #tpu.memory_space<hbm>> -> memref<112x224xf32, #tpu.memory_space<hbm>>
    %dma_wait3A_1781 = tpu.memref_slice %arg6[%dma_wait3A_1772] : memref<4x!tpu.dma_semaphore, #tpu.memory_space<semaphore_mem>> -> memref<1x!tpu.dma_semaphore, #tpu.memory_space<semaphore_mem>>
    %dma_wait3A_1782 = tpu.memref_squeeze %dma_wait3A_1781 : memref<1x!tpu.dma_semaphore, #tpu.memory_space<semaphore_mem>> -> memref<!tpu.dma_semaphore, #tpu.memory_space<semaphore_mem>>
    %dma_wait3A_1783 = arith.constant 0 : i32
    %dma_wait3A_1784 = arith.constant 0 : i32
    %dma_wait3A_1785 = tpu.memref_slice %arg3[%select_n3A_1251, %sub3A_1254, %sub3A_1201, %dma_wait3A_1783, %dma_wait3A_1784] : memref<8x3x8x224x224xf32, #tpu.memory_space<hbm>> -> memref<1x1x1x112x224xf32, #tpu.memory_space<hbm>>
    %dma_wait3A_1786 = tpu.memref_squeeze %dma_wait3A_1785 : memref<1x1x1x112x224xf32, #tpu.memory_space<hbm>> -> memref<112x224xf32, #tpu.memory_space<hbm>>
    %dma_wait3A_1787 = arith.constant 0 : i32
    %dma_wait3A_1788 = arith.constant 0 : i32
    %dma_wait3A_1789 = tpu.memref_slice %arg4[%dma_wait3A_1771, %dma_wait3A_1787, %dma_wait3A_1788] : memref<4x112x224xf32, #tpu.memory_space<vmem>> -> memref<1x112x224xf32, #tpu.memory_space<vmem>>
    %dma_wait3A_1790 = tpu.memref_squeeze %dma_wait3A_1789 : memref<1x112x224xf32, #tpu.memory_space<vmem>> -> memref<112x224xf32, #tpu.memory_space<vmem>>
    tpu.wait_dma2 semaphore(%dma_wait3A_1782 : memref<!tpu.dma_semaphore, #tpu.memory_space<semaphore_mem>>) src(%dma_wait3A_1790 : memref<112x224xf32, #tpu.memory_space<vmem>>) dst(%dma_wait3A_1786 : memref<112x224xf32, #tpu.memory_space<hbm>>)
    %mul3A_1791 = arith.constant 6 : i32
    %mul3A_1792 = arith.muli %add3A, %mul3A_1791 : i32
    %add3A_1793 = arith.constant 4 : i32
    %add3A_1794 = arith.addi %mul3A_1792, %add3A_1793 : i32
    %jit3A_1795 = arith.constant 8 : i32
    %div3A_1796 = arith.divsi %add3A_1794, %jit3A_1795 : i32
    %sign3A_1797 = arith.constant 0 : i32
    %sign3A_1798 = arith.cmpi sgt, %add3A_1794, %sign3A_1797 : i32
    %sign3A_1799 = arith.extui %sign3A_1798 : i1 to i32
    %sign3A_1800 = arith.constant 0 : i32
    %sign3A_1801 = arith.cmpi slt, %add3A_1794, %sign3A_1800 : i32
    %sign3A_1802 = arith.extui %sign3A_1801 : i1 to i32
    %sign3A_1803 = arith.subi %sign3A_1799, %sign3A_1802 : i32
    %sign3A_1804 = arith.constant 0 : i32
    %sign3A_1805 = arith.cmpi sgt, %jit3A_1795, %sign3A_1804 : i32
    %sign3A_1806 = arith.extui %sign3A_1805 : i1 to i32
    %sign3A_1807 = arith.constant 0 : i32
    %sign3A_1808 = arith.cmpi slt, %jit3A_1795, %sign3A_1807 : i32
    %sign3A_1809 = arith.extui %sign3A_1808 : i1 to i32
    %sign3A_1810 = arith.subi %sign3A_1806, %sign3A_1809 : i32
    %ne3A_1811 = arith.cmpi ne, %sign3A_1803, %sign3A_1810 : i32
    %rem3A_1812 = arith.remsi %add3A_1794, %jit3A_1795 : i32
    %ne3A_1813 = arith.constant 0 : i32
    %ne3A_1814 = arith.cmpi ne, %rem3A_1812, %ne3A_1813 : i32
    %and3A_1815 = arith.andi %ne3A_1811, %ne3A_1814 : i1
    %sub3A_1816 = arith.constant 1 : i32
    %sub3A_1817 = arith.subi %div3A_1796, %sub3A_1816 : i32
    %select_n3A_1818 = arith.select %and3A_1815, %sub3A_1817, %div3A_1796 : i32
    %mul3A_1819 = arith.constant 8 : i32
    %mul3A_1820 = arith.muli %select_n3A_1818, %mul3A_1819 : i32
    %sub3A_1821 = arith.subi %add3A_1794, %mul3A_1820 : i32
    %mul3A_1822 = arith.constant 31 : i32
    %mul3A_1823 = arith.muli %mul3A_1822, %sub3A_1821 : i32
    %jit3A_1824 = arith.constant 7 : i32
    %div3A_1825 = arith.divsi %mul3A_1823, %jit3A_1824 : i32
    %sign3A_1826 = arith.constant 0 : i32
    %sign3A_1827 = arith.cmpi sgt, %mul3A_1823, %sign3A_1826 : i32
    %sign3A_1828 = arith.extui %sign3A_1827 : i1 to i32
    %sign3A_1829 = arith.constant 0 : i32
    %sign3A_1830 = arith.cmpi slt, %mul3A_1823, %sign3A_1829 : i32
    %sign3A_1831 = arith.extui %sign3A_1830 : i1 to i32
    %sign3A_1832 = arith.subi %sign3A_1828, %sign3A_1831 : i32
    %sign3A_1833 = arith.constant 0 : i32
    %sign3A_1834 = arith.cmpi sgt, %jit3A_1824, %sign3A_1833 : i32
    %sign3A_1835 = arith.extui %sign3A_1834 : i1 to i32
    %sign3A_1836 = arith.constant 0 : i32
    %sign3A_1837 = arith.cmpi slt, %jit3A_1824, %sign3A_1836 : i32
    %sign3A_1838 = arith.extui %sign3A_1837 : i1 to i32
    %sign3A_1839 = arith.subi %sign3A_1835, %sign3A_1838 : i32
    %ne3A_1840 = arith.cmpi ne, %sign3A_1832, %sign3A_1839 : i32
    %rem3A_1841 = arith.remsi %mul3A_1823, %jit3A_1824 : i32
    %ne3A_1842 = arith.constant 0 : i32
    %ne3A_1843 = arith.cmpi ne, %rem3A_1841, %ne3A_1842 : i32
    %and3A_1844 = arith.andi %ne3A_1840, %ne3A_1843 : i1
    %sub3A_1845 = arith.constant 1 : i32
    %sub3A_1846 = arith.subi %div3A_1825, %sub3A_1845 : i32
    %select_n3A_1847 = arith.select %and3A_1844, %sub3A_1846, %div3A_1825 : i32
    %jit3A_1848 = arith.constant 3 : i32
    %div3A_1849 = arith.divsi %select_n3A_1818, %jit3A_1848 : i32
    %sign3A_1850 = arith.constant 0 : i32
    %sign3A_1851 = arith.cmpi sgt, %select_n3A_1818, %sign3A_1850 : i32
    %sign3A_1852 = arith.extui %sign3A_1851 : i1 to i32
    %sign3A_1853 = arith.constant 0 : i32
    %sign3A_1854 = arith.cmpi slt, %select_n3A_1818, %sign3A_1853 : i32
    %sign3A_1855 = arith.extui %sign3A_1854 : i1 to i32
    %sign3A_1856 = arith.subi %sign3A_1852, %sign3A_1855 : i32
    %sign3A_1857 = arith.constant 0 : i32
    %sign3A_1858 = arith.cmpi sgt, %jit3A_1848, %sign3A_1857 : i32
    %sign3A_1859 = arith.extui %sign3A_1858 : i1 to i32
    %sign3A_1860 = arith.constant 0 : i32
    %sign3A_1861 = arith.cmpi slt, %jit3A_1848, %sign3A_1860 : i32
    %sign3A_1862 = arith.extui %sign3A_1861 : i1 to i32
    %sign3A_1863 = arith.subi %sign3A_1859, %sign3A_1862 : i32
    %ne3A_1864 = arith.cmpi ne, %sign3A_1856, %sign3A_1863 : i32
    %rem3A_1865 = arith.remsi %select_n3A_1818, %jit3A_1848 : i32
    %ne3A_1866 = arith.constant 0 : i32
    %ne3A_1867 = arith.cmpi ne, %rem3A_1865, %ne3A_1866 : i32
    %and3A_1868 = arith.andi %ne3A_1864, %ne3A_1867 : i1
    %sub3A_1869 = arith.constant 1 : i32
    %sub3A_1870 = arith.subi %div3A_1849, %sub3A_1869 : i32
    %select_n3A_1871 = arith.select %and3A_1868, %sub3A_1870, %div3A_1849 : i32
    %mul3A_1872 = arith.constant 3 : i32
    %mul3A_1873 = arith.muli %select_n3A_1871, %mul3A_1872 : i32
    %sub3A_1874 = arith.subi %select_n3A_1818, %mul3A_1873 : i32
    %dma_start3A_1875 = arith.constant 0 : i32
    %dma_start3A_1876 = arith.constant 0 : i32
    %dma_start3A_1877 = arith.constant 0 : i32
    %dma_start3A_1878 = arith.constant 0 : i32
    %dma_start3A_1879 = tpu.memref_slice %arg4[%dma_start3A_1875, %dma_start3A_1877, %dma_start3A_1878] : memref<4x112x224xf32, #tpu.memory_space<vmem>> -> memref<1x112x224xf32, #tpu.memory_space<vmem>>
    %dma_start3A_1880 = tpu.memref_squeeze %dma_start3A_1879 : memref<1x112x224xf32, #tpu.memory_space<vmem>> -> memref<112x224xf32, #tpu.memory_space<vmem>>
    %dma_start3A_1881 = arith.constant 0 : i32
    %dma_start3A_1882 = arith.constant 0 : i32
    %dma_start3A_1883 = tpu.memref_slice %arg2[%select_n3A_1871, %sub3A_1874, %select_n3A_1847, %dma_start3A_1881, %dma_start3A_1882] : memref<8x3x32x224x224xf32, #tpu.memory_space<hbm>> -> memref<1x1x1x112x224xf32, #tpu.memory_space<hbm>>
    %dma_start3A_1884 = tpu.memref_squeeze %dma_start3A_1883 : memref<1x1x1x112x224xf32, #tpu.memory_space<hbm>> -> memref<112x224xf32, #tpu.memory_space<hbm>>
    %dma_start3A_1885 = tpu.memref_slice %arg5[%dma_start3A_1876] : memref<4x!tpu.dma_semaphore, #tpu.memory_space<semaphore_mem>> -> memref<1x!tpu.dma_semaphore, #tpu.memory_space<semaphore_mem>>
    %dma_start3A_1886 = tpu.memref_squeeze %dma_start3A_1885 : memref<1x!tpu.dma_semaphore, #tpu.memory_space<semaphore_mem>> -> memref<!tpu.dma_semaphore, #tpu.memory_space<semaphore_mem>>
    %dma_start3A_1887 = arith.constant 0 : i32
    %dma_start3A_1888 = arith.constant 0 : i32
    %dma_start3A_1889 = tpu.memref_slice %arg4[%dma_start3A_1875, %dma_start3A_1887, %dma_start3A_1888] : memref<4x112x224xf32, #tpu.memory_space<vmem>> -> memref<1x112x224xf32, #tpu.memory_space<vmem>>
    %dma_start3A_1890 = tpu.memref_squeeze %dma_start3A_1889 : memref<1x112x224xf32, #tpu.memory_space<vmem>> -> memref<112x224xf32, #tpu.memory_space<vmem>>
    %dma_start3A_1891 = arith.constant 0 : i32
    %dma_start3A_1892 = arith.constant 0 : i32
    %dma_start3A_1893 = tpu.memref_slice %arg2[%select_n3A_1871, %sub3A_1874, %select_n3A_1847, %dma_start3A_1891, %dma_start3A_1892] : memref<8x3x32x224x224xf32, #tpu.memory_space<hbm>> -> memref<1x1x1x112x224xf32, #tpu.memory_space<hbm>>
    %dma_start3A_1894 = tpu.memref_squeeze %dma_start3A_1893 : memref<1x1x1x112x224xf32, #tpu.memory_space<hbm>> -> memref<112x224xf32, #tpu.memory_space<hbm>>
    tpu.enqueue_dma source(%dma_start3A_1894 : memref<112x224xf32, #tpu.memory_space<hbm>>) target(%dma_start3A_1890 : memref<112x224xf32, #tpu.memory_space<vmem>>) target_semaphore(%dma_start3A_1886 : memref<!tpu.dma_semaphore, #tpu.memory_space<semaphore_mem>>)
    %dma_wait3A_1895 = arith.constant 3 : i32
    %dma_wait3A_1896 = arith.constant 3 : i32
    %dma_wait3A_1897 = arith.constant 0 : i32
    %dma_wait3A_1898 = arith.constant 0 : i32
    %dma_wait3A_1899 = tpu.memref_slice %arg4[%dma_wait3A_1895, %dma_wait3A_1897, %dma_wait3A_1898] : memref<4x112x224xf32, #tpu.memory_space<vmem>> -> memref<1x112x224xf32, #tpu.memory_space<vmem>>
    %dma_wait3A_1900 = tpu.memref_squeeze %dma_wait3A_1899 : memref<1x112x224xf32, #tpu.memory_space<vmem>> -> memref<112x224xf32, #tpu.memory_space<vmem>>
    %dma_wait3A_1901 = arith.constant 112 : i32
    %dma_wait3A_1902 = arith.constant 0 : i32
    %dma_wait3A_1903 = tpu.memref_slice %arg2[%select_n3A_1623, %sub3A_1626, %select_n3A_1599, %dma_wait3A_1901, %dma_wait3A_1902] : memref<8x3x32x224x224xf32, #tpu.memory_space<hbm>> -> memref<1x1x1x112x224xf32, #tpu.memory_space<hbm>>
    %dma_wait3A_1904 = tpu.memref_squeeze %dma_wait3A_1903 : memref<1x1x1x112x224xf32, #tpu.memory_space<hbm>> -> memref<112x224xf32, #tpu.memory_space<hbm>>
    %dma_wait3A_1905 = tpu.memref_slice %arg5[%dma_wait3A_1896] : memref<4x!tpu.dma_semaphore, #tpu.memory_space<semaphore_mem>> -> memref<1x!tpu.dma_semaphore, #tpu.memory_space<semaphore_mem>>
    %dma_wait3A_1906 = tpu.memref_squeeze %dma_wait3A_1905 : memref<1x!tpu.dma_semaphore, #tpu.memory_space<semaphore_mem>> -> memref<!tpu.dma_semaphore, #tpu.memory_space<semaphore_mem>>
    %dma_wait3A_1907 = arith.constant 0 : i32
    %dma_wait3A_1908 = arith.constant 0 : i32
    %dma_wait3A_1909 = tpu.memref_slice %arg4[%dma_wait3A_1895, %dma_wait3A_1907, %dma_wait3A_1908] : memref<4x112x224xf32, #tpu.memory_space<vmem>> -> memref<1x112x224xf32, #tpu.memory_space<vmem>>
    %dma_wait3A_1910 = tpu.memref_squeeze %dma_wait3A_1909 : memref<1x112x224xf32, #tpu.memory_space<vmem>> -> memref<112x224xf32, #tpu.memory_space<vmem>>
    %dma_wait3A_1911 = arith.constant 112 : i32
    %dma_wait3A_1912 = arith.constant 0 : i32
    %dma_wait3A_1913 = tpu.memref_slice %arg2[%select_n3A_1623, %sub3A_1626, %select_n3A_1599, %dma_wait3A_1911, %dma_wait3A_1912] : memref<8x3x32x224x224xf32, #tpu.memory_space<hbm>> -> memref<1x1x1x112x224xf32, #tpu.memory_space<hbm>>
    %dma_wait3A_1914 = tpu.memref_squeeze %dma_wait3A_1913 : memref<1x1x1x112x224xf32, #tpu.memory_space<hbm>> -> memref<112x224xf32, #tpu.memory_space<hbm>>
    tpu.wait_dma2 semaphore(%dma_wait3A_1906 : memref<!tpu.dma_semaphore, #tpu.memory_space<semaphore_mem>>) src(%dma_wait3A_1914 : memref<112x224xf32, #tpu.memory_space<hbm>>) dst(%dma_wait3A_1910 : memref<112x224xf32, #tpu.memory_space<vmem>>)
    %mul3A_1915 = arith.constant 6 : i32
    %mul3A_1916 = arith.muli %add3A, %mul3A_1915 : i32
    %add3A_1917 = arith.constant 3 : i32
    %add3A_1918 = arith.addi %mul3A_1916, %add3A_1917 : i32
    %jit3A_1919 = arith.constant 8 : i32
    %div3A_1920 = arith.divsi %add3A_1918, %jit3A_1919 : i32
    %sign3A_1921 = arith.constant 0 : i32
    %sign3A_1922 = arith.cmpi sgt, %add3A_1918, %sign3A_1921 : i32
    %sign3A_1923 = arith.extui %sign3A_1922 : i1 to i32
    %sign3A_1924 = arith.constant 0 : i32
    %sign3A_1925 = arith.cmpi slt, %add3A_1918, %sign3A_1924 : i32
    %sign3A_1926 = arith.extui %sign3A_1925 : i1 to i32
    %sign3A_1927 = arith.subi %sign3A_1923, %sign3A_1926 : i32
    %sign3A_1928 = arith.constant 0 : i32
    %sign3A_1929 = arith.cmpi sgt, %jit3A_1919, %sign3A_1928 : i32
    %sign3A_1930 = arith.extui %sign3A_1929 : i1 to i32
    %sign3A_1931 = arith.constant 0 : i32
    %sign3A_1932 = arith.cmpi slt, %jit3A_1919, %sign3A_1931 : i32
    %sign3A_1933 = arith.extui %sign3A_1932 : i1 to i32
    %sign3A_1934 = arith.subi %sign3A_1930, %sign3A_1933 : i32
    %ne3A_1935 = arith.cmpi ne, %sign3A_1927, %sign3A_1934 : i32
    %rem3A_1936 = arith.remsi %add3A_1918, %jit3A_1919 : i32
    %ne3A_1937 = arith.constant 0 : i32
    %ne3A_1938 = arith.cmpi ne, %rem3A_1936, %ne3A_1937 : i32
    %and3A_1939 = arith.andi %ne3A_1935, %ne3A_1938 : i1
    %sub3A_1940 = arith.constant 1 : i32
    %sub3A_1941 = arith.subi %div3A_1920, %sub3A_1940 : i32
    %select_n3A_1942 = arith.select %and3A_1939, %sub3A_1941, %div3A_1920 : i32
    %mul3A_1943 = arith.constant 8 : i32
    %mul3A_1944 = arith.muli %select_n3A_1942, %mul3A_1943 : i32
    %sub3A_1945 = arith.subi %add3A_1918, %mul3A_1944 : i32
    %mul3A_1946 = arith.constant 31 : i32
    %mul3A_1947 = arith.muli %mul3A_1946, %sub3A_1945 : i32
    %jit3A_1948 = arith.constant 7 : i32
    %div3A_1949 = arith.divsi %mul3A_1947, %jit3A_1948 : i32
    %sign3A_1950 = arith.constant 0 : i32
    %sign3A_1951 = arith.cmpi sgt, %mul3A_1947, %sign3A_1950 : i32
    %sign3A_1952 = arith.extui %sign3A_1951 : i1 to i32
    %sign3A_1953 = arith.constant 0 : i32
    %sign3A_1954 = arith.cmpi slt, %mul3A_1947, %sign3A_1953 : i32
    %sign3A_1955 = arith.extui %sign3A_1954 : i1 to i32
    %sign3A_1956 = arith.subi %sign3A_1952, %sign3A_1955 : i32
    %sign3A_1957 = arith.constant 0 : i32
    %sign3A_1958 = arith.cmpi sgt, %jit3A_1948, %sign3A_1957 : i32
    %sign3A_1959 = arith.extui %sign3A_1958 : i1 to i32
    %sign3A_1960 = arith.constant 0 : i32
    %sign3A_1961 = arith.cmpi slt, %jit3A_1948, %sign3A_1960 : i32
    %sign3A_1962 = arith.extui %sign3A_1961 : i1 to i32
    %sign3A_1963 = arith.subi %sign3A_1959, %sign3A_1962 : i32
    %ne3A_1964 = arith.cmpi ne, %sign3A_1956, %sign3A_1963 : i32
    %rem3A_1965 = arith.remsi %mul3A_1947, %jit3A_1948 : i32
    %ne3A_1966 = arith.constant 0 : i32
    %ne3A_1967 = arith.cmpi ne, %rem3A_1965, %ne3A_1966 : i32
    %and3A_1968 = arith.andi %ne3A_1964, %ne3A_1967 : i1
    %sub3A_1969 = arith.constant 1 : i32
    %sub3A_1970 = arith.subi %div3A_1949, %sub3A_1969 : i32
    %select_n3A_1971 = arith.select %and3A_1968, %sub3A_1970, %div3A_1949 : i32
    %jit3A_1972 = arith.constant 3 : i32
    %div3A_1973 = arith.divsi %select_n3A_1942, %jit3A_1972 : i32
    %sign3A_1974 = arith.constant 0 : i32
    %sign3A_1975 = arith.cmpi sgt, %select_n3A_1942, %sign3A_1974 : i32
    %sign3A_1976 = arith.extui %sign3A_1975 : i1 to i32
    %sign3A_1977 = arith.constant 0 : i32
    %sign3A_1978 = arith.cmpi slt, %select_n3A_1942, %sign3A_1977 : i32
    %sign3A_1979 = arith.extui %sign3A_1978 : i1 to i32
    %sign3A_1980 = arith.subi %sign3A_1976, %sign3A_1979 : i32
    %sign3A_1981 = arith.constant 0 : i32
    %sign3A_1982 = arith.cmpi sgt, %jit3A_1972, %sign3A_1981 : i32
    %sign3A_1983 = arith.extui %sign3A_1982 : i1 to i32
    %sign3A_1984 = arith.constant 0 : i32
    %sign3A_1985 = arith.cmpi slt, %jit3A_1972, %sign3A_1984 : i32
    %sign3A_1986 = arith.extui %sign3A_1985 : i1 to i32
    %sign3A_1987 = arith.subi %sign3A_1983, %sign3A_1986 : i32
    %ne3A_1988 = arith.cmpi ne, %sign3A_1980, %sign3A_1987 : i32
    %rem3A_1989 = arith.remsi %select_n3A_1942, %jit3A_1972 : i32
    %ne3A_1990 = arith.constant 0 : i32
    %ne3A_1991 = arith.cmpi ne, %rem3A_1989, %ne3A_1990 : i32
    %and3A_1992 = arith.andi %ne3A_1988, %ne3A_1991 : i1
    %sub3A_1993 = arith.constant 1 : i32
    %sub3A_1994 = arith.subi %div3A_1973, %sub3A_1993 : i32
    %select_n3A_1995 = arith.select %and3A_1992, %sub3A_1994, %div3A_1973 : i32
    %mul3A_1996 = arith.constant 3 : i32
    %mul3A_1997 = arith.muli %select_n3A_1995, %mul3A_1996 : i32
    %sub3A_1998 = arith.subi %select_n3A_1942, %mul3A_1997 : i32
    %dma_start3A_1999 = arith.constant 3 : i32
    %dma_start3A_2000 = arith.constant 3 : i32
    %dma_start3A_2001 = arith.constant 0 : i32
    %dma_start3A_2002 = arith.constant 0 : i32
    %dma_start3A_2003 = tpu.memref_slice %arg4[%dma_start3A_1999, %dma_start3A_2001, %dma_start3A_2002] : memref<4x112x224xf32, #tpu.memory_space<vmem>> -> memref<1x112x224xf32, #tpu.memory_space<vmem>>
    %dma_start3A_2004 = tpu.memref_squeeze %dma_start3A_2003 : memref<1x112x224xf32, #tpu.memory_space<vmem>> -> memref<112x224xf32, #tpu.memory_space<vmem>>
    %dma_start3A_2005 = arith.constant 112 : i32
    %dma_start3A_2006 = arith.constant 0 : i32
    %dma_start3A_2007 = tpu.memref_slice %arg3[%select_n3A_1995, %sub3A_1998, %sub3A_1945, %dma_start3A_2005, %dma_start3A_2006] : memref<8x3x8x224x224xf32, #tpu.memory_space<hbm>> -> memref<1x1x1x112x224xf32, #tpu.memory_space<hbm>>
    %dma_start3A_2008 = tpu.memref_squeeze %dma_start3A_2007 : memref<1x1x1x112x224xf32, #tpu.memory_space<hbm>> -> memref<112x224xf32, #tpu.memory_space<hbm>>
    %dma_start3A_2009 = tpu.memref_slice %arg6[%dma_start3A_2000] : memref<4x!tpu.dma_semaphore, #tpu.memory_space<semaphore_mem>> -> memref<1x!tpu.dma_semaphore, #tpu.memory_space<semaphore_mem>>
    %dma_start3A_2010 = tpu.memref_squeeze %dma_start3A_2009 : memref<1x!tpu.dma_semaphore, #tpu.memory_space<semaphore_mem>> -> memref<!tpu.dma_semaphore, #tpu.memory_space<semaphore_mem>>
    %dma_start3A_2011 = arith.constant 112 : i32
    %dma_start3A_2012 = arith.constant 0 : i32
    %dma_start3A_2013 = tpu.memref_slice %arg3[%select_n3A_1995, %sub3A_1998, %sub3A_1945, %dma_start3A_2011, %dma_start3A_2012] : memref<8x3x8x224x224xf32, #tpu.memory_space<hbm>> -> memref<1x1x1x112x224xf32, #tpu.memory_space<hbm>>
    %dma_start3A_2014 = tpu.memref_squeeze %dma_start3A_2013 : memref<1x1x1x112x224xf32, #tpu.memory_space<hbm>> -> memref<112x224xf32, #tpu.memory_space<hbm>>
    %dma_start3A_2015 = arith.constant 0 : i32
    %dma_start3A_2016 = arith.constant 0 : i32
    %dma_start3A_2017 = tpu.memref_slice %arg4[%dma_start3A_1999, %dma_start3A_2015, %dma_start3A_2016] : memref<4x112x224xf32, #tpu.memory_space<vmem>> -> memref<1x112x224xf32, #tpu.memory_space<vmem>>
    %dma_start3A_2018 = tpu.memref_squeeze %dma_start3A_2017 : memref<1x112x224xf32, #tpu.memory_space<vmem>> -> memref<112x224xf32, #tpu.memory_space<vmem>>
    tpu.enqueue_dma source(%dma_start3A_2018 : memref<112x224xf32, #tpu.memory_space<vmem>>) target(%dma_start3A_2014 : memref<112x224xf32, #tpu.memory_space<hbm>>) target_semaphore(%dma_start3A_2010 : memref<!tpu.dma_semaphore, #tpu.memory_space<semaphore_mem>>)
    %dma_wait3A_2019 = arith.constant 1 : i32
    %dma_wait3A_2020 = arith.constant 1 : i32
    %dma_wait3A_2021 = arith.constant 0 : i32
    %dma_wait3A_2022 = arith.constant 0 : i32
    %dma_wait3A_2023 = tpu.memref_slice %arg4[%dma_wait3A_2019, %dma_wait3A_2021, %dma_wait3A_2022] : memref<4x112x224xf32, #tpu.memory_space<vmem>> -> memref<1x112x224xf32, #tpu.memory_space<vmem>>
    %dma_wait3A_2024 = tpu.memref_squeeze %dma_wait3A_2023 : memref<1x112x224xf32, #tpu.memory_space<vmem>> -> memref<112x224xf32, #tpu.memory_space<vmem>>
    %dma_wait3A_2025 = arith.constant 112 : i32
    %dma_wait3A_2026 = arith.constant 0 : i32
    %dma_wait3A_2027 = tpu.memref_slice %arg3[%select_n3A_1499, %sub3A_1502, %sub3A_1449, %dma_wait3A_2025, %dma_wait3A_2026] : memref<8x3x8x224x224xf32, #tpu.memory_space<hbm>> -> memref<1x1x1x112x224xf32, #tpu.memory_space<hbm>>
    %dma_wait3A_2028 = tpu.memref_squeeze %dma_wait3A_2027 : memref<1x1x1x112x224xf32, #tpu.memory_space<hbm>> -> memref<112x224xf32, #tpu.memory_space<hbm>>
    %dma_wait3A_2029 = tpu.memref_slice %arg6[%dma_wait3A_2020] : memref<4x!tpu.dma_semaphore, #tpu.memory_space<semaphore_mem>> -> memref<1x!tpu.dma_semaphore, #tpu.memory_space<semaphore_mem>>
    %dma_wait3A_2030 = tpu.memref_squeeze %dma_wait3A_2029 : memref<1x!tpu.dma_semaphore, #tpu.memory_space<semaphore_mem>> -> memref<!tpu.dma_semaphore, #tpu.memory_space<semaphore_mem>>
    %dma_wait3A_2031 = arith.constant 112 : i32
    %dma_wait3A_2032 = arith.constant 0 : i32
    %dma_wait3A_2033 = tpu.memref_slice %arg3[%select_n3A_1499, %sub3A_1502, %sub3A_1449, %dma_wait3A_2031, %dma_wait3A_2032] : memref<8x3x8x224x224xf32, #tpu.memory_space<hbm>> -> memref<1x1x1x112x224xf32, #tpu.memory_space<hbm>>
    %dma_wait3A_2034 = tpu.memref_squeeze %dma_wait3A_2033 : memref<1x1x1x112x224xf32, #tpu.memory_space<hbm>> -> memref<112x224xf32, #tpu.memory_space<hbm>>
    %dma_wait3A_2035 = arith.constant 0 : i32
    %dma_wait3A_2036 = arith.constant 0 : i32
    %dma_wait3A_2037 = tpu.memref_slice %arg4[%dma_wait3A_2019, %dma_wait3A_2035, %dma_wait3A_2036] : memref<4x112x224xf32, #tpu.memory_space<vmem>> -> memref<1x112x224xf32, #tpu.memory_space<vmem>>
    %dma_wait3A_2038 = tpu.memref_squeeze %dma_wait3A_2037 : memref<1x112x224xf32, #tpu.memory_space<vmem>> -> memref<112x224xf32, #tpu.memory_space<vmem>>
    tpu.wait_dma2 semaphore(%dma_wait3A_2030 : memref<!tpu.dma_semaphore, #tpu.memory_space<semaphore_mem>>) src(%dma_wait3A_2038 : memref<112x224xf32, #tpu.memory_space<vmem>>) dst(%dma_wait3A_2034 : memref<112x224xf32, #tpu.memory_space<hbm>>)
    %mul3A_2039 = arith.constant 6 : i32
    %mul3A_2040 = arith.muli %add3A, %mul3A_2039 : i32
    %add3A_2041 = arith.constant 4 : i32
    %add3A_2042 = arith.addi %mul3A_2040, %add3A_2041 : i32
    %jit3A_2043 = arith.constant 8 : i32
    %div3A_2044 = arith.divsi %add3A_2042, %jit3A_2043 : i32
    %sign3A_2045 = arith.constant 0 : i32
    %sign3A_2046 = arith.cmpi sgt, %add3A_2042, %sign3A_2045 : i32
    %sign3A_2047 = arith.extui %sign3A_2046 : i1 to i32
    %sign3A_2048 = arith.constant 0 : i32
    %sign3A_2049 = arith.cmpi slt, %add3A_2042, %sign3A_2048 : i32
    %sign3A_2050 = arith.extui %sign3A_2049 : i1 to i32
    %sign3A_2051 = arith.subi %sign3A_2047, %sign3A_2050 : i32
    %sign3A_2052 = arith.constant 0 : i32
    %sign3A_2053 = arith.cmpi sgt, %jit3A_2043, %sign3A_2052 : i32
    %sign3A_2054 = arith.extui %sign3A_2053 : i1 to i32
    %sign3A_2055 = arith.constant 0 : i32
    %sign3A_2056 = arith.cmpi slt, %jit3A_2043, %sign3A_2055 : i32
    %sign3A_2057 = arith.extui %sign3A_2056 : i1 to i32
    %sign3A_2058 = arith.subi %sign3A_2054, %sign3A_2057 : i32
    %ne3A_2059 = arith.cmpi ne, %sign3A_2051, %sign3A_2058 : i32
    %rem3A_2060 = arith.remsi %add3A_2042, %jit3A_2043 : i32
    %ne3A_2061 = arith.constant 0 : i32
    %ne3A_2062 = arith.cmpi ne, %rem3A_2060, %ne3A_2061 : i32
    %and3A_2063 = arith.andi %ne3A_2059, %ne3A_2062 : i1
    %sub3A_2064 = arith.constant 1 : i32
    %sub3A_2065 = arith.subi %div3A_2044, %sub3A_2064 : i32
    %select_n3A_2066 = arith.select %and3A_2063, %sub3A_2065, %div3A_2044 : i32
    %mul3A_2067 = arith.constant 8 : i32
    %mul3A_2068 = arith.muli %select_n3A_2066, %mul3A_2067 : i32
    %sub3A_2069 = arith.subi %add3A_2042, %mul3A_2068 : i32
    %mul3A_2070 = arith.constant 31 : i32
    %mul3A_2071 = arith.muli %mul3A_2070, %sub3A_2069 : i32
    %jit3A_2072 = arith.constant 7 : i32
    %div3A_2073 = arith.divsi %mul3A_2071, %jit3A_2072 : i32
    %sign3A_2074 = arith.constant 0 : i32
    %sign3A_2075 = arith.cmpi sgt, %mul3A_2071, %sign3A_2074 : i32
    %sign3A_2076 = arith.extui %sign3A_2075 : i1 to i32
    %sign3A_2077 = arith.constant 0 : i32
    %sign3A_2078 = arith.cmpi slt, %mul3A_2071, %sign3A_2077 : i32
    %sign3A_2079 = arith.extui %sign3A_2078 : i1 to i32
    %sign3A_2080 = arith.subi %sign3A_2076, %sign3A_2079 : i32
    %sign3A_2081 = arith.constant 0 : i32
    %sign3A_2082 = arith.cmpi sgt, %jit3A_2072, %sign3A_2081 : i32
    %sign3A_2083 = arith.extui %sign3A_2082 : i1 to i32
    %sign3A_2084 = arith.constant 0 : i32
    %sign3A_2085 = arith.cmpi slt, %jit3A_2072, %sign3A_2084 : i32
    %sign3A_2086 = arith.extui %sign3A_2085 : i1 to i32
    %sign3A_2087 = arith.subi %sign3A_2083, %sign3A_2086 : i32
    %ne3A_2088 = arith.cmpi ne, %sign3A_2080, %sign3A_2087 : i32
    %rem3A_2089 = arith.remsi %mul3A_2071, %jit3A_2072 : i32
    %ne3A_2090 = arith.constant 0 : i32
    %ne3A_2091 = arith.cmpi ne, %rem3A_2089, %ne3A_2090 : i32
    %and3A_2092 = arith.andi %ne3A_2088, %ne3A_2091 : i1
    %sub3A_2093 = arith.constant 1 : i32
    %sub3A_2094 = arith.subi %div3A_2073, %sub3A_2093 : i32
    %select_n3A_2095 = arith.select %and3A_2092, %sub3A_2094, %div3A_2073 : i32
    %jit3A_2096 = arith.constant 3 : i32
    %div3A_2097 = arith.divsi %select_n3A_2066, %jit3A_2096 : i32
    %sign3A_2098 = arith.constant 0 : i32
    %sign3A_2099 = arith.cmpi sgt, %select_n3A_2066, %sign3A_2098 : i32
    %sign3A_2100 = arith.extui %sign3A_2099 : i1 to i32
    %sign3A_2101 = arith.constant 0 : i32
    %sign3A_2102 = arith.cmpi slt, %select_n3A_2066, %sign3A_2101 : i32
    %sign3A_2103 = arith.extui %sign3A_2102 : i1 to i32
    %sign3A_2104 = arith.subi %sign3A_2100, %sign3A_2103 : i32
    %sign3A_2105 = arith.constant 0 : i32
    %sign3A_2106 = arith.cmpi sgt, %jit3A_2096, %sign3A_2105 : i32
    %sign3A_2107 = arith.extui %sign3A_2106 : i1 to i32
    %sign3A_2108 = arith.constant 0 : i32
    %sign3A_2109 = arith.cmpi slt, %jit3A_2096, %sign3A_2108 : i32
    %sign3A_2110 = arith.extui %sign3A_2109 : i1 to i32
    %sign3A_2111 = arith.subi %sign3A_2107, %sign3A_2110 : i32
    %ne3A_2112 = arith.cmpi ne, %sign3A_2104, %sign3A_2111 : i32
    %rem3A_2113 = arith.remsi %select_n3A_2066, %jit3A_2096 : i32
    %ne3A_2114 = arith.constant 0 : i32
    %ne3A_2115 = arith.cmpi ne, %rem3A_2113, %ne3A_2114 : i32
    %and3A_2116 = arith.andi %ne3A_2112, %ne3A_2115 : i1
    %sub3A_2117 = arith.constant 1 : i32
    %sub3A_2118 = arith.subi %div3A_2097, %sub3A_2117 : i32
    %select_n3A_2119 = arith.select %and3A_2116, %sub3A_2118, %div3A_2097 : i32
    %mul3A_2120 = arith.constant 3 : i32
    %mul3A_2121 = arith.muli %select_n3A_2119, %mul3A_2120 : i32
    %sub3A_2122 = arith.subi %select_n3A_2066, %mul3A_2121 : i32
    %dma_start3A_2123 = arith.constant 1 : i32
    %dma_start3A_2124 = arith.constant 1 : i32
    %dma_start3A_2125 = arith.constant 0 : i32
    %dma_start3A_2126 = arith.constant 0 : i32
    %dma_start3A_2127 = tpu.memref_slice %arg4[%dma_start3A_2123, %dma_start3A_2125, %dma_start3A_2126] : memref<4x112x224xf32, #tpu.memory_space<vmem>> -> memref<1x112x224xf32, #tpu.memory_space<vmem>>
    %dma_start3A_2128 = tpu.memref_squeeze %dma_start3A_2127 : memref<1x112x224xf32, #tpu.memory_space<vmem>> -> memref<112x224xf32, #tpu.memory_space<vmem>>
    %dma_start3A_2129 = arith.constant 112 : i32
    %dma_start3A_2130 = arith.constant 0 : i32
    %dma_start3A_2131 = tpu.memref_slice %arg2[%select_n3A_2119, %sub3A_2122, %select_n3A_2095, %dma_start3A_2129, %dma_start3A_2130] : memref<8x3x32x224x224xf32, #tpu.memory_space<hbm>> -> memref<1x1x1x112x224xf32, #tpu.memory_space<hbm>>
    %dma_start3A_2132 = tpu.memref_squeeze %dma_start3A_2131 : memref<1x1x1x112x224xf32, #tpu.memory_space<hbm>> -> memref<112x224xf32, #tpu.memory_space<hbm>>
    %dma_start3A_2133 = tpu.memref_slice %arg5[%dma_start3A_2124] : memref<4x!tpu.dma_semaphore, #tpu.memory_space<semaphore_mem>> -> memref<1x!tpu.dma_semaphore, #tpu.memory_space<semaphore_mem>>
    %dma_start3A_2134 = tpu.memref_squeeze %dma_start3A_2133 : memref<1x!tpu.dma_semaphore, #tpu.memory_space<semaphore_mem>> -> memref<!tpu.dma_semaphore, #tpu.memory_space<semaphore_mem>>
    %dma_start3A_2135 = arith.constant 0 : i32
    %dma_start3A_2136 = arith.constant 0 : i32
    %dma_start3A_2137 = tpu.memref_slice %arg4[%dma_start3A_2123, %dma_start3A_2135, %dma_start3A_2136] : memref<4x112x224xf32, #tpu.memory_space<vmem>> -> memref<1x112x224xf32, #tpu.memory_space<vmem>>
    %dma_start3A_2138 = tpu.memref_squeeze %dma_start3A_2137 : memref<1x112x224xf32, #tpu.memory_space<vmem>> -> memref<112x224xf32, #tpu.memory_space<vmem>>
    %dma_start3A_2139 = arith.constant 112 : i32
    %dma_start3A_2140 = arith.constant 0 : i32
    %dma_start3A_2141 = tpu.memref_slice %arg2[%select_n3A_2119, %sub3A_2122, %select_n3A_2095, %dma_start3A_2139, %dma_start3A_2140] : memref<8x3x32x224x224xf32, #tpu.memory_space<hbm>> -> memref<1x1x1x112x224xf32, #tpu.memory_space<hbm>>
    %dma_start3A_2142 = tpu.memref_squeeze %dma_start3A_2141 : memref<1x1x1x112x224xf32, #tpu.memory_space<hbm>> -> memref<112x224xf32, #tpu.memory_space<hbm>>
    tpu.enqueue_dma source(%dma_start3A_2142 : memref<112x224xf32, #tpu.memory_space<hbm>>) target(%dma_start3A_2138 : memref<112x224xf32, #tpu.memory_space<vmem>>) target_semaphore(%dma_start3A_2134 : memref<!tpu.dma_semaphore, #tpu.memory_space<semaphore_mem>>)
    %dma_wait3A_2143 = arith.constant 0 : i32
    %dma_wait3A_2144 = arith.constant 0 : i32
    %dma_wait3A_2145 = arith.constant 0 : i32
    %dma_wait3A_2146 = arith.constant 0 : i32
    %dma_wait3A_2147 = tpu.memref_slice %arg4[%dma_wait3A_2143, %dma_wait3A_2145, %dma_wait3A_2146] : memref<4x112x224xf32, #tpu.memory_space<vmem>> -> memref<1x112x224xf32, #tpu.memory_space<vmem>>
    %dma_wait3A_2148 = tpu.memref_squeeze %dma_wait3A_2147 : memref<1x112x224xf32, #tpu.memory_space<vmem>> -> memref<112x224xf32, #tpu.memory_space<vmem>>
    %dma_wait3A_2149 = arith.constant 0 : i32
    %dma_wait3A_2150 = arith.constant 0 : i32
    %dma_wait3A_2151 = tpu.memref_slice %arg2[%select_n3A_1871, %sub3A_1874, %select_n3A_1847, %dma_wait3A_2149, %dma_wait3A_2150] : memref<8x3x32x224x224xf32, #tpu.memory_space<hbm>> -> memref<1x1x1x112x224xf32, #tpu.memory_space<hbm>>
    %dma_wait3A_2152 = tpu.memref_squeeze %dma_wait3A_2151 : memref<1x1x1x112x224xf32, #tpu.memory_space<hbm>> -> memref<112x224xf32, #tpu.memory_space<hbm>>
    %dma_wait3A_2153 = tpu.memref_slice %arg5[%dma_wait3A_2144] : memref<4x!tpu.dma_semaphore, #tpu.memory_space<semaphore_mem>> -> memref<1x!tpu.dma_semaphore, #tpu.memory_space<semaphore_mem>>
    %dma_wait3A_2154 = tpu.memref_squeeze %dma_wait3A_2153 : memref<1x!tpu.dma_semaphore, #tpu.memory_space<semaphore_mem>> -> memref<!tpu.dma_semaphore, #tpu.memory_space<semaphore_mem>>
    %dma_wait3A_2155 = arith.constant 0 : i32
    %dma_wait3A_2156 = arith.constant 0 : i32
    %dma_wait3A_2157 = tpu.memref_slice %arg4[%dma_wait3A_2143, %dma_wait3A_2155, %dma_wait3A_2156] : memref<4x112x224xf32, #tpu.memory_space<vmem>> -> memref<1x112x224xf32, #tpu.memory_space<vmem>>
    %dma_wait3A_2158 = tpu.memref_squeeze %dma_wait3A_2157 : memref<1x112x224xf32, #tpu.memory_space<vmem>> -> memref<112x224xf32, #tpu.memory_space<vmem>>
    %dma_wait3A_2159 = arith.constant 0 : i32
    %dma_wait3A_2160 = arith.constant 0 : i32
    %dma_wait3A_2161 = tpu.memref_slice %arg2[%select_n3A_1871, %sub3A_1874, %select_n3A_1847, %dma_wait3A_2159, %dma_wait3A_2160] : memref<8x3x32x224x224xf32, #tpu.memory_space<hbm>> -> memref<1x1x1x112x224xf32, #tpu.memory_space<hbm>>
    %dma_wait3A_2162 = tpu.memref_squeeze %dma_wait3A_2161 : memref<1x1x1x112x224xf32, #tpu.memory_space<hbm>> -> memref<112x224xf32, #tpu.memory_space<hbm>>
    tpu.wait_dma2 semaphore(%dma_wait3A_2154 : memref<!tpu.dma_semaphore, #tpu.memory_space<semaphore_mem>>) src(%dma_wait3A_2162 : memref<112x224xf32, #tpu.memory_space<hbm>>) dst(%dma_wait3A_2158 : memref<112x224xf32, #tpu.memory_space<vmem>>)
    %mul3A_2163 = arith.constant 6 : i32
    %mul3A_2164 = arith.muli %add3A, %mul3A_2163 : i32
    %add3A_2165 = arith.constant 4 : i32
    %add3A_2166 = arith.addi %mul3A_2164, %add3A_2165 : i32
    %jit3A_2167 = arith.constant 8 : i32
    %div3A_2168 = arith.divsi %add3A_2166, %jit3A_2167 : i32
    %sign3A_2169 = arith.constant 0 : i32
    %sign3A_2170 = arith.cmpi sgt, %add3A_2166, %sign3A_2169 : i32
    %sign3A_2171 = arith.extui %sign3A_2170 : i1 to i32
    %sign3A_2172 = arith.constant 0 : i32
    %sign3A_2173 = arith.cmpi slt, %add3A_2166, %sign3A_2172 : i32
    %sign3A_2174 = arith.extui %sign3A_2173 : i1 to i32
    %sign3A_2175 = arith.subi %sign3A_2171, %sign3A_2174 : i32
    %sign3A_2176 = arith.constant 0 : i32
    %sign3A_2177 = arith.cmpi sgt, %jit3A_2167, %sign3A_2176 : i32
    %sign3A_2178 = arith.extui %sign3A_2177 : i1 to i32
    %sign3A_2179 = arith.constant 0 : i32
    %sign3A_2180 = arith.cmpi slt, %jit3A_2167, %sign3A_2179 : i32
    %sign3A_2181 = arith.extui %sign3A_2180 : i1 to i32
    %sign3A_2182 = arith.subi %sign3A_2178, %sign3A_2181 : i32
    %ne3A_2183 = arith.cmpi ne, %sign3A_2175, %sign3A_2182 : i32
    %rem3A_2184 = arith.remsi %add3A_2166, %jit3A_2167 : i32
    %ne3A_2185 = arith.constant 0 : i32
    %ne3A_2186 = arith.cmpi ne, %rem3A_2184, %ne3A_2185 : i32
    %and3A_2187 = arith.andi %ne3A_2183, %ne3A_2186 : i1
    %sub3A_2188 = arith.constant 1 : i32
    %sub3A_2189 = arith.subi %div3A_2168, %sub3A_2188 : i32
    %select_n3A_2190 = arith.select %and3A_2187, %sub3A_2189, %div3A_2168 : i32
    %mul3A_2191 = arith.constant 8 : i32
    %mul3A_2192 = arith.muli %select_n3A_2190, %mul3A_2191 : i32
    %sub3A_2193 = arith.subi %add3A_2166, %mul3A_2192 : i32
    %mul3A_2194 = arith.constant 31 : i32
    %mul3A_2195 = arith.muli %mul3A_2194, %sub3A_2193 : i32
    %jit3A_2196 = arith.constant 7 : i32
    %div3A_2197 = arith.divsi %mul3A_2195, %jit3A_2196 : i32
    %sign3A_2198 = arith.constant 0 : i32
    %sign3A_2199 = arith.cmpi sgt, %mul3A_2195, %sign3A_2198 : i32
    %sign3A_2200 = arith.extui %sign3A_2199 : i1 to i32
    %sign3A_2201 = arith.constant 0 : i32
    %sign3A_2202 = arith.cmpi slt, %mul3A_2195, %sign3A_2201 : i32
    %sign3A_2203 = arith.extui %sign3A_2202 : i1 to i32
    %sign3A_2204 = arith.subi %sign3A_2200, %sign3A_2203 : i32
    %sign3A_2205 = arith.constant 0 : i32
    %sign3A_2206 = arith.cmpi sgt, %jit3A_2196, %sign3A_2205 : i32
    %sign3A_2207 = arith.extui %sign3A_2206 : i1 to i32
    %sign3A_2208 = arith.constant 0 : i32
    %sign3A_2209 = arith.cmpi slt, %jit3A_2196, %sign3A_2208 : i32
    %sign3A_2210 = arith.extui %sign3A_2209 : i1 to i32
    %sign3A_2211 = arith.subi %sign3A_2207, %sign3A_2210 : i32
    %ne3A_2212 = arith.cmpi ne, %sign3A_2204, %sign3A_2211 : i32
    %rem3A_2213 = arith.remsi %mul3A_2195, %jit3A_2196 : i32
    %ne3A_2214 = arith.constant 0 : i32
    %ne3A_2215 = arith.cmpi ne, %rem3A_2213, %ne3A_2214 : i32
    %and3A_2216 = arith.andi %ne3A_2212, %ne3A_2215 : i1
    %sub3A_2217 = arith.constant 1 : i32
    %sub3A_2218 = arith.subi %div3A_2197, %sub3A_2217 : i32
    %select_n3A_2219 = arith.select %and3A_2216, %sub3A_2218, %div3A_2197 : i32
    %jit3A_2220 = arith.constant 3 : i32
    %div3A_2221 = arith.divsi %select_n3A_2190, %jit3A_2220 : i32
    %sign3A_2222 = arith.constant 0 : i32
    %sign3A_2223 = arith.cmpi sgt, %select_n3A_2190, %sign3A_2222 : i32
    %sign3A_2224 = arith.extui %sign3A_2223 : i1 to i32
    %sign3A_2225 = arith.constant 0 : i32
    %sign3A_2226 = arith.cmpi slt, %select_n3A_2190, %sign3A_2225 : i32
    %sign3A_2227 = arith.extui %sign3A_2226 : i1 to i32
    %sign3A_2228 = arith.subi %sign3A_2224, %sign3A_2227 : i32
    %sign3A_2229 = arith.constant 0 : i32
    %sign3A_2230 = arith.cmpi sgt, %jit3A_2220, %sign3A_2229 : i32
    %sign3A_2231 = arith.extui %sign3A_2230 : i1 to i32
    %sign3A_2232 = arith.constant 0 : i32
    %sign3A_2233 = arith.cmpi slt, %jit3A_2220, %sign3A_2232 : i32
    %sign3A_2234 = arith.extui %sign3A_2233 : i1 to i32
    %sign3A_2235 = arith.subi %sign3A_2231, %sign3A_2234 : i32
    %ne3A_2236 = arith.cmpi ne, %sign3A_2228, %sign3A_2235 : i32
    %rem3A_2237 = arith.remsi %select_n3A_2190, %jit3A_2220 : i32
    %ne3A_2238 = arith.constant 0 : i32
    %ne3A_2239 = arith.cmpi ne, %rem3A_2237, %ne3A_2238 : i32
    %and3A_2240 = arith.andi %ne3A_2236, %ne3A_2239 : i1
    %sub3A_2241 = arith.constant 1 : i32
    %sub3A_2242 = arith.subi %div3A_2221, %sub3A_2241 : i32
    %select_n3A_2243 = arith.select %and3A_2240, %sub3A_2242, %div3A_2221 : i32
    %mul3A_2244 = arith.constant 3 : i32
    %mul3A_2245 = arith.muli %select_n3A_2243, %mul3A_2244 : i32
    %sub3A_2246 = arith.subi %select_n3A_2190, %mul3A_2245 : i32
    %dma_start3A_2247 = arith.constant 0 : i32
    %dma_start3A_2248 = arith.constant 0 : i32
    %dma_start3A_2249 = arith.constant 0 : i32
    %dma_start3A_2250 = arith.constant 0 : i32
    %dma_start3A_2251 = tpu.memref_slice %arg4[%dma_start3A_2247, %dma_start3A_2249, %dma_start3A_2250] : memref<4x112x224xf32, #tpu.memory_space<vmem>> -> memref<1x112x224xf32, #tpu.memory_space<vmem>>
    %dma_start3A_2252 = tpu.memref_squeeze %dma_start3A_2251 : memref<1x112x224xf32, #tpu.memory_space<vmem>> -> memref<112x224xf32, #tpu.memory_space<vmem>>
    %dma_start3A_2253 = arith.constant 0 : i32
    %dma_start3A_2254 = arith.constant 0 : i32
    %dma_start3A_2255 = tpu.memref_slice %arg3[%select_n3A_2243, %sub3A_2246, %sub3A_2193, %dma_start3A_2253, %dma_start3A_2254] : memref<8x3x8x224x224xf32, #tpu.memory_space<hbm>> -> memref<1x1x1x112x224xf32, #tpu.memory_space<hbm>>
    %dma_start3A_2256 = tpu.memref_squeeze %dma_start3A_2255 : memref<1x1x1x112x224xf32, #tpu.memory_space<hbm>> -> memref<112x224xf32, #tpu.memory_space<hbm>>
    %dma_start3A_2257 = tpu.memref_slice %arg6[%dma_start3A_2248] : memref<4x!tpu.dma_semaphore, #tpu.memory_space<semaphore_mem>> -> memref<1x!tpu.dma_semaphore, #tpu.memory_space<semaphore_mem>>
    %dma_start3A_2258 = tpu.memref_squeeze %dma_start3A_2257 : memref<1x!tpu.dma_semaphore, #tpu.memory_space<semaphore_mem>> -> memref<!tpu.dma_semaphore, #tpu.memory_space<semaphore_mem>>
    %dma_start3A_2259 = arith.constant 0 : i32
    %dma_start3A_2260 = arith.constant 0 : i32
    %dma_start3A_2261 = tpu.memref_slice %arg3[%select_n3A_2243, %sub3A_2246, %sub3A_2193, %dma_start3A_2259, %dma_start3A_2260] : memref<8x3x8x224x224xf32, #tpu.memory_space<hbm>> -> memref<1x1x1x112x224xf32, #tpu.memory_space<hbm>>
    %dma_start3A_2262 = tpu.memref_squeeze %dma_start3A_2261 : memref<1x1x1x112x224xf32, #tpu.memory_space<hbm>> -> memref<112x224xf32, #tpu.memory_space<hbm>>
    %dma_start3A_2263 = arith.constant 0 : i32
    %dma_start3A_2264 = arith.constant 0 : i32
    %dma_start3A_2265 = tpu.memref_slice %arg4[%dma_start3A_2247, %dma_start3A_2263, %dma_start3A_2264] : memref<4x112x224xf32, #tpu.memory_space<vmem>> -> memref<1x112x224xf32, #tpu.memory_space<vmem>>
    %dma_start3A_2266 = tpu.memref_squeeze %dma_start3A_2265 : memref<1x112x224xf32, #tpu.memory_space<vmem>> -> memref<112x224xf32, #tpu.memory_space<vmem>>
    tpu.enqueue_dma source(%dma_start3A_2266 : memref<112x224xf32, #tpu.memory_space<vmem>>) target(%dma_start3A_2262 : memref<112x224xf32, #tpu.memory_space<hbm>>) target_semaphore(%dma_start3A_2258 : memref<!tpu.dma_semaphore, #tpu.memory_space<semaphore_mem>>)
    %dma_wait3A_2267 = arith.constant 2 : i32
    %dma_wait3A_2268 = arith.constant 2 : i32
    %dma_wait3A_2269 = arith.constant 0 : i32
    %dma_wait3A_2270 = arith.constant 0 : i32
    %dma_wait3A_2271 = tpu.memref_slice %arg4[%dma_wait3A_2267, %dma_wait3A_2269, %dma_wait3A_2270] : memref<4x112x224xf32, #tpu.memory_space<vmem>> -> memref<1x112x224xf32, #tpu.memory_space<vmem>>
    %dma_wait3A_2272 = tpu.memref_squeeze %dma_wait3A_2271 : memref<1x112x224xf32, #tpu.memory_space<vmem>> -> memref<112x224xf32, #tpu.memory_space<vmem>>
    %dma_wait3A_2273 = arith.constant 0 : i32
    %dma_wait3A_2274 = arith.constant 0 : i32
    %dma_wait3A_2275 = tpu.memref_slice %arg3[%select_n3A_1747, %sub3A_1750, %sub3A_1697, %dma_wait3A_2273, %dma_wait3A_2274] : memref<8x3x8x224x224xf32, #tpu.memory_space<hbm>> -> memref<1x1x1x112x224xf32, #tpu.memory_space<hbm>>
    %dma_wait3A_2276 = tpu.memref_squeeze %dma_wait3A_2275 : memref<1x1x1x112x224xf32, #tpu.memory_space<hbm>> -> memref<112x224xf32, #tpu.memory_space<hbm>>
    %dma_wait3A_2277 = tpu.memref_slice %arg6[%dma_wait3A_2268] : memref<4x!tpu.dma_semaphore, #tpu.memory_space<semaphore_mem>> -> memref<1x!tpu.dma_semaphore, #tpu.memory_space<semaphore_mem>>
    %dma_wait3A_2278 = tpu.memref_squeeze %dma_wait3A_2277 : memref<1x!tpu.dma_semaphore, #tpu.memory_space<semaphore_mem>> -> memref<!tpu.dma_semaphore, #tpu.memory_space<semaphore_mem>>
    %dma_wait3A_2279 = arith.constant 0 : i32
    %dma_wait3A_2280 = arith.constant 0 : i32
    %dma_wait3A_2281 = tpu.memref_slice %arg3[%select_n3A_1747, %sub3A_1750, %sub3A_1697, %dma_wait3A_2279, %dma_wait3A_2280] : memref<8x3x8x224x224xf32, #tpu.memory_space<hbm>> -> memref<1x1x1x112x224xf32, #tpu.memory_space<hbm>>
    %dma_wait3A_2282 = tpu.memref_squeeze %dma_wait3A_2281 : memref<1x1x1x112x224xf32, #tpu.memory_space<hbm>> -> memref<112x224xf32, #tpu.memory_space<hbm>>
    %dma_wait3A_2283 = arith.constant 0 : i32
    %dma_wait3A_2284 = arith.constant 0 : i32
    %dma_wait3A_2285 = tpu.memref_slice %arg4[%dma_wait3A_2267, %dma_wait3A_2283, %dma_wait3A_2284] : memref<4x112x224xf32, #tpu.memory_space<vmem>> -> memref<1x112x224xf32, #tpu.memory_space<vmem>>
    %dma_wait3A_2286 = tpu.memref_squeeze %dma_wait3A_2285 : memref<1x112x224xf32, #tpu.memory_space<vmem>> -> memref<112x224xf32, #tpu.memory_space<vmem>>
    tpu.wait_dma2 semaphore(%dma_wait3A_2278 : memref<!tpu.dma_semaphore, #tpu.memory_space<semaphore_mem>>) src(%dma_wait3A_2286 : memref<112x224xf32, #tpu.memory_space<vmem>>) dst(%dma_wait3A_2282 : memref<112x224xf32, #tpu.memory_space<hbm>>)
    %mul3A_2287 = arith.constant 6 : i32
    %mul3A_2288 = arith.muli %add3A, %mul3A_2287 : i32
    %add3A_2289 = arith.constant 5 : i32
    %add3A_2290 = arith.addi %mul3A_2288, %add3A_2289 : i32
    %jit3A_2291 = arith.constant 8 : i32
    %div3A_2292 = arith.divsi %add3A_2290, %jit3A_2291 : i32
    %sign3A_2293 = arith.constant 0 : i32
    %sign3A_2294 = arith.cmpi sgt, %add3A_2290, %sign3A_2293 : i32
    %sign3A_2295 = arith.extui %sign3A_2294 : i1 to i32
    %sign3A_2296 = arith.constant 0 : i32
    %sign3A_2297 = arith.cmpi slt, %add3A_2290, %sign3A_2296 : i32
    %sign3A_2298 = arith.extui %sign3A_2297 : i1 to i32
    %sign3A_2299 = arith.subi %sign3A_2295, %sign3A_2298 : i32
    %sign3A_2300 = arith.constant 0 : i32
    %sign3A_2301 = arith.cmpi sgt, %jit3A_2291, %sign3A_2300 : i32
    %sign3A_2302 = arith.extui %sign3A_2301 : i1 to i32
    %sign3A_2303 = arith.constant 0 : i32
    %sign3A_2304 = arith.cmpi slt, %jit3A_2291, %sign3A_2303 : i32
    %sign3A_2305 = arith.extui %sign3A_2304 : i1 to i32
    %sign3A_2306 = arith.subi %sign3A_2302, %sign3A_2305 : i32
    %ne3A_2307 = arith.cmpi ne, %sign3A_2299, %sign3A_2306 : i32
    %rem3A_2308 = arith.remsi %add3A_2290, %jit3A_2291 : i32
    %ne3A_2309 = arith.constant 0 : i32
    %ne3A_2310 = arith.cmpi ne, %rem3A_2308, %ne3A_2309 : i32
    %and3A_2311 = arith.andi %ne3A_2307, %ne3A_2310 : i1
    %sub3A_2312 = arith.constant 1 : i32
    %sub3A_2313 = arith.subi %div3A_2292, %sub3A_2312 : i32
    %select_n3A_2314 = arith.select %and3A_2311, %sub3A_2313, %div3A_2292 : i32
    %mul3A_2315 = arith.constant 8 : i32
    %mul3A_2316 = arith.muli %select_n3A_2314, %mul3A_2315 : i32
    %sub3A_2317 = arith.subi %add3A_2290, %mul3A_2316 : i32
    %mul3A_2318 = arith.constant 31 : i32
    %mul3A_2319 = arith.muli %mul3A_2318, %sub3A_2317 : i32
    %jit3A_2320 = arith.constant 7 : i32
    %div3A_2321 = arith.divsi %mul3A_2319, %jit3A_2320 : i32
    %sign3A_2322 = arith.constant 0 : i32
    %sign3A_2323 = arith.cmpi sgt, %mul3A_2319, %sign3A_2322 : i32
    %sign3A_2324 = arith.extui %sign3A_2323 : i1 to i32
    %sign3A_2325 = arith.constant 0 : i32
    %sign3A_2326 = arith.cmpi slt, %mul3A_2319, %sign3A_2325 : i32
    %sign3A_2327 = arith.extui %sign3A_2326 : i1 to i32
    %sign3A_2328 = arith.subi %sign3A_2324, %sign3A_2327 : i32
    %sign3A_2329 = arith.constant 0 : i32
    %sign3A_2330 = arith.cmpi sgt, %jit3A_2320, %sign3A_2329 : i32
    %sign3A_2331 = arith.extui %sign3A_2330 : i1 to i32
    %sign3A_2332 = arith.constant 0 : i32
    %sign3A_2333 = arith.cmpi slt, %jit3A_2320, %sign3A_2332 : i32
    %sign3A_2334 = arith.extui %sign3A_2333 : i1 to i32
    %sign3A_2335 = arith.subi %sign3A_2331, %sign3A_2334 : i32
    %ne3A_2336 = arith.cmpi ne, %sign3A_2328, %sign3A_2335 : i32
    %rem3A_2337 = arith.remsi %mul3A_2319, %jit3A_2320 : i32
    %ne3A_2338 = arith.constant 0 : i32
    %ne3A_2339 = arith.cmpi ne, %rem3A_2337, %ne3A_2338 : i32
    %and3A_2340 = arith.andi %ne3A_2336, %ne3A_2339 : i1
    %sub3A_2341 = arith.constant 1 : i32
    %sub3A_2342 = arith.subi %div3A_2321, %sub3A_2341 : i32
    %select_n3A_2343 = arith.select %and3A_2340, %sub3A_2342, %div3A_2321 : i32
    %jit3A_2344 = arith.constant 3 : i32
    %div3A_2345 = arith.divsi %select_n3A_2314, %jit3A_2344 : i32
    %sign3A_2346 = arith.constant 0 : i32
    %sign3A_2347 = arith.cmpi sgt, %select_n3A_2314, %sign3A_2346 : i32
    %sign3A_2348 = arith.extui %sign3A_2347 : i1 to i32
    %sign3A_2349 = arith.constant 0 : i32
    %sign3A_2350 = arith.cmpi slt, %select_n3A_2314, %sign3A_2349 : i32
    %sign3A_2351 = arith.extui %sign3A_2350 : i1 to i32
    %sign3A_2352 = arith.subi %sign3A_2348, %sign3A_2351 : i32
    %sign3A_2353 = arith.constant 0 : i32
    %sign3A_2354 = arith.cmpi sgt, %jit3A_2344, %sign3A_2353 : i32
    %sign3A_2355 = arith.extui %sign3A_2354 : i1 to i32
    %sign3A_2356 = arith.constant 0 : i32
    %sign3A_2357 = arith.cmpi slt, %jit3A_2344, %sign3A_2356 : i32
    %sign3A_2358 = arith.extui %sign3A_2357 : i1 to i32
    %sign3A_2359 = arith.subi %sign3A_2355, %sign3A_2358 : i32
    %ne3A_2360 = arith.cmpi ne, %sign3A_2352, %sign3A_2359 : i32
    %rem3A_2361 = arith.remsi %select_n3A_2314, %jit3A_2344 : i32
    %ne3A_2362 = arith.constant 0 : i32
    %ne3A_2363 = arith.cmpi ne, %rem3A_2361, %ne3A_2362 : i32
    %and3A_2364 = arith.andi %ne3A_2360, %ne3A_2363 : i1
    %sub3A_2365 = arith.constant 1 : i32
    %sub3A_2366 = arith.subi %div3A_2345, %sub3A_2365 : i32
    %select_n3A_2367 = arith.select %and3A_2364, %sub3A_2366, %div3A_2345 : i32
    %mul3A_2368 = arith.constant 3 : i32
    %mul3A_2369 = arith.muli %select_n3A_2367, %mul3A_2368 : i32
    %sub3A_2370 = arith.subi %select_n3A_2314, %mul3A_2369 : i32
    %dma_start3A_2371 = arith.constant 2 : i32
    %dma_start3A_2372 = arith.constant 2 : i32
    %dma_start3A_2373 = arith.constant 0 : i32
    %dma_start3A_2374 = arith.constant 0 : i32
    %dma_start3A_2375 = tpu.memref_slice %arg4[%dma_start3A_2371, %dma_start3A_2373, %dma_start3A_2374] : memref<4x112x224xf32, #tpu.memory_space<vmem>> -> memref<1x112x224xf32, #tpu.memory_space<vmem>>
    %dma_start3A_2376 = tpu.memref_squeeze %dma_start3A_2375 : memref<1x112x224xf32, #tpu.memory_space<vmem>> -> memref<112x224xf32, #tpu.memory_space<vmem>>
    %dma_start3A_2377 = arith.constant 0 : i32
    %dma_start3A_2378 = arith.constant 0 : i32
    %dma_start3A_2379 = tpu.memref_slice %arg2[%select_n3A_2367, %sub3A_2370, %select_n3A_2343, %dma_start3A_2377, %dma_start3A_2378] : memref<8x3x32x224x224xf32, #tpu.memory_space<hbm>> -> memref<1x1x1x112x224xf32, #tpu.memory_space<hbm>>
    %dma_start3A_2380 = tpu.memref_squeeze %dma_start3A_2379 : memref<1x1x1x112x224xf32, #tpu.memory_space<hbm>> -> memref<112x224xf32, #tpu.memory_space<hbm>>
    %dma_start3A_2381 = tpu.memref_slice %arg5[%dma_start3A_2372] : memref<4x!tpu.dma_semaphore, #tpu.memory_space<semaphore_mem>> -> memref<1x!tpu.dma_semaphore, #tpu.memory_space<semaphore_mem>>
    %dma_start3A_2382 = tpu.memref_squeeze %dma_start3A_2381 : memref<1x!tpu.dma_semaphore, #tpu.memory_space<semaphore_mem>> -> memref<!tpu.dma_semaphore, #tpu.memory_space<semaphore_mem>>
    %dma_start3A_2383 = arith.constant 0 : i32
    %dma_start3A_2384 = arith.constant 0 : i32
    %dma_start3A_2385 = tpu.memref_slice %arg4[%dma_start3A_2371, %dma_start3A_2383, %dma_start3A_2384] : memref<4x112x224xf32, #tpu.memory_space<vmem>> -> memref<1x112x224xf32, #tpu.memory_space<vmem>>
    %dma_start3A_2386 = tpu.memref_squeeze %dma_start3A_2385 : memref<1x112x224xf32, #tpu.memory_space<vmem>> -> memref<112x224xf32, #tpu.memory_space<vmem>>
    %dma_start3A_2387 = arith.constant 0 : i32
    %dma_start3A_2388 = arith.constant 0 : i32
    %dma_start3A_2389 = tpu.memref_slice %arg2[%select_n3A_2367, %sub3A_2370, %select_n3A_2343, %dma_start3A_2387, %dma_start3A_2388] : memref<8x3x32x224x224xf32, #tpu.memory_space<hbm>> -> memref<1x1x1x112x224xf32, #tpu.memory_space<hbm>>
    %dma_start3A_2390 = tpu.memref_squeeze %dma_start3A_2389 : memref<1x1x1x112x224xf32, #tpu.memory_space<hbm>> -> memref<112x224xf32, #tpu.memory_space<hbm>>
    tpu.enqueue_dma source(%dma_start3A_2390 : memref<112x224xf32, #tpu.memory_space<hbm>>) target(%dma_start3A_2386 : memref<112x224xf32, #tpu.memory_space<vmem>>) target_semaphore(%dma_start3A_2382 : memref<!tpu.dma_semaphore, #tpu.memory_space<semaphore_mem>>)
    %dma_wait3A_2391 = arith.constant 1 : i32
    %dma_wait3A_2392 = arith.constant 1 : i32
    %dma_wait3A_2393 = arith.constant 0 : i32
    %dma_wait3A_2394 = arith.constant 0 : i32
    %dma_wait3A_2395 = tpu.memref_slice %arg4[%dma_wait3A_2391, %dma_wait3A_2393, %dma_wait3A_2394] : memref<4x112x224xf32, #tpu.memory_space<vmem>> -> memref<1x112x224xf32, #tpu.memory_space<vmem>>
    %dma_wait3A_2396 = tpu.memref_squeeze %dma_wait3A_2395 : memref<1x112x224xf32, #tpu.memory_space<vmem>> -> memref<112x224xf32, #tpu.memory_space<vmem>>
    %dma_wait3A_2397 = arith.constant 112 : i32
    %dma_wait3A_2398 = arith.constant 0 : i32
    %dma_wait3A_2399 = tpu.memref_slice %arg2[%select_n3A_2119, %sub3A_2122, %select_n3A_2095, %dma_wait3A_2397, %dma_wait3A_2398] : memref<8x3x32x224x224xf32, #tpu.memory_space<hbm>> -> memref<1x1x1x112x224xf32, #tpu.memory_space<hbm>>
    %dma_wait3A_2400 = tpu.memref_squeeze %dma_wait3A_2399 : memref<1x1x1x112x224xf32, #tpu.memory_space<hbm>> -> memref<112x224xf32, #tpu.memory_space<hbm>>
    %dma_wait3A_2401 = tpu.memref_slice %arg5[%dma_wait3A_2392] : memref<4x!tpu.dma_semaphore, #tpu.memory_space<semaphore_mem>> -> memref<1x!tpu.dma_semaphore, #tpu.memory_space<semaphore_mem>>
    %dma_wait3A_2402 = tpu.memref_squeeze %dma_wait3A_2401 : memref<1x!tpu.dma_semaphore, #tpu.memory_space<semaphore_mem>> -> memref<!tpu.dma_semaphore, #tpu.memory_space<semaphore_mem>>
    %dma_wait3A_2403 = arith.constant 0 : i32
    %dma_wait3A_2404 = arith.constant 0 : i32
    %dma_wait3A_2405 = tpu.memref_slice %arg4[%dma_wait3A_2391, %dma_wait3A_2403, %dma_wait3A_2404] : memref<4x112x224xf32, #tpu.memory_space<vmem>> -> memref<1x112x224xf32, #tpu.memory_space<vmem>>
    %dma_wait3A_2406 = tpu.memref_squeeze %dma_wait3A_2405 : memref<1x112x224xf32, #tpu.memory_space<vmem>> -> memref<112x224xf32, #tpu.memory_space<vmem>>
    %dma_wait3A_2407 = arith.constant 112 : i32
    %dma_wait3A_2408 = arith.constant 0 : i32
    %dma_wait3A_2409 = tpu.memref_slice %arg2[%select_n3A_2119, %sub3A_2122, %select_n3A_2095, %dma_wait3A_2407, %dma_wait3A_2408] : memref<8x3x32x224x224xf32, #tpu.memory_space<hbm>> -> memref<1x1x1x112x224xf32, #tpu.memory_space<hbm>>
    %dma_wait3A_2410 = tpu.memref_squeeze %dma_wait3A_2409 : memref<1x1x1x112x224xf32, #tpu.memory_space<hbm>> -> memref<112x224xf32, #tpu.memory_space<hbm>>
    tpu.wait_dma2 semaphore(%dma_wait3A_2402 : memref<!tpu.dma_semaphore, #tpu.memory_space<semaphore_mem>>) src(%dma_wait3A_2410 : memref<112x224xf32, #tpu.memory_space<hbm>>) dst(%dma_wait3A_2406 : memref<112x224xf32, #tpu.memory_space<vmem>>)
    %mul3A_2411 = arith.constant 6 : i32
    %mul3A_2412 = arith.muli %add3A, %mul3A_2411 : i32
    %add3A_2413 = arith.constant 4 : i32
    %add3A_2414 = arith.addi %mul3A_2412, %add3A_2413 : i32
    %jit3A_2415 = arith.constant 8 : i32
    %div3A_2416 = arith.divsi %add3A_2414, %jit3A_2415 : i32
    %sign3A_2417 = arith.constant 0 : i32
    %sign3A_2418 = arith.cmpi sgt, %add3A_2414, %sign3A_2417 : i32
    %sign3A_2419 = arith.extui %sign3A_2418 : i1 to i32
    %sign3A_2420 = arith.constant 0 : i32
    %sign3A_2421 = arith.cmpi slt, %add3A_2414, %sign3A_2420 : i32
    %sign3A_2422 = arith.extui %sign3A_2421 : i1 to i32
    %sign3A_2423 = arith.subi %sign3A_2419, %sign3A_2422 : i32
    %sign3A_2424 = arith.constant 0 : i32
    %sign3A_2425 = arith.cmpi sgt, %jit3A_2415, %sign3A_2424 : i32
    %sign3A_2426 = arith.extui %sign3A_2425 : i1 to i32
    %sign3A_2427 = arith.constant 0 : i32
    %sign3A_2428 = arith.cmpi slt, %jit3A_2415, %sign3A_2427 : i32
    %sign3A_2429 = arith.extui %sign3A_2428 : i1 to i32
    %sign3A_2430 = arith.subi %sign3A_2426, %sign3A_2429 : i32
    %ne3A_2431 = arith.cmpi ne, %sign3A_2423, %sign3A_2430 : i32
    %rem3A_2432 = arith.remsi %add3A_2414, %jit3A_2415 : i32
    %ne3A_2433 = arith.constant 0 : i32
    %ne3A_2434 = arith.cmpi ne, %rem3A_2432, %ne3A_2433 : i32
    %and3A_2435 = arith.andi %ne3A_2431, %ne3A_2434 : i1
    %sub3A_2436 = arith.constant 1 : i32
    %sub3A_2437 = arith.subi %div3A_2416, %sub3A_2436 : i32
    %select_n3A_2438 = arith.select %and3A_2435, %sub3A_2437, %div3A_2416 : i32
    %mul3A_2439 = arith.constant 8 : i32
    %mul3A_2440 = arith.muli %select_n3A_2438, %mul3A_2439 : i32
    %sub3A_2441 = arith.subi %add3A_2414, %mul3A_2440 : i32
    %mul3A_2442 = arith.constant 31 : i32
    %mul3A_2443 = arith.muli %mul3A_2442, %sub3A_2441 : i32
    %jit3A_2444 = arith.constant 7 : i32
    %div3A_2445 = arith.divsi %mul3A_2443, %jit3A_2444 : i32
    %sign3A_2446 = arith.constant 0 : i32
    %sign3A_2447 = arith.cmpi sgt, %mul3A_2443, %sign3A_2446 : i32
    %sign3A_2448 = arith.extui %sign3A_2447 : i1 to i32
    %sign3A_2449 = arith.constant 0 : i32
    %sign3A_2450 = arith.cmpi slt, %mul3A_2443, %sign3A_2449 : i32
    %sign3A_2451 = arith.extui %sign3A_2450 : i1 to i32
    %sign3A_2452 = arith.subi %sign3A_2448, %sign3A_2451 : i32
    %sign3A_2453 = arith.constant 0 : i32
    %sign3A_2454 = arith.cmpi sgt, %jit3A_2444, %sign3A_2453 : i32
    %sign3A_2455 = arith.extui %sign3A_2454 : i1 to i32
    %sign3A_2456 = arith.constant 0 : i32
    %sign3A_2457 = arith.cmpi slt, %jit3A_2444, %sign3A_2456 : i32
    %sign3A_2458 = arith.extui %sign3A_2457 : i1 to i32
    %sign3A_2459 = arith.subi %sign3A_2455, %sign3A_2458 : i32
    %ne3A_2460 = arith.cmpi ne, %sign3A_2452, %sign3A_2459 : i32
    %rem3A_2461 = arith.remsi %mul3A_2443, %jit3A_2444 : i32
    %ne3A_2462 = arith.constant 0 : i32
    %ne3A_2463 = arith.cmpi ne, %rem3A_2461, %ne3A_2462 : i32
    %and3A_2464 = arith.andi %ne3A_2460, %ne3A_2463 : i1
    %sub3A_2465 = arith.constant 1 : i32
    %sub3A_2466 = arith.subi %div3A_2445, %sub3A_2465 : i32
    %select_n3A_2467 = arith.select %and3A_2464, %sub3A_2466, %div3A_2445 : i32
    %jit3A_2468 = arith.constant 3 : i32
    %div3A_2469 = arith.divsi %select_n3A_2438, %jit3A_2468 : i32
    %sign3A_2470 = arith.constant 0 : i32
    %sign3A_2471 = arith.cmpi sgt, %select_n3A_2438, %sign3A_2470 : i32
    %sign3A_2472 = arith.extui %sign3A_2471 : i1 to i32
    %sign3A_2473 = arith.constant 0 : i32
    %sign3A_2474 = arith.cmpi slt, %select_n3A_2438, %sign3A_2473 : i32
    %sign3A_2475 = arith.extui %sign3A_2474 : i1 to i32
    %sign3A_2476 = arith.subi %sign3A_2472, %sign3A_2475 : i32
    %sign3A_2477 = arith.constant 0 : i32
    %sign3A_2478 = arith.cmpi sgt, %jit3A_2468, %sign3A_2477 : i32
    %sign3A_2479 = arith.extui %sign3A_2478 : i1 to i32
    %sign3A_2480 = arith.constant 0 : i32
    %sign3A_2481 = arith.cmpi slt, %jit3A_2468, %sign3A_2480 : i32
    %sign3A_2482 = arith.extui %sign3A_2481 : i1 to i32
    %sign3A_2483 = arith.subi %sign3A_2479, %sign3A_2482 : i32
    %ne3A_2484 = arith.cmpi ne, %sign3A_2476, %sign3A_2483 : i32
    %rem3A_2485 = arith.remsi %select_n3A_2438, %jit3A_2468 : i32
    %ne3A_2486 = arith.constant 0 : i32
    %ne3A_2487 = arith.cmpi ne, %rem3A_2485, %ne3A_2486 : i32
    %and3A_2488 = arith.andi %ne3A_2484, %ne3A_2487 : i1
    %sub3A_2489 = arith.constant 1 : i32
    %sub3A_2490 = arith.subi %div3A_2469, %sub3A_2489 : i32
    %select_n3A_2491 = arith.select %and3A_2488, %sub3A_2490, %div3A_2469 : i32
    %mul3A_2492 = arith.constant 3 : i32
    %mul3A_2493 = arith.muli %select_n3A_2491, %mul3A_2492 : i32
    %sub3A_2494 = arith.subi %select_n3A_2438, %mul3A_2493 : i32
    %dma_start3A_2495 = arith.constant 1 : i32
    %dma_start3A_2496 = arith.constant 1 : i32
    %dma_start3A_2497 = arith.constant 0 : i32
    %dma_start3A_2498 = arith.constant 0 : i32
    %dma_start3A_2499 = tpu.memref_slice %arg4[%dma_start3A_2495, %dma_start3A_2497, %dma_start3A_2498] : memref<4x112x224xf32, #tpu.memory_space<vmem>> -> memref<1x112x224xf32, #tpu.memory_space<vmem>>
    %dma_start3A_2500 = tpu.memref_squeeze %dma_start3A_2499 : memref<1x112x224xf32, #tpu.memory_space<vmem>> -> memref<112x224xf32, #tpu.memory_space<vmem>>
    %dma_start3A_2501 = arith.constant 112 : i32
    %dma_start3A_2502 = arith.constant 0 : i32
    %dma_start3A_2503 = tpu.memref_slice %arg3[%select_n3A_2491, %sub3A_2494, %sub3A_2441, %dma_start3A_2501, %dma_start3A_2502] : memref<8x3x8x224x224xf32, #tpu.memory_space<hbm>> -> memref<1x1x1x112x224xf32, #tpu.memory_space<hbm>>
    %dma_start3A_2504 = tpu.memref_squeeze %dma_start3A_2503 : memref<1x1x1x112x224xf32, #tpu.memory_space<hbm>> -> memref<112x224xf32, #tpu.memory_space<hbm>>
    %dma_start3A_2505 = tpu.memref_slice %arg6[%dma_start3A_2496] : memref<4x!tpu.dma_semaphore, #tpu.memory_space<semaphore_mem>> -> memref<1x!tpu.dma_semaphore, #tpu.memory_space<semaphore_mem>>
    %dma_start3A_2506 = tpu.memref_squeeze %dma_start3A_2505 : memref<1x!tpu.dma_semaphore, #tpu.memory_space<semaphore_mem>> -> memref<!tpu.dma_semaphore, #tpu.memory_space<semaphore_mem>>
    %dma_start3A_2507 = arith.constant 112 : i32
    %dma_start3A_2508 = arith.constant 0 : i32
    %dma_start3A_2509 = tpu.memref_slice %arg3[%select_n3A_2491, %sub3A_2494, %sub3A_2441, %dma_start3A_2507, %dma_start3A_2508] : memref<8x3x8x224x224xf32, #tpu.memory_space<hbm>> -> memref<1x1x1x112x224xf32, #tpu.memory_space<hbm>>
    %dma_start3A_2510 = tpu.memref_squeeze %dma_start3A_2509 : memref<1x1x1x112x224xf32, #tpu.memory_space<hbm>> -> memref<112x224xf32, #tpu.memory_space<hbm>>
    %dma_start3A_2511 = arith.constant 0 : i32
    %dma_start3A_2512 = arith.constant 0 : i32
    %dma_start3A_2513 = tpu.memref_slice %arg4[%dma_start3A_2495, %dma_start3A_2511, %dma_start3A_2512] : memref<4x112x224xf32, #tpu.memory_space<vmem>> -> memref<1x112x224xf32, #tpu.memory_space<vmem>>
    %dma_start3A_2514 = tpu.memref_squeeze %dma_start3A_2513 : memref<1x112x224xf32, #tpu.memory_space<vmem>> -> memref<112x224xf32, #tpu.memory_space<vmem>>
    tpu.enqueue_dma source(%dma_start3A_2514 : memref<112x224xf32, #tpu.memory_space<vmem>>) target(%dma_start3A_2510 : memref<112x224xf32, #tpu.memory_space<hbm>>) target_semaphore(%dma_start3A_2506 : memref<!tpu.dma_semaphore, #tpu.memory_space<semaphore_mem>>)
    %dma_wait3A_2515 = arith.constant 3 : i32
    %dma_wait3A_2516 = arith.constant 3 : i32
    %dma_wait3A_2517 = arith.constant 0 : i32
    %dma_wait3A_2518 = arith.constant 0 : i32
    %dma_wait3A_2519 = tpu.memref_slice %arg4[%dma_wait3A_2515, %dma_wait3A_2517, %dma_wait3A_2518] : memref<4x112x224xf32, #tpu.memory_space<vmem>> -> memref<1x112x224xf32, #tpu.memory_space<vmem>>
    %dma_wait3A_2520 = tpu.memref_squeeze %dma_wait3A_2519 : memref<1x112x224xf32, #tpu.memory_space<vmem>> -> memref<112x224xf32, #tpu.memory_space<vmem>>
    %dma_wait3A_2521 = arith.constant 112 : i32
    %dma_wait3A_2522 = arith.constant 0 : i32
    %dma_wait3A_2523 = tpu.memref_slice %arg3[%select_n3A_1995, %sub3A_1998, %sub3A_1945, %dma_wait3A_2521, %dma_wait3A_2522] : memref<8x3x8x224x224xf32, #tpu.memory_space<hbm>> -> memref<1x1x1x112x224xf32, #tpu.memory_space<hbm>>
    %dma_wait3A_2524 = tpu.memref_squeeze %dma_wait3A_2523 : memref<1x1x1x112x224xf32, #tpu.memory_space<hbm>> -> memref<112x224xf32, #tpu.memory_space<hbm>>
    %dma_wait3A_2525 = tpu.memref_slice %arg6[%dma_wait3A_2516] : memref<4x!tpu.dma_semaphore, #tpu.memory_space<semaphore_mem>> -> memref<1x!tpu.dma_semaphore, #tpu.memory_space<semaphore_mem>>
    %dma_wait3A_2526 = tpu.memref_squeeze %dma_wait3A_2525 : memref<1x!tpu.dma_semaphore, #tpu.memory_space<semaphore_mem>> -> memref<!tpu.dma_semaphore, #tpu.memory_space<semaphore_mem>>
    %dma_wait3A_2527 = arith.constant 112 : i32
    %dma_wait3A_2528 = arith.constant 0 : i32
    %dma_wait3A_2529 = tpu.memref_slice %arg3[%select_n3A_1995, %sub3A_1998, %sub3A_1945, %dma_wait3A_2527, %dma_wait3A_2528] : memref<8x3x8x224x224xf32, #tpu.memory_space<hbm>> -> memref<1x1x1x112x224xf32, #tpu.memory_space<hbm>>
    %dma_wait3A_2530 = tpu.memref_squeeze %dma_wait3A_2529 : memref<1x1x1x112x224xf32, #tpu.memory_space<hbm>> -> memref<112x224xf32, #tpu.memory_space<hbm>>
    %dma_wait3A_2531 = arith.constant 0 : i32
    %dma_wait3A_2532 = arith.constant 0 : i32
    %dma_wait3A_2533 = tpu.memref_slice %arg4[%dma_wait3A_2515, %dma_wait3A_2531, %dma_wait3A_2532] : memref<4x112x224xf32, #tpu.memory_space<vmem>> -> memref<1x112x224xf32, #tpu.memory_space<vmem>>
    %dma_wait3A_2534 = tpu.memref_squeeze %dma_wait3A_2533 : memref<1x112x224xf32, #tpu.memory_space<vmem>> -> memref<112x224xf32, #tpu.memory_space<vmem>>
    tpu.wait_dma2 semaphore(%dma_wait3A_2526 : memref<!tpu.dma_semaphore, #tpu.memory_space<semaphore_mem>>) src(%dma_wait3A_2534 : memref<112x224xf32, #tpu.memory_space<vmem>>) dst(%dma_wait3A_2530 : memref<112x224xf32, #tpu.memory_space<hbm>>)
    %mul3A_2535 = arith.constant 6 : i32
    %mul3A_2536 = arith.muli %add3A, %mul3A_2535 : i32
    %add3A_2537 = arith.constant 5 : i32
    %add3A_2538 = arith.addi %mul3A_2536, %add3A_2537 : i32
    %jit3A_2539 = arith.constant 8 : i32
    %div3A_2540 = arith.divsi %add3A_2538, %jit3A_2539 : i32
    %sign3A_2541 = arith.constant 0 : i32
    %sign3A_2542 = arith.cmpi sgt, %add3A_2538, %sign3A_2541 : i32
    %sign3A_2543 = arith.extui %sign3A_2542 : i1 to i32
    %sign3A_2544 = arith.constant 0 : i32
    %sign3A_2545 = arith.cmpi slt, %add3A_2538, %sign3A_2544 : i32
    %sign3A_2546 = arith.extui %sign3A_2545 : i1 to i32
    %sign3A_2547 = arith.subi %sign3A_2543, %sign3A_2546 : i32
    %sign3A_2548 = arith.constant 0 : i32
    %sign3A_2549 = arith.cmpi sgt, %jit3A_2539, %sign3A_2548 : i32
    %sign3A_2550 = arith.extui %sign3A_2549 : i1 to i32
    %sign3A_2551 = arith.constant 0 : i32
    %sign3A_2552 = arith.cmpi slt, %jit3A_2539, %sign3A_2551 : i32
    %sign3A_2553 = arith.extui %sign3A_2552 : i1 to i32
    %sign3A_2554 = arith.subi %sign3A_2550, %sign3A_2553 : i32
    %ne3A_2555 = arith.cmpi ne, %sign3A_2547, %sign3A_2554 : i32
    %rem3A_2556 = arith.remsi %add3A_2538, %jit3A_2539 : i32
    %ne3A_2557 = arith.constant 0 : i32
    %ne3A_2558 = arith.cmpi ne, %rem3A_2556, %ne3A_2557 : i32
    %and3A_2559 = arith.andi %ne3A_2555, %ne3A_2558 : i1
    %sub3A_2560 = arith.constant 1 : i32
    %sub3A_2561 = arith.subi %div3A_2540, %sub3A_2560 : i32
    %select_n3A_2562 = arith.select %and3A_2559, %sub3A_2561, %div3A_2540 : i32
    %mul3A_2563 = arith.constant 8 : i32
    %mul3A_2564 = arith.muli %select_n3A_2562, %mul3A_2563 : i32
    %sub3A_2565 = arith.subi %add3A_2538, %mul3A_2564 : i32
    %mul3A_2566 = arith.constant 31 : i32
    %mul3A_2567 = arith.muli %mul3A_2566, %sub3A_2565 : i32
    %jit3A_2568 = arith.constant 7 : i32
    %div3A_2569 = arith.divsi %mul3A_2567, %jit3A_2568 : i32
    %sign3A_2570 = arith.constant 0 : i32
    %sign3A_2571 = arith.cmpi sgt, %mul3A_2567, %sign3A_2570 : i32
    %sign3A_2572 = arith.extui %sign3A_2571 : i1 to i32
    %sign3A_2573 = arith.constant 0 : i32
    %sign3A_2574 = arith.cmpi slt, %mul3A_2567, %sign3A_2573 : i32
    %sign3A_2575 = arith.extui %sign3A_2574 : i1 to i32
    %sign3A_2576 = arith.subi %sign3A_2572, %sign3A_2575 : i32
    %sign3A_2577 = arith.constant 0 : i32
    %sign3A_2578 = arith.cmpi sgt, %jit3A_2568, %sign3A_2577 : i32
    %sign3A_2579 = arith.extui %sign3A_2578 : i1 to i32
    %sign3A_2580 = arith.constant 0 : i32
    %sign3A_2581 = arith.cmpi slt, %jit3A_2568, %sign3A_2580 : i32
    %sign3A_2582 = arith.extui %sign3A_2581 : i1 to i32
    %sign3A_2583 = arith.subi %sign3A_2579, %sign3A_2582 : i32
    %ne3A_2584 = arith.cmpi ne, %sign3A_2576, %sign3A_2583 : i32
    %rem3A_2585 = arith.remsi %mul3A_2567, %jit3A_2568 : i32
    %ne3A_2586 = arith.constant 0 : i32
    %ne3A_2587 = arith.cmpi ne, %rem3A_2585, %ne3A_2586 : i32
    %and3A_2588 = arith.andi %ne3A_2584, %ne3A_2587 : i1
    %sub3A_2589 = arith.constant 1 : i32
    %sub3A_2590 = arith.subi %div3A_2569, %sub3A_2589 : i32
    %select_n3A_2591 = arith.select %and3A_2588, %sub3A_2590, %div3A_2569 : i32
    %jit3A_2592 = arith.constant 3 : i32
    %div3A_2593 = arith.divsi %select_n3A_2562, %jit3A_2592 : i32
    %sign3A_2594 = arith.constant 0 : i32
    %sign3A_2595 = arith.cmpi sgt, %select_n3A_2562, %sign3A_2594 : i32
    %sign3A_2596 = arith.extui %sign3A_2595 : i1 to i32
    %sign3A_2597 = arith.constant 0 : i32
    %sign3A_2598 = arith.cmpi slt, %select_n3A_2562, %sign3A_2597 : i32
    %sign3A_2599 = arith.extui %sign3A_2598 : i1 to i32
    %sign3A_2600 = arith.subi %sign3A_2596, %sign3A_2599 : i32
    %sign3A_2601 = arith.constant 0 : i32
    %sign3A_2602 = arith.cmpi sgt, %jit3A_2592, %sign3A_2601 : i32
    %sign3A_2603 = arith.extui %sign3A_2602 : i1 to i32
    %sign3A_2604 = arith.constant 0 : i32
    %sign3A_2605 = arith.cmpi slt, %jit3A_2592, %sign3A_2604 : i32
    %sign3A_2606 = arith.extui %sign3A_2605 : i1 to i32
    %sign3A_2607 = arith.subi %sign3A_2603, %sign3A_2606 : i32
    %ne3A_2608 = arith.cmpi ne, %sign3A_2600, %sign3A_2607 : i32
    %rem3A_2609 = arith.remsi %select_n3A_2562, %jit3A_2592 : i32
    %ne3A_2610 = arith.constant 0 : i32
    %ne3A_2611 = arith.cmpi ne, %rem3A_2609, %ne3A_2610 : i32
    %and3A_2612 = arith.andi %ne3A_2608, %ne3A_2611 : i1
    %sub3A_2613 = arith.constant 1 : i32
    %sub3A_2614 = arith.subi %div3A_2593, %sub3A_2613 : i32
    %select_n3A_2615 = arith.select %and3A_2612, %sub3A_2614, %div3A_2593 : i32
    %mul3A_2616 = arith.constant 3 : i32
    %mul3A_2617 = arith.muli %select_n3A_2615, %mul3A_2616 : i32
    %sub3A_2618 = arith.subi %select_n3A_2562, %mul3A_2617 : i32
    %dma_start3A_2619 = arith.constant 3 : i32
    %dma_start3A_2620 = arith.constant 3 : i32
    %dma_start3A_2621 = arith.constant 0 : i32
    %dma_start3A_2622 = arith.constant 0 : i32
    %dma_start3A_2623 = tpu.memref_slice %arg4[%dma_start3A_2619, %dma_start3A_2621, %dma_start3A_2622] : memref<4x112x224xf32, #tpu.memory_space<vmem>> -> memref<1x112x224xf32, #tpu.memory_space<vmem>>
    %dma_start3A_2624 = tpu.memref_squeeze %dma_start3A_2623 : memref<1x112x224xf32, #tpu.memory_space<vmem>> -> memref<112x224xf32, #tpu.memory_space<vmem>>
    %dma_start3A_2625 = arith.constant 112 : i32
    %dma_start3A_2626 = arith.constant 0 : i32
    %dma_start3A_2627 = tpu.memref_slice %arg2[%select_n3A_2615, %sub3A_2618, %select_n3A_2591, %dma_start3A_2625, %dma_start3A_2626] : memref<8x3x32x224x224xf32, #tpu.memory_space<hbm>> -> memref<1x1x1x112x224xf32, #tpu.memory_space<hbm>>
    %dma_start3A_2628 = tpu.memref_squeeze %dma_start3A_2627 : memref<1x1x1x112x224xf32, #tpu.memory_space<hbm>> -> memref<112x224xf32, #tpu.memory_space<hbm>>
    %dma_start3A_2629 = tpu.memref_slice %arg5[%dma_start3A_2620] : memref<4x!tpu.dma_semaphore, #tpu.memory_space<semaphore_mem>> -> memref<1x!tpu.dma_semaphore, #tpu.memory_space<semaphore_mem>>
    %dma_start3A_2630 = tpu.memref_squeeze %dma_start3A_2629 : memref<1x!tpu.dma_semaphore, #tpu.memory_space<semaphore_mem>> -> memref<!tpu.dma_semaphore, #tpu.memory_space<semaphore_mem>>
    %dma_start3A_2631 = arith.constant 0 : i32
    %dma_start3A_2632 = arith.constant 0 : i32
    %dma_start3A_2633 = tpu.memref_slice %arg4[%dma_start3A_2619, %dma_start3A_2631, %dma_start3A_2632] : memref<4x112x224xf32, #tpu.memory_space<vmem>> -> memref<1x112x224xf32, #tpu.memory_space<vmem>>
    %dma_start3A_2634 = tpu.memref_squeeze %dma_start3A_2633 : memref<1x112x224xf32, #tpu.memory_space<vmem>> -> memref<112x224xf32, #tpu.memory_space<vmem>>
    %dma_start3A_2635 = arith.constant 112 : i32
    %dma_start3A_2636 = arith.constant 0 : i32
    %dma_start3A_2637 = tpu.memref_slice %arg2[%select_n3A_2615, %sub3A_2618, %select_n3A_2591, %dma_start3A_2635, %dma_start3A_2636] : memref<8x3x32x224x224xf32, #tpu.memory_space<hbm>> -> memref<1x1x1x112x224xf32, #tpu.memory_space<hbm>>
    %dma_start3A_2638 = tpu.memref_squeeze %dma_start3A_2637 : memref<1x1x1x112x224xf32, #tpu.memory_space<hbm>> -> memref<112x224xf32, #tpu.memory_space<hbm>>
    tpu.enqueue_dma source(%dma_start3A_2638 : memref<112x224xf32, #tpu.memory_space<hbm>>) target(%dma_start3A_2634 : memref<112x224xf32, #tpu.memory_space<vmem>>) target_semaphore(%dma_start3A_2630 : memref<!tpu.dma_semaphore, #tpu.memory_space<semaphore_mem>>)
    %dma_wait3A_2639 = arith.constant 2 : i32
    %dma_wait3A_2640 = arith.constant 2 : i32
    %dma_wait3A_2641 = arith.constant 0 : i32
    %dma_wait3A_2642 = arith.constant 0 : i32
    %dma_wait3A_2643 = tpu.memref_slice %arg4[%dma_wait3A_2639, %dma_wait3A_2641, %dma_wait3A_2642] : memref<4x112x224xf32, #tpu.memory_space<vmem>> -> memref<1x112x224xf32, #tpu.memory_space<vmem>>
    %dma_wait3A_2644 = tpu.memref_squeeze %dma_wait3A_2643 : memref<1x112x224xf32, #tpu.memory_space<vmem>> -> memref<112x224xf32, #tpu.memory_space<vmem>>
    %dma_wait3A_2645 = arith.constant 0 : i32
    %dma_wait3A_2646 = arith.constant 0 : i32
    %dma_wait3A_2647 = tpu.memref_slice %arg2[%select_n3A_2367, %sub3A_2370, %select_n3A_2343, %dma_wait3A_2645, %dma_wait3A_2646] : memref<8x3x32x224x224xf32, #tpu.memory_space<hbm>> -> memref<1x1x1x112x224xf32, #tpu.memory_space<hbm>>
    %dma_wait3A_2648 = tpu.memref_squeeze %dma_wait3A_2647 : memref<1x1x1x112x224xf32, #tpu.memory_space<hbm>> -> memref<112x224xf32, #tpu.memory_space<hbm>>
    %dma_wait3A_2649 = tpu.memref_slice %arg5[%dma_wait3A_2640] : memref<4x!tpu.dma_semaphore, #tpu.memory_space<semaphore_mem>> -> memref<1x!tpu.dma_semaphore, #tpu.memory_space<semaphore_mem>>
    %dma_wait3A_2650 = tpu.memref_squeeze %dma_wait3A_2649 : memref<1x!tpu.dma_semaphore, #tpu.memory_space<semaphore_mem>> -> memref<!tpu.dma_semaphore, #tpu.memory_space<semaphore_mem>>
    %dma_wait3A_2651 = arith.constant 0 : i32
    %dma_wait3A_2652 = arith.constant 0 : i32
    %dma_wait3A_2653 = tpu.memref_slice %arg4[%dma_wait3A_2639, %dma_wait3A_2651, %dma_wait3A_2652] : memref<4x112x224xf32, #tpu.memory_space<vmem>> -> memref<1x112x224xf32, #tpu.memory_space<vmem>>
    %dma_wait3A_2654 = tpu.memref_squeeze %dma_wait3A_2653 : memref<1x112x224xf32, #tpu.memory_space<vmem>> -> memref<112x224xf32, #tpu.memory_space<vmem>>
    %dma_wait3A_2655 = arith.constant 0 : i32
    %dma_wait3A_2656 = arith.constant 0 : i32
    %dma_wait3A_2657 = tpu.memref_slice %arg2[%select_n3A_2367, %sub3A_2370, %select_n3A_2343, %dma_wait3A_2655, %dma_wait3A_2656] : memref<8x3x32x224x224xf32, #tpu.memory_space<hbm>> -> memref<1x1x1x112x224xf32, #tpu.memory_space<hbm>>
    %dma_wait3A_2658 = tpu.memref_squeeze %dma_wait3A_2657 : memref<1x1x1x112x224xf32, #tpu.memory_space<hbm>> -> memref<112x224xf32, #tpu.memory_space<hbm>>
    tpu.wait_dma2 semaphore(%dma_wait3A_2650 : memref<!tpu.dma_semaphore, #tpu.memory_space<semaphore_mem>>) src(%dma_wait3A_2658 : memref<112x224xf32, #tpu.memory_space<hbm>>) dst(%dma_wait3A_2654 : memref<112x224xf32, #tpu.memory_space<vmem>>)
    %mul3A_2659 = arith.constant 6 : i32
    %mul3A_2660 = arith.muli %add3A, %mul3A_2659 : i32
    %add3A_2661 = arith.constant 5 : i32
    %add3A_2662 = arith.addi %mul3A_2660, %add3A_2661 : i32
    %jit3A_2663 = arith.constant 8 : i32
    %div3A_2664 = arith.divsi %add3A_2662, %jit3A_2663 : i32
    %sign3A_2665 = arith.constant 0 : i32
    %sign3A_2666 = arith.cmpi sgt, %add3A_2662, %sign3A_2665 : i32
    %sign3A_2667 = arith.extui %sign3A_2666 : i1 to i32
    %sign3A_2668 = arith.constant 0 : i32
    %sign3A_2669 = arith.cmpi slt, %add3A_2662, %sign3A_2668 : i32
    %sign3A_2670 = arith.extui %sign3A_2669 : i1 to i32
    %sign3A_2671 = arith.subi %sign3A_2667, %sign3A_2670 : i32
    %sign3A_2672 = arith.constant 0 : i32
    %sign3A_2673 = arith.cmpi sgt, %jit3A_2663, %sign3A_2672 : i32
    %sign3A_2674 = arith.extui %sign3A_2673 : i1 to i32
    %sign3A_2675 = arith.constant 0 : i32
    %sign3A_2676 = arith.cmpi slt, %jit3A_2663, %sign3A_2675 : i32
    %sign3A_2677 = arith.extui %sign3A_2676 : i1 to i32
    %sign3A_2678 = arith.subi %sign3A_2674, %sign3A_2677 : i32
    %ne3A_2679 = arith.cmpi ne, %sign3A_2671, %sign3A_2678 : i32
    %rem3A_2680 = arith.remsi %add3A_2662, %jit3A_2663 : i32
    %ne3A_2681 = arith.constant 0 : i32
    %ne3A_2682 = arith.cmpi ne, %rem3A_2680, %ne3A_2681 : i32
    %and3A_2683 = arith.andi %ne3A_2679, %ne3A_2682 : i1
    %sub3A_2684 = arith.constant 1 : i32
    %sub3A_2685 = arith.subi %div3A_2664, %sub3A_2684 : i32
    %select_n3A_2686 = arith.select %and3A_2683, %sub3A_2685, %div3A_2664 : i32
    %mul3A_2687 = arith.constant 8 : i32
    %mul3A_2688 = arith.muli %select_n3A_2686, %mul3A_2687 : i32
    %sub3A_2689 = arith.subi %add3A_2662, %mul3A_2688 : i32
    %mul3A_2690 = arith.constant 31 : i32
    %mul3A_2691 = arith.muli %mul3A_2690, %sub3A_2689 : i32
    %jit3A_2692 = arith.constant 7 : i32
    %div3A_2693 = arith.divsi %mul3A_2691, %jit3A_2692 : i32
    %sign3A_2694 = arith.constant 0 : i32
    %sign3A_2695 = arith.cmpi sgt, %mul3A_2691, %sign3A_2694 : i32
    %sign3A_2696 = arith.extui %sign3A_2695 : i1 to i32
    %sign3A_2697 = arith.constant 0 : i32
    %sign3A_2698 = arith.cmpi slt, %mul3A_2691, %sign3A_2697 : i32
    %sign3A_2699 = arith.extui %sign3A_2698 : i1 to i32
    %sign3A_2700 = arith.subi %sign3A_2696, %sign3A_2699 : i32
    %sign3A_2701 = arith.constant 0 : i32
    %sign3A_2702 = arith.cmpi sgt, %jit3A_2692, %sign3A_2701 : i32
    %sign3A_2703 = arith.extui %sign3A_2702 : i1 to i32
    %sign3A_2704 = arith.constant 0 : i32
    %sign3A_2705 = arith.cmpi slt, %jit3A_2692, %sign3A_2704 : i32
    %sign3A_2706 = arith.extui %sign3A_2705 : i1 to i32
    %sign3A_2707 = arith.subi %sign3A_2703, %sign3A_2706 : i32
    %ne3A_2708 = arith.cmpi ne, %sign3A_2700, %sign3A_2707 : i32
    %rem3A_2709 = arith.remsi %mul3A_2691, %jit3A_2692 : i32
    %ne3A_2710 = arith.constant 0 : i32
    %ne3A_2711 = arith.cmpi ne, %rem3A_2709, %ne3A_2710 : i32
    %and3A_2712 = arith.andi %ne3A_2708, %ne3A_2711 : i1
    %sub3A_2713 = arith.constant 1 : i32
    %sub3A_2714 = arith.subi %div3A_2693, %sub3A_2713 : i32
    %select_n3A_2715 = arith.select %and3A_2712, %sub3A_2714, %div3A_2693 : i32
    %jit3A_2716 = arith.constant 3 : i32
    %div3A_2717 = arith.divsi %select_n3A_2686, %jit3A_2716 : i32
    %sign3A_2718 = arith.constant 0 : i32
    %sign3A_2719 = arith.cmpi sgt, %select_n3A_2686, %sign3A_2718 : i32
    %sign3A_2720 = arith.extui %sign3A_2719 : i1 to i32
    %sign3A_2721 = arith.constant 0 : i32
    %sign3A_2722 = arith.cmpi slt, %select_n3A_2686, %sign3A_2721 : i32
    %sign3A_2723 = arith.extui %sign3A_2722 : i1 to i32
    %sign3A_2724 = arith.subi %sign3A_2720, %sign3A_2723 : i32
    %sign3A_2725 = arith.constant 0 : i32
    %sign3A_2726 = arith.cmpi sgt, %jit3A_2716, %sign3A_2725 : i32
    %sign3A_2727 = arith.extui %sign3A_2726 : i1 to i32
    %sign3A_2728 = arith.constant 0 : i32
    %sign3A_2729 = arith.cmpi slt, %jit3A_2716, %sign3A_2728 : i32
    %sign3A_2730 = arith.extui %sign3A_2729 : i1 to i32
    %sign3A_2731 = arith.subi %sign3A_2727, %sign3A_2730 : i32
    %ne3A_2732 = arith.cmpi ne, %sign3A_2724, %sign3A_2731 : i32
    %rem3A_2733 = arith.remsi %select_n3A_2686, %jit3A_2716 : i32
    %ne3A_2734 = arith.constant 0 : i32
    %ne3A_2735 = arith.cmpi ne, %rem3A_2733, %ne3A_2734 : i32
    %and3A_2736 = arith.andi %ne3A_2732, %ne3A_2735 : i1
    %sub3A_2737 = arith.constant 1 : i32
    %sub3A_2738 = arith.subi %div3A_2717, %sub3A_2737 : i32
    %select_n3A_2739 = arith.select %and3A_2736, %sub3A_2738, %div3A_2717 : i32
    %mul3A_2740 = arith.constant 3 : i32
    %mul3A_2741 = arith.muli %select_n3A_2739, %mul3A_2740 : i32
    %sub3A_2742 = arith.subi %select_n3A_2686, %mul3A_2741 : i32
    %dma_start3A_2743 = arith.constant 2 : i32
    %dma_start3A_2744 = arith.constant 2 : i32
    %dma_start3A_2745 = arith.constant 0 : i32
    %dma_start3A_2746 = arith.constant 0 : i32
    %dma_start3A_2747 = tpu.memref_slice %arg4[%dma_start3A_2743, %dma_start3A_2745, %dma_start3A_2746] : memref<4x112x224xf32, #tpu.memory_space<vmem>> -> memref<1x112x224xf32, #tpu.memory_space<vmem>>
    %dma_start3A_2748 = tpu.memref_squeeze %dma_start3A_2747 : memref<1x112x224xf32, #tpu.memory_space<vmem>> -> memref<112x224xf32, #tpu.memory_space<vmem>>
    %dma_start3A_2749 = arith.constant 0 : i32
    %dma_start3A_2750 = arith.constant 0 : i32
    %dma_start3A_2751 = tpu.memref_slice %arg3[%select_n3A_2739, %sub3A_2742, %sub3A_2689, %dma_start3A_2749, %dma_start3A_2750] : memref<8x3x8x224x224xf32, #tpu.memory_space<hbm>> -> memref<1x1x1x112x224xf32, #tpu.memory_space<hbm>>
    %dma_start3A_2752 = tpu.memref_squeeze %dma_start3A_2751 : memref<1x1x1x112x224xf32, #tpu.memory_space<hbm>> -> memref<112x224xf32, #tpu.memory_space<hbm>>
    %dma_start3A_2753 = tpu.memref_slice %arg6[%dma_start3A_2744] : memref<4x!tpu.dma_semaphore, #tpu.memory_space<semaphore_mem>> -> memref<1x!tpu.dma_semaphore, #tpu.memory_space<semaphore_mem>>
    %dma_start3A_2754 = tpu.memref_squeeze %dma_start3A_2753 : memref<1x!tpu.dma_semaphore, #tpu.memory_space<semaphore_mem>> -> memref<!tpu.dma_semaphore, #tpu.memory_space<semaphore_mem>>
    %dma_start3A_2755 = arith.constant 0 : i32
    %dma_start3A_2756 = arith.constant 0 : i32
    %dma_start3A_2757 = tpu.memref_slice %arg3[%select_n3A_2739, %sub3A_2742, %sub3A_2689, %dma_start3A_2755, %dma_start3A_2756] : memref<8x3x8x224x224xf32, #tpu.memory_space<hbm>> -> memref<1x1x1x112x224xf32, #tpu.memory_space<hbm>>
    %dma_start3A_2758 = tpu.memref_squeeze %dma_start3A_2757 : memref<1x1x1x112x224xf32, #tpu.memory_space<hbm>> -> memref<112x224xf32, #tpu.memory_space<hbm>>
    %dma_start3A_2759 = arith.constant 0 : i32
    %dma_start3A_2760 = arith.constant 0 : i32
    %dma_start3A_2761 = tpu.memref_slice %arg4[%dma_start3A_2743, %dma_start3A_2759, %dma_start3A_2760] : memref<4x112x224xf32, #tpu.memory_space<vmem>> -> memref<1x112x224xf32, #tpu.memory_space<vmem>>
    %dma_start3A_2762 = tpu.memref_squeeze %dma_start3A_2761 : memref<1x112x224xf32, #tpu.memory_space<vmem>> -> memref<112x224xf32, #tpu.memory_space<vmem>>
    tpu.enqueue_dma source(%dma_start3A_2762 : memref<112x224xf32, #tpu.memory_space<vmem>>) target(%dma_start3A_2758 : memref<112x224xf32, #tpu.memory_space<hbm>>) target_semaphore(%dma_start3A_2754 : memref<!tpu.dma_semaphore, #tpu.memory_space<semaphore_mem>>)
    %dma_wait3A_2763 = arith.constant 3 : i32
    %dma_wait3A_2764 = arith.constant 3 : i32
    %dma_wait3A_2765 = arith.constant 0 : i32
    %dma_wait3A_2766 = arith.constant 0 : i32
    %dma_wait3A_2767 = tpu.memref_slice %arg4[%dma_wait3A_2763, %dma_wait3A_2765, %dma_wait3A_2766] : memref<4x112x224xf32, #tpu.memory_space<vmem>> -> memref<1x112x224xf32, #tpu.memory_space<vmem>>
    %dma_wait3A_2768 = tpu.memref_squeeze %dma_wait3A_2767 : memref<1x112x224xf32, #tpu.memory_space<vmem>> -> memref<112x224xf32, #tpu.memory_space<vmem>>
    %dma_wait3A_2769 = arith.constant 112 : i32
    %dma_wait3A_2770 = arith.constant 0 : i32
    %dma_wait3A_2771 = tpu.memref_slice %arg2[%select_n3A_2615, %sub3A_2618, %select_n3A_2591, %dma_wait3A_2769, %dma_wait3A_2770] : memref<8x3x32x224x224xf32, #tpu.memory_space<hbm>> -> memref<1x1x1x112x224xf32, #tpu.memory_space<hbm>>
    %dma_wait3A_2772 = tpu.memref_squeeze %dma_wait3A_2771 : memref<1x1x1x112x224xf32, #tpu.memory_space<hbm>> -> memref<112x224xf32, #tpu.memory_space<hbm>>
    %dma_wait3A_2773 = tpu.memref_slice %arg5[%dma_wait3A_2764] : memref<4x!tpu.dma_semaphore, #tpu.memory_space<semaphore_mem>> -> memref<1x!tpu.dma_semaphore, #tpu.memory_space<semaphore_mem>>
    %dma_wait3A_2774 = tpu.memref_squeeze %dma_wait3A_2773 : memref<1x!tpu.dma_semaphore, #tpu.memory_space<semaphore_mem>> -> memref<!tpu.dma_semaphore, #tpu.memory_space<semaphore_mem>>
    %dma_wait3A_2775 = arith.constant 0 : i32
    %dma_wait3A_2776 = arith.constant 0 : i32
    %dma_wait3A_2777 = tpu.memref_slice %arg4[%dma_wait3A_2763, %dma_wait3A_2775, %dma_wait3A_2776] : memref<4x112x224xf32, #tpu.memory_space<vmem>> -> memref<1x112x224xf32, #tpu.memory_space<vmem>>
    %dma_wait3A_2778 = tpu.memref_squeeze %dma_wait3A_2777 : memref<1x112x224xf32, #tpu.memory_space<vmem>> -> memref<112x224xf32, #tpu.memory_space<vmem>>
    %dma_wait3A_2779 = arith.constant 112 : i32
    %dma_wait3A_2780 = arith.constant 0 : i32
    %dma_wait3A_2781 = tpu.memref_slice %arg2[%select_n3A_2615, %sub3A_2618, %select_n3A_2591, %dma_wait3A_2779, %dma_wait3A_2780] : memref<8x3x32x224x224xf32, #tpu.memory_space<hbm>> -> memref<1x1x1x112x224xf32, #tpu.memory_space<hbm>>
    %dma_wait3A_2782 = tpu.memref_squeeze %dma_wait3A_2781 : memref<1x1x1x112x224xf32, #tpu.memory_space<hbm>> -> memref<112x224xf32, #tpu.memory_space<hbm>>
    tpu.wait_dma2 semaphore(%dma_wait3A_2774 : memref<!tpu.dma_semaphore, #tpu.memory_space<semaphore_mem>>) src(%dma_wait3A_2782 : memref<112x224xf32, #tpu.memory_space<hbm>>) dst(%dma_wait3A_2778 : memref<112x224xf32, #tpu.memory_space<vmem>>)
    %mul3A_2783 = arith.constant 6 : i32
    %mul3A_2784 = arith.muli %add3A, %mul3A_2783 : i32
    %add3A_2785 = arith.constant 5 : i32
    %add3A_2786 = arith.addi %mul3A_2784, %add3A_2785 : i32
    %jit3A_2787 = arith.constant 8 : i32
    %div3A_2788 = arith.divsi %add3A_2786, %jit3A_2787 : i32
    %sign3A_2789 = arith.constant 0 : i32
    %sign3A_2790 = arith.cmpi sgt, %add3A_2786, %sign3A_2789 : i32
    %sign3A_2791 = arith.extui %sign3A_2790 : i1 to i32
    %sign3A_2792 = arith.constant 0 : i32
    %sign3A_2793 = arith.cmpi slt, %add3A_2786, %sign3A_2792 : i32
    %sign3A_2794 = arith.extui %sign3A_2793 : i1 to i32
    %sign3A_2795 = arith.subi %sign3A_2791, %sign3A_2794 : i32
    %sign3A_2796 = arith.constant 0 : i32
    %sign3A_2797 = arith.cmpi sgt, %jit3A_2787, %sign3A_2796 : i32
    %sign3A_2798 = arith.extui %sign3A_2797 : i1 to i32
    %sign3A_2799 = arith.constant 0 : i32
    %sign3A_2800 = arith.cmpi slt, %jit3A_2787, %sign3A_2799 : i32
    %sign3A_2801 = arith.extui %sign3A_2800 : i1 to i32
    %sign3A_2802 = arith.subi %sign3A_2798, %sign3A_2801 : i32
    %ne3A_2803 = arith.cmpi ne, %sign3A_2795, %sign3A_2802 : i32
    %rem3A_2804 = arith.remsi %add3A_2786, %jit3A_2787 : i32
    %ne3A_2805 = arith.constant 0 : i32
    %ne3A_2806 = arith.cmpi ne, %rem3A_2804, %ne3A_2805 : i32
    %and3A_2807 = arith.andi %ne3A_2803, %ne3A_2806 : i1
    %sub3A_2808 = arith.constant 1 : i32
    %sub3A_2809 = arith.subi %div3A_2788, %sub3A_2808 : i32
    %select_n3A_2810 = arith.select %and3A_2807, %sub3A_2809, %div3A_2788 : i32
    %mul3A_2811 = arith.constant 8 : i32
    %mul3A_2812 = arith.muli %select_n3A_2810, %mul3A_2811 : i32
    %sub3A_2813 = arith.subi %add3A_2786, %mul3A_2812 : i32
    %mul3A_2814 = arith.constant 31 : i32
    %mul3A_2815 = arith.muli %mul3A_2814, %sub3A_2813 : i32
    %jit3A_2816 = arith.constant 7 : i32
    %div3A_2817 = arith.divsi %mul3A_2815, %jit3A_2816 : i32
    %sign3A_2818 = arith.constant 0 : i32
    %sign3A_2819 = arith.cmpi sgt, %mul3A_2815, %sign3A_2818 : i32
    %sign3A_2820 = arith.extui %sign3A_2819 : i1 to i32
    %sign3A_2821 = arith.constant 0 : i32
    %sign3A_2822 = arith.cmpi slt, %mul3A_2815, %sign3A_2821 : i32
    %sign3A_2823 = arith.extui %sign3A_2822 : i1 to i32
    %sign3A_2824 = arith.subi %sign3A_2820, %sign3A_2823 : i32
    %sign3A_2825 = arith.constant 0 : i32
    %sign3A_2826 = arith.cmpi sgt, %jit3A_2816, %sign3A_2825 : i32
    %sign3A_2827 = arith.extui %sign3A_2826 : i1 to i32
    %sign3A_2828 = arith.constant 0 : i32
    %sign3A_2829 = arith.cmpi slt, %jit3A_2816, %sign3A_2828 : i32
    %sign3A_2830 = arith.extui %sign3A_2829 : i1 to i32
    %sign3A_2831 = arith.subi %sign3A_2827, %sign3A_2830 : i32
    %ne3A_2832 = arith.cmpi ne, %sign3A_2824, %sign3A_2831 : i32
    %rem3A_2833 = arith.remsi %mul3A_2815, %jit3A_2816 : i32
    %ne3A_2834 = arith.constant 0 : i32
    %ne3A_2835 = arith.cmpi ne, %rem3A_2833, %ne3A_2834 : i32
    %and3A_2836 = arith.andi %ne3A_2832, %ne3A_2835 : i1
    %sub3A_2837 = arith.constant 1 : i32
    %sub3A_2838 = arith.subi %div3A_2817, %sub3A_2837 : i32
    %select_n3A_2839 = arith.select %and3A_2836, %sub3A_2838, %div3A_2817 : i32
    %jit3A_2840 = arith.constant 3 : i32
    %div3A_2841 = arith.divsi %select_n3A_2810, %jit3A_2840 : i32
    %sign3A_2842 = arith.constant 0 : i32
    %sign3A_2843 = arith.cmpi sgt, %select_n3A_2810, %sign3A_2842 : i32
    %sign3A_2844 = arith.extui %sign3A_2843 : i1 to i32
    %sign3A_2845 = arith.constant 0 : i32
    %sign3A_2846 = arith.cmpi slt, %select_n3A_2810, %sign3A_2845 : i32
    %sign3A_2847 = arith.extui %sign3A_2846 : i1 to i32
    %sign3A_2848 = arith.subi %sign3A_2844, %sign3A_2847 : i32
    %sign3A_2849 = arith.constant 0 : i32
    %sign3A_2850 = arith.cmpi sgt, %jit3A_2840, %sign3A_2849 : i32
    %sign3A_2851 = arith.extui %sign3A_2850 : i1 to i32
    %sign3A_2852 = arith.constant 0 : i32
    %sign3A_2853 = arith.cmpi slt, %jit3A_2840, %sign3A_2852 : i32
    %sign3A_2854 = arith.extui %sign3A_2853 : i1 to i32
    %sign3A_2855 = arith.subi %sign3A_2851, %sign3A_2854 : i32
    %ne3A_2856 = arith.cmpi ne, %sign3A_2848, %sign3A_2855 : i32
    %rem3A_2857 = arith.remsi %select_n3A_2810, %jit3A_2840 : i32
    %ne3A_2858 = arith.constant 0 : i32
    %ne3A_2859 = arith.cmpi ne, %rem3A_2857, %ne3A_2858 : i32
    %and3A_2860 = arith.andi %ne3A_2856, %ne3A_2859 : i1
    %sub3A_2861 = arith.constant 1 : i32
    %sub3A_2862 = arith.subi %div3A_2841, %sub3A_2861 : i32
    %select_n3A_2863 = arith.select %and3A_2860, %sub3A_2862, %div3A_2841 : i32
    %mul3A_2864 = arith.constant 3 : i32
    %mul3A_2865 = arith.muli %select_n3A_2863, %mul3A_2864 : i32
    %sub3A_2866 = arith.subi %select_n3A_2810, %mul3A_2865 : i32
    %dma_start3A_2867 = arith.constant 3 : i32
    %dma_start3A_2868 = arith.constant 3 : i32
    %dma_start3A_2869 = arith.constant 0 : i32
    %dma_start3A_2870 = arith.constant 0 : i32
    %dma_start3A_2871 = tpu.memref_slice %arg4[%dma_start3A_2867, %dma_start3A_2869, %dma_start3A_2870] : memref<4x112x224xf32, #tpu.memory_space<vmem>> -> memref<1x112x224xf32, #tpu.memory_space<vmem>>
    %dma_start3A_2872 = tpu.memref_squeeze %dma_start3A_2871 : memref<1x112x224xf32, #tpu.memory_space<vmem>> -> memref<112x224xf32, #tpu.memory_space<vmem>>
    %dma_start3A_2873 = arith.constant 112 : i32
    %dma_start3A_2874 = arith.constant 0 : i32
    %dma_start3A_2875 = tpu.memref_slice %arg3[%select_n3A_2863, %sub3A_2866, %sub3A_2813, %dma_start3A_2873, %dma_start3A_2874] : memref<8x3x8x224x224xf32, #tpu.memory_space<hbm>> -> memref<1x1x1x112x224xf32, #tpu.memory_space<hbm>>
    %dma_start3A_2876 = tpu.memref_squeeze %dma_start3A_2875 : memref<1x1x1x112x224xf32, #tpu.memory_space<hbm>> -> memref<112x224xf32, #tpu.memory_space<hbm>>
    %dma_start3A_2877 = tpu.memref_slice %arg6[%dma_start3A_2868] : memref<4x!tpu.dma_semaphore, #tpu.memory_space<semaphore_mem>> -> memref<1x!tpu.dma_semaphore, #tpu.memory_space<semaphore_mem>>
    %dma_start3A_2878 = tpu.memref_squeeze %dma_start3A_2877 : memref<1x!tpu.dma_semaphore, #tpu.memory_space<semaphore_mem>> -> memref<!tpu.dma_semaphore, #tpu.memory_space<semaphore_mem>>
    %dma_start3A_2879 = arith.constant 112 : i32
    %dma_start3A_2880 = arith.constant 0 : i32
    %dma_start3A_2881 = tpu.memref_slice %arg3[%select_n3A_2863, %sub3A_2866, %sub3A_2813, %dma_start3A_2879, %dma_start3A_2880] : memref<8x3x8x224x224xf32, #tpu.memory_space<hbm>> -> memref<1x1x1x112x224xf32, #tpu.memory_space<hbm>>
    %dma_start3A_2882 = tpu.memref_squeeze %dma_start3A_2881 : memref<1x1x1x112x224xf32, #tpu.memory_space<hbm>> -> memref<112x224xf32, #tpu.memory_space<hbm>>
    %dma_start3A_2883 = arith.constant 0 : i32
    %dma_start3A_2884 = arith.constant 0 : i32
    %dma_start3A_2885 = tpu.memref_slice %arg4[%dma_start3A_2867, %dma_start3A_2883, %dma_start3A_2884] : memref<4x112x224xf32, #tpu.memory_space<vmem>> -> memref<1x112x224xf32, #tpu.memory_space<vmem>>
    %dma_start3A_2886 = tpu.memref_squeeze %dma_start3A_2885 : memref<1x112x224xf32, #tpu.memory_space<vmem>> -> memref<112x224xf32, #tpu.memory_space<vmem>>
    tpu.enqueue_dma source(%dma_start3A_2886 : memref<112x224xf32, #tpu.memory_space<vmem>>) target(%dma_start3A_2882 : memref<112x224xf32, #tpu.memory_space<hbm>>) target_semaphore(%dma_start3A_2878 : memref<!tpu.dma_semaphore, #tpu.memory_space<semaphore_mem>>)
    %dma_wait3A_2887 = arith.constant 0 : i32
    %dma_wait3A_2888 = arith.constant 0 : i32
    %dma_wait3A_2889 = arith.constant 0 : i32
    %dma_wait3A_2890 = arith.constant 0 : i32
    %dma_wait3A_2891 = tpu.memref_slice %arg4[%dma_wait3A_2887, %dma_wait3A_2889, %dma_wait3A_2890] : memref<4x112x224xf32, #tpu.memory_space<vmem>> -> memref<1x112x224xf32, #tpu.memory_space<vmem>>
    %dma_wait3A_2892 = tpu.memref_squeeze %dma_wait3A_2891 : memref<1x112x224xf32, #tpu.memory_space<vmem>> -> memref<112x224xf32, #tpu.memory_space<vmem>>
    %dma_wait3A_2893 = arith.constant 0 : i32
    %dma_wait3A_2894 = arith.constant 0 : i32
    %dma_wait3A_2895 = tpu.memref_slice %arg3[%select_n3A_2243, %sub3A_2246, %sub3A_2193, %dma_wait3A_2893, %dma_wait3A_2894] : memref<8x3x8x224x224xf32, #tpu.memory_space<hbm>> -> memref<1x1x1x112x224xf32, #tpu.memory_space<hbm>>
    %dma_wait3A_2896 = tpu.memref_squeeze %dma_wait3A_2895 : memref<1x1x1x112x224xf32, #tpu.memory_space<hbm>> -> memref<112x224xf32, #tpu.memory_space<hbm>>
    %dma_wait3A_2897 = tpu.memref_slice %arg6[%dma_wait3A_2888] : memref<4x!tpu.dma_semaphore, #tpu.memory_space<semaphore_mem>> -> memref<1x!tpu.dma_semaphore, #tpu.memory_space<semaphore_mem>>
    %dma_wait3A_2898 = tpu.memref_squeeze %dma_wait3A_2897 : memref<1x!tpu.dma_semaphore, #tpu.memory_space<semaphore_mem>> -> memref<!tpu.dma_semaphore, #tpu.memory_space<semaphore_mem>>
    %dma_wait3A_2899 = arith.constant 0 : i32
    %dma_wait3A_2900 = arith.constant 0 : i32
    %dma_wait3A_2901 = tpu.memref_slice %arg3[%select_n3A_2243, %sub3A_2246, %sub3A_2193, %dma_wait3A_2899, %dma_wait3A_2900] : memref<8x3x8x224x224xf32, #tpu.memory_space<hbm>> -> memref<1x1x1x112x224xf32, #tpu.memory_space<hbm>>
    %dma_wait3A_2902 = tpu.memref_squeeze %dma_wait3A_2901 : memref<1x1x1x112x224xf32, #tpu.memory_space<hbm>> -> memref<112x224xf32, #tpu.memory_space<hbm>>
    %dma_wait3A_2903 = arith.constant 0 : i32
    %dma_wait3A_2904 = arith.constant 0 : i32
    %dma_wait3A_2905 = tpu.memref_slice %arg4[%dma_wait3A_2887, %dma_wait3A_2903, %dma_wait3A_2904] : memref<4x112x224xf32, #tpu.memory_space<vmem>> -> memref<1x112x224xf32, #tpu.memory_space<vmem>>
    %dma_wait3A_2906 = tpu.memref_squeeze %dma_wait3A_2905 : memref<1x112x224xf32, #tpu.memory_space<vmem>> -> memref<112x224xf32, #tpu.memory_space<vmem>>
    tpu.wait_dma2 semaphore(%dma_wait3A_2898 : memref<!tpu.dma_semaphore, #tpu.memory_space<semaphore_mem>>) src(%dma_wait3A_2906 : memref<112x224xf32, #tpu.memory_space<vmem>>) dst(%dma_wait3A_2902 : memref<112x224xf32, #tpu.memory_space<hbm>>)
    %dma_wait3A_2907 = arith.constant 1 : i32
    %dma_wait3A_2908 = arith.constant 1 : i32
    %dma_wait3A_2909 = arith.constant 0 : i32
    %dma_wait3A_2910 = arith.constant 0 : i32
    %dma_wait3A_2911 = tpu.memref_slice %arg4[%dma_wait3A_2907, %dma_wait3A_2909, %dma_wait3A_2910] : memref<4x112x224xf32, #tpu.memory_space<vmem>> -> memref<1x112x224xf32, #tpu.memory_space<vmem>>
    %dma_wait3A_2912 = tpu.memref_squeeze %dma_wait3A_2911 : memref<1x112x224xf32, #tpu.memory_space<vmem>> -> memref<112x224xf32, #tpu.memory_space<vmem>>
    %dma_wait3A_2913 = arith.constant 112 : i32
    %dma_wait3A_2914 = arith.constant 0 : i32
    %dma_wait3A_2915 = tpu.memref_slice %arg3[%select_n3A_2491, %sub3A_2494, %sub3A_2441, %dma_wait3A_2913, %dma_wait3A_2914] : memref<8x3x8x224x224xf32, #tpu.memory_space<hbm>> -> memref<1x1x1x112x224xf32, #tpu.memory_space<hbm>>
    %dma_wait3A_2916 = tpu.memref_squeeze %dma_wait3A_2915 : memref<1x1x1x112x224xf32, #tpu.memory_space<hbm>> -> memref<112x224xf32, #tpu.memory_space<hbm>>
    %dma_wait3A_2917 = tpu.memref_slice %arg6[%dma_wait3A_2908] : memref<4x!tpu.dma_semaphore, #tpu.memory_space<semaphore_mem>> -> memref<1x!tpu.dma_semaphore, #tpu.memory_space<semaphore_mem>>
    %dma_wait3A_2918 = tpu.memref_squeeze %dma_wait3A_2917 : memref<1x!tpu.dma_semaphore, #tpu.memory_space<semaphore_mem>> -> memref<!tpu.dma_semaphore, #tpu.memory_space<semaphore_mem>>
    %dma_wait3A_2919 = arith.constant 112 : i32
    %dma_wait3A_2920 = arith.constant 0 : i32
    %dma_wait3A_2921 = tpu.memref_slice %arg3[%select_n3A_2491, %sub3A_2494, %sub3A_2441, %dma_wait3A_2919, %dma_wait3A_2920] : memref<8x3x8x224x224xf32, #tpu.memory_space<hbm>> -> memref<1x1x1x112x224xf32, #tpu.memory_space<hbm>>
    %dma_wait3A_2922 = tpu.memref_squeeze %dma_wait3A_2921 : memref<1x1x1x112x224xf32, #tpu.memory_space<hbm>> -> memref<112x224xf32, #tpu.memory_space<hbm>>
    %dma_wait3A_2923 = arith.constant 0 : i32
    %dma_wait3A_2924 = arith.constant 0 : i32
    %dma_wait3A_2925 = tpu.memref_slice %arg4[%dma_wait3A_2907, %dma_wait3A_2923, %dma_wait3A_2924] : memref<4x112x224xf32, #tpu.memory_space<vmem>> -> memref<1x112x224xf32, #tpu.memory_space<vmem>>
    %dma_wait3A_2926 = tpu.memref_squeeze %dma_wait3A_2925 : memref<1x112x224xf32, #tpu.memory_space<vmem>> -> memref<112x224xf32, #tpu.memory_space<vmem>>
    tpu.wait_dma2 semaphore(%dma_wait3A_2918 : memref<!tpu.dma_semaphore, #tpu.memory_space<semaphore_mem>>) src(%dma_wait3A_2926 : memref<112x224xf32, #tpu.memory_space<vmem>>) dst(%dma_wait3A_2922 : memref<112x224xf32, #tpu.memory_space<hbm>>)
    %dma_wait3A_2927 = arith.constant 2 : i32
    %dma_wait3A_2928 = arith.constant 2 : i32
    %dma_wait3A_2929 = arith.constant 0 : i32
    %dma_wait3A_2930 = arith.constant 0 : i32
    %dma_wait3A_2931 = tpu.memref_slice %arg4[%dma_wait3A_2927, %dma_wait3A_2929, %dma_wait3A_2930] : memref<4x112x224xf32, #tpu.memory_space<vmem>> -> memref<1x112x224xf32, #tpu.memory_space<vmem>>
    %dma_wait3A_2932 = tpu.memref_squeeze %dma_wait3A_2931 : memref<1x112x224xf32, #tpu.memory_space<vmem>> -> memref<112x224xf32, #tpu.memory_space<vmem>>
    %dma_wait3A_2933 = arith.constant 0 : i32
    %dma_wait3A_2934 = arith.constant 0 : i32
    %dma_wait3A_2935 = tpu.memref_slice %arg3[%select_n3A_2739, %sub3A_2742, %sub3A_2689, %dma_wait3A_2933, %dma_wait3A_2934] : memref<8x3x8x224x224xf32, #tpu.memory_space<hbm>> -> memref<1x1x1x112x224xf32, #tpu.memory_space<hbm>>
    %dma_wait3A_2936 = tpu.memref_squeeze %dma_wait3A_2935 : memref<1x1x1x112x224xf32, #tpu.memory_space<hbm>> -> memref<112x224xf32, #tpu.memory_space<hbm>>
    %dma_wait3A_2937 = tpu.memref_slice %arg6[%dma_wait3A_2928] : memref<4x!tpu.dma_semaphore, #tpu.memory_space<semaphore_mem>> -> memref<1x!tpu.dma_semaphore, #tpu.memory_space<semaphore_mem>>
    %dma_wait3A_2938 = tpu.memref_squeeze %dma_wait3A_2937 : memref<1x!tpu.dma_semaphore, #tpu.memory_space<semaphore_mem>> -> memref<!tpu.dma_semaphore, #tpu.memory_space<semaphore_mem>>
    %dma_wait3A_2939 = arith.constant 0 : i32
    %dma_wait3A_2940 = arith.constant 0 : i32
    %dma_wait3A_2941 = tpu.memref_slice %arg3[%select_n3A_2739, %sub3A_2742, %sub3A_2689, %dma_wait3A_2939, %dma_wait3A_2940] : memref<8x3x8x224x224xf32, #tpu.memory_space<hbm>> -> memref<1x1x1x112x224xf32, #tpu.memory_space<hbm>>
    %dma_wait3A_2942 = tpu.memref_squeeze %dma_wait3A_2941 : memref<1x1x1x112x224xf32, #tpu.memory_space<hbm>> -> memref<112x224xf32, #tpu.memory_space<hbm>>
    %dma_wait3A_2943 = arith.constant 0 : i32
    %dma_wait3A_2944 = arith.constant 0 : i32
    %dma_wait3A_2945 = tpu.memref_slice %arg4[%dma_wait3A_2927, %dma_wait3A_2943, %dma_wait3A_2944] : memref<4x112x224xf32, #tpu.memory_space<vmem>> -> memref<1x112x224xf32, #tpu.memory_space<vmem>>
    %dma_wait3A_2946 = tpu.memref_squeeze %dma_wait3A_2945 : memref<1x112x224xf32, #tpu.memory_space<vmem>> -> memref<112x224xf32, #tpu.memory_space<vmem>>
    tpu.wait_dma2 semaphore(%dma_wait3A_2938 : memref<!tpu.dma_semaphore, #tpu.memory_space<semaphore_mem>>) src(%dma_wait3A_2946 : memref<112x224xf32, #tpu.memory_space<vmem>>) dst(%dma_wait3A_2942 : memref<112x224xf32, #tpu.memory_space<hbm>>)
    %dma_wait3A_2947 = arith.constant 3 : i32
    %dma_wait3A_2948 = arith.constant 3 : i32
    %dma_wait3A_2949 = arith.constant 0 : i32
    %dma_wait3A_2950 = arith.constant 0 : i32
    %dma_wait3A_2951 = tpu.memref_slice %arg4[%dma_wait3A_2947, %dma_wait3A_2949, %dma_wait3A_2950] : memref<4x112x224xf32, #tpu.memory_space<vmem>> -> memref<1x112x224xf32, #tpu.memory_space<vmem>>
    %dma_wait3A_2952 = tpu.memref_squeeze %dma_wait3A_2951 : memref<1x112x224xf32, #tpu.memory_space<vmem>> -> memref<112x224xf32, #tpu.memory_space<vmem>>
    %dma_wait3A_2953 = arith.constant 112 : i32
    %dma_wait3A_2954 = arith.constant 0 : i32
    %dma_wait3A_2955 = tpu.memref_slice %arg3[%select_n3A_2863, %sub3A_2866, %sub3A_2813, %dma_wait3A_2953, %dma_wait3A_2954] : memref<8x3x8x224x224xf32, #tpu.memory_space<hbm>> -> memref<1x1x1x112x224xf32, #tpu.memory_space<hbm>>
    %dma_wait3A_2956 = tpu.memref_squeeze %dma_wait3A_2955 : memref<1x1x1x112x224xf32, #tpu.memory_space<hbm>> -> memref<112x224xf32, #tpu.memory_space<hbm>>
    %dma_wait3A_2957 = tpu.memref_slice %arg6[%dma_wait3A_2948] : memref<4x!tpu.dma_semaphore, #tpu.memory_space<semaphore_mem>> -> memref<1x!tpu.dma_semaphore, #tpu.memory_space<semaphore_mem>>
    %dma_wait3A_2958 = tpu.memref_squeeze %dma_wait3A_2957 : memref<1x!tpu.dma_semaphore, #tpu.memory_space<semaphore_mem>> -> memref<!tpu.dma_semaphore, #tpu.memory_space<semaphore_mem>>
    %dma_wait3A_2959 = arith.constant 112 : i32
    %dma_wait3A_2960 = arith.constant 0 : i32
    %dma_wait3A_2961 = tpu.memref_slice %arg3[%select_n3A_2863, %sub3A_2866, %sub3A_2813, %dma_wait3A_2959, %dma_wait3A_2960] : memref<8x3x8x224x224xf32, #tpu.memory_space<hbm>> -> memref<1x1x1x112x224xf32, #tpu.memory_space<hbm>>
    %dma_wait3A_2962 = tpu.memref_squeeze %dma_wait3A_2961 : memref<1x1x1x112x224xf32, #tpu.memory_space<hbm>> -> memref<112x224xf32, #tpu.memory_space<hbm>>
    %dma_wait3A_2963 = arith.constant 0 : i32
    %dma_wait3A_2964 = arith.constant 0 : i32
    %dma_wait3A_2965 = tpu.memref_slice %arg4[%dma_wait3A_2947, %dma_wait3A_2963, %dma_wait3A_2964] : memref<4x112x224xf32, #tpu.memory_space<vmem>> -> memref<1x112x224xf32, #tpu.memory_space<vmem>>
    %dma_wait3A_2966 = tpu.memref_squeeze %dma_wait3A_2965 : memref<1x112x224xf32, #tpu.memory_space<vmem>> -> memref<112x224xf32, #tpu.memory_space<vmem>>
    tpu.wait_dma2 semaphore(%dma_wait3A_2958 : memref<!tpu.dma_semaphore, #tpu.memory_space<semaphore_mem>>) src(%dma_wait3A_2966 : memref<112x224xf32, #tpu.memory_space<vmem>>) dst(%dma_wait3A_2962 : memref<112x224xf32, #tpu.memory_space<hbm>>)
    return
  }
}

</mosaic_0001>

<sc_bundles>
// kernel: kernel.3.cloned.1.call-start
scs
__scs_entry_jumppad:
0x0: {  	(pc) =	sbr.rel $0x88, $3  }
0x1: {  	(tag) =	ssettag $0x0;
	lr =	simm.s32 $0x1  }
0x2: {  	[smem:$0x3FA0] =	sst lr;
	_ =	strace $0xD0000000  }
0x3: {  	_ = 	snop  }
0x4: {  	_ = 	snop  }
0x5: {  	_ = 	snop  }
0x6: {  	_ = 	snop  }
0x7: {  	_ = 	snop  }
__scs_overlays_trampoline_lowered:
0x8: {  	[smem:$0x3FAF] =	sst s0  }
0x9: {  	[smem:$0x3FB0] =	sst s1  }
0xa: {  	[smem:$0x3FB1] =	sst s2  }
0xb: {  	[smem:$0x3FB2] =	sst s3  }
0xc: {  	[smem:$0x3FB3] =	sst s4  }
0xd: {  	[smem:$0x3FB4] =	sst s5  }
0xe: {  	[smem:$0x3FB5] =	sst s6  }
0xf: {  	[smem:$0x3FB6] =	sst s7  }
0x10: {  	[smem:$0x3FB7] =	sst s8  }
0x11: {  	[smem:$0x3FB8] =	sst s9;
	s0 =	simm.s32 @!p0 $0x0  }
0x12: {  	s1 =	sld [smem:$0x3F9E];
	s0 =	simm.s32 @p0 $0x1  }
0x13: {  	[smem:$0x3FB9] =	sst s0;
	s0 =	simm.s32 @!p1 $0x0  }
0x14: {  	s2 =	sld [smem:$0x3F9D];
	s0 =	simm.s32 @p1 $0x1  }
0x15: {  	[smem:$0x3FBA] =	sst s0;
	s0 =	simm.s32 @!p2 $0x0  }
0x16: {  	s3 =	sld [smem:$0x3FDB];
	s0 =	simm.s32 @p2 $0x1  }
0x17: {  	s4 =	simm.s32 $0x1BF5;
	[smem:$0x3FBC] =	sst s0  }
0x18: {  	s0 =	sld [smem:$0x3F9F];
	_ =	swait.ge [sflag:s4], $0x0  }
0x19: {  	s7 =	sld [smem:$0x3FA0]  }
0x1a: {  	s8 =	sadd.s32 $0xFFFFE003, lr  }
0x1b: {  	s9 =	sadd.s32 $0xFFFFFEF7, lr;
	s5 =	simm.s32 $0xFFFFFFFF;
	p2 =	slt.u32 s8, $0xFFFFF086  }
0x1c: {  	p1 =	slt.u32 s9, $0xF7A;
	s5 =	simm.s32 @!p2 $0x0  }
0x1d: {  	s5 =	simm.s32 @p1 $0x1;
	p0 =	seq.s32 s7, s2  }
0x1e: {  	s7 =	smul.u32 @!p0 $0xF7A, s2;
	p2 =	seq.s32 @!p0 s5, $0x0  }
0x1f: {  	s9 =	smul.u32 $0xF7A, s1;
	s8 =	simm.s32 @!p0 $0x1BF5;
	p2 =	por !p2, p0  }
0x20: {  	[sflag:s8] =	ssyncset.s32 @!p0 $0xFFFFF086;
	s6 =	sadd.s32 @!p0 s3, s7;
	s7 =	simm.s32 @!p0 $0x108  }
0x21: {  	s3 =	sadd.s32 s3, s9;
	s6 =	sadd.s32 @!p0 $0x88, s6;
	s7 =	simm.s32 @p2 $0x1082  }
0x22: {  	[simem:s7], [sflag:s8] =	dma.local @!p0 [hbm:s6], $0xF7A  }
0x23: {  	s9 =	sor.u32 $0xD0000000, s2;
	s6 =	simm.s32 $0x108;
	_ =	swait.ge @!p0 [sflag:s8], $0x0  }
0x24: {  	s3 =	sadd.s32 $0x88, s3;
	s6 =	simm.s32 @!p1 $0x1082;
	[sflag:s4] =	ssyncset.s32 $0xFFFFF086  }
0x25: {  	[simem:s6], [sflag:s4] =	dma.local [hbm:s3], $0xF7A  }
0x26: {  	[smem:$0x3FA0] =	sst s1;
	(tag) =	ssettag s2;
	_ =	strace s9  }
0x27: {  	s1 =	sld [smem:$0x3FB0]  }
0x28: {  	s2 =	sld [smem:$0x3FB1]  }
0x29: {  	s4 =	sld [smem:$0x3FB3]  }
0x2a: {  	p0 =	seq.s32 s5, $0x0;
	s5 =	sld [smem:$0x3FB4]  }
0x2b: {  	s6 =	sld [smem:$0x3FB5]  }
0x2c: {  	s7 =	sld [smem:$0x3FB6]  }
0x2d: {  	s3 =	simm.s32 $0x108;
	s8 =	sld [smem:$0x3FB7]  }
0x2e: {  	s3 =	simm.s32 @!p0 $0x1082;
	s9 =	sld [smem:$0x3FB8]  }
0x2f: {  	lr =	sadd.s32 s0, s3;
	s0 =	sld [smem:$0x3FAF]  }
0x30: {  	s3 =	sld [smem:$0x3FB2]  }
0x31: {  	[smem:$0x3FBB] =	sst s10  }
0x32: {  	s10 =	sld [smem:$0x3FB9];
	_ =	sdelay $0x3  }
0x33: {  	p0 =	seq.s32 s10, $0x1;
	s10 =	sld [smem:$0x3FBB];
	_ =	sdelay $0x3  }
0x34: {  	[smem:$0x3FBB] =	sst s10  }
0x35: {  	s10 =	sld [smem:$0x3FBA];
	_ =	sdelay $0x3  }
0x36: {  	p1 =	seq.s32 s10, $0x1;
	s10 =	sld [smem:$0x3FBB];
	_ =	sdelay $0x3  }
0x37: {  	[smem:$0x3FBB] =	sst s10  }
0x38: {  	s10 =	sld [smem:$0x3FBC]  }
0x39: {  	_ = 	snop;
	(pc) =	sbr.ind lr, $3  }
0x3a: {  	_ = 	snop  }
0x3b: {  	_ = 	snop  }
0x3c: {  	p2 =	seq.s32 s10, $0x1;
	s10 =	sld [smem:$0x3FBB]  }
0x3d: {  	_ =	shalt  }
0x3e: {  	_ =	shalt  }
0x3f: {  	_ =	shalt  }
0x40: {  	_ =	shalt  }
0x41: {  	_ =	shalt  }
0x42: {  	_ =	shalt  }
0x43: {  	_ =	shalt  }
0x44: {  	_ =	shalt  }
0x45: {  	_ =	shalt  }
0x46: {  	_ =	shalt  }
0x47: {  	_ =	shalt  }
0x48: {  	_ =	shalt  }
0x49: {  	_ =	shalt  }
0x4a: {  	_ =	shalt  }
0x4b: {  	_ =	shalt  }
0x4c: {  	_ =	shalt  }
0x4d: {  	_ =	shalt  }
0x4e: {  	_ =	shalt  }
0x4f: {  	_ =	shalt  }
0x50: {  	_ =	shalt  }
0x51: {  	_ =	shalt  }
0x52: {  	_ =	shalt  }
0x53: {  	_ =	shalt  }
0x54: {  	_ =	shalt  }
0x55: {  	_ =	shalt  }
0x56: {  	_ =	shalt  }
0x57: {  	_ =	shalt  }
0x58: {  	_ =	shalt  }
0x59: {  	_ =	shalt  }
0x5a: {  	_ =	shalt  }
0x5b: {  	_ =	shalt  }
0x5c: {  	_ =	shalt  }
0x5d: {  	_ =	shalt  }
0x5e: {  	_ =	shalt  }
0x5f: {  	_ =	shalt  }
0x60: {  	_ =	shalt  }
0x61: {  	_ =	shalt  }
0x62: {  	_ =	shalt  }
0x63: {  	_ =	shalt  }
0x64: {  	_ =	shalt  }
0x65: {  	_ =	shalt  }
0x66: {  	_ =	shalt  }
0x67: {  	_ =	shalt  }
0x68: {  	_ =	shalt  }
0x69: {  	_ =	shalt  }
0x6a: {  	_ =	shalt  }
0x6b: {  	_ =	shalt  }
0x6c: {  	_ =	shalt  }
0x6d: {  	_ =	shalt  }
0x6e: {  	_ =	shalt  }
0x6f: {  	_ =	shalt  }
0x70: {  	_ =	shalt  }
0x71: {  	_ =	shalt  }
0x72: {  	_ =	shalt  }
0x73: {  	_ =	shalt  }
0x74: {  	_ =	shalt  }
0x75: {  	_ =	shalt  }
0x76: {  	_ =	shalt  }
0x77: {  	_ =	shalt  }
0x78: {  	_ =	shalt  }
0x79: {  	_ =	shalt  }
0x7a: {  	_ =	shalt  }
0x7b: {  	_ =	shalt  }
0x7c: {  	_ =	shalt  }
0x7d: {  	_ =	shalt  }
0x7e: {  	_ =	shalt  }
0x7f: {  	_ =	shalt  }
0x80: {  	_ =	shalt  }
0x81: {  	_ =	shalt  }
0x82: {  	_ =	shalt  }
0x83: {  	_ =	shalt  }
0x84: {  	_ =	shalt  }
0x85: {  	_ =	shalt  }
0x86: {  	_ =	shalt  }
0x87: {  	_ =	shalt  }
.Lfunc_end0:
.L_simem_size_0:
called_computation_lowered:
.L_overlay_start_0:
0x88: {  	s2 =	sld [smem:$0x3FD9]  }
0x89: {  	s3 =	sld [smem:$0x3FFE];
	_ =	sdelay $0x1  }
0x8a: {  	s1 =	srdreg.scid  }
0x8b: {  	s0 =	sand.u32 $0x1, s1  }
0x8c: {  	s15 =	sshll.u32 s0, $0xA;
	s2 =	sadd.s32 s3, s2  }
0x8d: {  	s2 =	sadd.s32 s2, s15  }
0x8e: {  	[smem:$0x3FC7] =	sst s2  }
0x8f: {  	_ = 	snop  }
0x90: {  	s2 =	sld [smem:$0x3FD0];
	_ =	sdelay $0x2  }
0x91: {  	s4 =	simm.s32 $0xA;
	s5 =	simm.s32 $0x10;
	s16 =	sld [smem:$0x3FC9]  }
0x92: {  	[smem:s5], [sflag:s4] =	dma.local [hbm:s2], $0x1  }
0x93: {  	_ =	swait.eq [sflag:s4], $0x1  }
0x94: {  	[sflag:s4] =	ssyncset.done $0x0  }
0x95: {  	[sflag:s4] =	ssyncadd.s32 $0xFFFFFFFF  }
0x96: {  	s17 =	sld [smem:$0x10];
	(tm) =	ssettm $0x1  }
0x97: {  	s18 =	sld [smem:$0x3FFB];
	_ =	sdelay $0x3  }
0x98: {  	_ =	strace s18  }
0x99: {  	s4 =	sld [smem:$0x3FFC];
	_ =	sdelay $0x3  }
0x9a: {  	_ =	strace s4  }
0x9b: {  	s4 =	sld [smem:$0x3FFD];
	_ =	sdelay $0x3  }
0x9c: {  	_ =	strace s4  }
0x9d: {  	_ =	strace $0x8FFFFFFF  }
0x9e: {  	s19 =	sld [smem:$0x3FDB];
	_ =	sdelay $0x1  }
0x9f: {  	s20 =	simm.s32 $_scs_section_size  }
0xa0: {  	s6 =	simm.s32 $_size__tile_overlayer_lowered;
	s7 =	simm.s32 $_tile_overlayer_lowered  }
0xa1: {  	s23 =	simm.s32 $0x1BFF;
	s22 =	sshll.u32 s7, $0x1;
	s4 =	sadd.s32 s20, s19  }
0xa2: {  	s8 =	simm.s32 $0x0;
	s21 =	sshll.u32 s6, $0x1;
	s6 =	sadd.s32 s22, s4  }
0xa3: {  	[timem:s8], [sflag:s23] =	dma.local [hbm:s6], s21  }
0xa4: {  	_ =	swait.ge [sflag:s23], s21  }
0xa5: {  	s5 =	ssub.s32 $0x0, s21;
	[sflag:s23] =	ssyncset.done $0x0  }
0xa6: {  	[sflag:s23] =	ssyncadd.s32 s5;
	_ =	sdelay $0x1  }
0xa7: {  	s24 =	simm.s32 $0x1B8B  }
0xa8: {  	_ =	swait.ge [sflag:s24], $0x1  }
0xa9: {  	[sflag:s24] =	ssyncset.done $0x0  }
0xaa: {  	s25 =	simm.s32 $0x1B8E;
	[sflag:s24] =	ssyncadd.s32 $0xFFFFFFFF  }
0xab: {  	s26 =	simm.s32 $execute0_lowered;
	[smem:$0x3FD2] =	sst s25  }
0xac: {  	s5 =	sshll.u32 s26, $0x1;
	_ =	strace $0x80000046;
	[dreg:$0x1] =	wrdreg $0xFFFFFFFF  }
0xad: {  	s28 =	simm.s32 $_size_execute0_lowered;
	s4 =	sadd.s32 s4, s5;
	[dreg:$0x0] =	wrdreg $0x0  }
0xae: {  	s5 =	sshll.u32 s28, $0x1;
	[dreg:$0x2] =	wrdreg s4  }
0xaf: {  	[dreg:$0x3] =	wrdreg s5  }
0xb0: {  	[dreg:$0x4] =	wrdreg $0xC0  }
0xb1: {  	_ =	task [dreg:s8], $0x5FFFF  }
0xb2: {  	[dreg:$0x1] =	wrdreg $0xFFFFFFFF  }
0xb3: {  	[dreg:$0x0] =	wrdreg $0x60  }
0xb4: {  	[dreg:$0x2] =	wrdreg s16  }
0xb5: {  	[dreg:$0x3] =	wrdreg s17  }
0xb6: {  	[dreg:$0x4] =	wrdreg $0x9  }
0xb7: {  	_ =	task.clear_ibuf [dreg:s8], $0x5FFFF;
	_ =	strace $0x90000046  }
0xb8: {  	s29 =	simm.s32 $0x9;
	_ =	strace $0x80000048  }
0xb9: {  	_ =	swait.ge [sflag:s29], $0x1  }
0xba: {  	[sflag:s29] =	ssyncadd.s32 $0xFFFFFFFF  }
0xbb: {  	_ =	strace $0x90000048  }
0xbc: {  	_ =	sfence  }
0xbd: {  	s30 =	sld [smem:$0x0];
	_ =	sdelay $0x2  }
0xbe: {  	s31 =	sshll.u32 s1, $0xD;
	s1 =	sshrl.u32 s1, $0x2  }
0xbf: {  	s3 =	sand.u32 $0x4000, s31;
	s1 =	sadd.s32 s1, s30  }
0xc0: {  	s0 =	sor.u32 s3, s0;
	s1 =	sshll.u32 s1, $0x11  }
0xc1: {  	s0 =	sor.u32 s1, s0  }
0xc2: {  	s0 =	sadd.s32 $0x8F2B, s0  }
0xc3: {  	[sflag:s0] =	ssyncadd.remote.s32 $0x1  }
0xc4: {  	_ =	sfence.sel $0xFFFF  }
0xc5: {  	[dreg:$0x0] =	wrdreg $0xFFFFFFFF;
	(pc) =	sbr.abs _section_cstart, $3  }
0xc6: {  	[dreg:$0x1] =	wrdreg $0xFFFFFFFF  }
0xc7: {  	_ =	task.clear_ibuf [dreg:s8], $0x2FFFF;
	_ =	strace $0x9FFFFFFF  }
0xc8: {  	(tm) =	ssettm $0x7FFFFFFF  }
0xc9: {  	_ =	shalt  }
tec
execute0_lowered:
.L_overlay_start_1:
0x0: {  	(tag) =	ssettag $0x1  }
0x1: {  	s1 =	srdreg.scid;
	s0 =	stileid.u32  }
0x2: {  	s2 =	sand.u32 $0x1, s1;
	s11 =	sshll.u32 s0, $0x1;
	s5 =	sshrl.u32 s0, $0x1  }
0x3: {  	s1 =	sor.u32 s2, s11;
	s6 =	smul.u32 $0xFFFFFFFD, s5  }
0x4: {  	s1 =	smul.u32 $0x6, s1  }
0x5: {  	s13 =	smul.u32 $0x540000, s5  }
0x6: {  	s26 =	rddreg [dreg:$0x0];
	s5 =	smul.u32 $0x150000, s5;
	s3 =	sand.u32 $0x6, s1  }
0x7: {  	s24 =	rddreg [dreg:$0x1];
	s12 =	smul.u32 $0x47B, s3  }
0x8: {  	[dreg:$0xb] =	wrdreg s2;
	s7 =	sshrl.u32 s1, $0x3;
	s4 =	smul.u32 $0x1F, s3  }
0x9: {  	s14 =	sor.u32 $0x1, s1;
	s6 =	sadd.s32 s6, s7;
	s3 =	smul.u32 $0xE000, s3  }
0xa: {  	s9 =	sand.u32 $0xF8, s1;
	s8 =	smul.u32 $0x1C0000, s6;
	s2 =	sshrl.u32 s12, $0x8  }
0xb: {  	s23 =	sadd.s32 $0x2, s1;
	s6 =	smul.u32 $0x70000, s6;
	s4 =	ssub.s32 s4, s2  }
0xc: {  	s0 =	sand.u32 $0xFE, s23;
	s12 =	simm.s32 $0x1;
	s4 =	sand.u32 $0xFE, s4  }
0xd: {  	s7 =	sadd.s32 s13, s8;
	s5 =	sadd.s32 s5, s6;
	s4 =	sshrl.u32 s4, $0x1  }
0xe: {  	s3 =	sadd.s32 s3, s5;
	s2 =	sadd.s32 s2, s4;
	s4 =	ssub.s32 s14, s9  }
0xf: {  	s19 =	sshrl.u32 s3, $0x3;
	s3 =	sadd.s32 $0x7000, s3;
	s9 =	smul.u32 $0x1F0000, s4  }
0x10: {  	s20 =	sadd.s32 s24, s19;
	s3 =	sshrl.u32 s3, $0x3;
	s11 =	smul.u32 $0x4929, s4  }
0x11: {  	s2 =	sshrl.u32 s2, $0x2;
	p0 =	slt.s32 s4, $0x0;
	s4 =	smul.u32 $0xE000, s4  }
0x12: {  	s3 =	sadd.s32 s24, s3;
	s10 =	smul.u32 $0xE000, s2;
	s2 =	simm.s32 $0x0  }
0x13: {  	[smem:$0x7FF] =	sst s2;
	s9 =	sshra.s32 s9, $0x10;
	s15 =	sadd.s32 $0x1249, s11  }
0x14: {  	s4 =	sadd.s32 s4, s5;
	_ =	strace $0x80000047;
	s8 =	sadd.s32 s7, s10  }
0x15: {  	s9 =	smul.u32 $0x4925, s9;
	s10 =	sand.u32 $0xFFFE, s15;
	[dreg:$0x5] =	wrdreg s20  }
0x16: {  	[dreg:$0x7] =	wrdreg s3;
	s16 =	sshrl.u32 s8, $0x3;
	p1 =	sgt.u32 s10, $0x2492  }
0x17: {  	s15 =	sshrl.u32 s4, $0x3;
	s11 =	sadd.s32 s26, s16;
	p0 =	por !p0, !p1  }
0x18: {  	s17 =	sshrl.u32 s9, $0x1F;
	s9 =	sshra.s32 s9, $0x11;
	p0 =	por !p0, !p0  }
0x19: {  	s9 =	sadd.s32 s17, s9;
	[dreg:$0x3] =	wrdreg s11;
	s12 =	simm.s32 @!p0 $0x0  }
0x1a: {  	s11 =	smul.u32 $0xAB, s0;
	s19 =	rddreg [dreg:$0x3];
	s9 =	ssub.s32 s9, s12  }
0x1b: {  	[tilespmem:s2], [sflag:$0x1] =	stream.linear.gather [hbm4b:s19+s2], $0x7000, $0x38;
	[tilespmem:$0x1C000] =	vst v63  }
0x1c: {  	s8 =	sadd.s32 $0x7000, s8;
	s14 =	sshrl.u32 s11, $0xC;
	s18 =	smul.u32 $0xE000, s9  }
0x1d: {  	s10 =	simm.s32 $0x15000;
	s8 =	sshrl.u32 s8, $0x3;
	s16 =	smul.u32 $0xFFFFFFFD, s14  }
0x1e: {  	s8 =	sadd.s32 s26, s8;
	s9 =	sand.u32 $0x6, s23;
	s17 =	smul.u32 $0x540000, s14  }
0x1f: {  	[dreg:$0x4] =	wrdreg s8;
	s8 =	simm.s32 $0x2;
	s25 =	smul.u32 $0x47B, s9  }
0x20: {  	s12 =	smul.u32 $0x1F, s9;
	s6 =	sadd.s32 s7, s18;
	s7 =	sshrl.u32 s23, $0x3  }
0x21: {  	s21 =	sshrl.u32 s6, $0x3;
	s6 =	sadd.s32 $0x7000, s6;
	s7 =	sadd.s32 s7, s16  }
0x22: {  	s13 =	sshrl.u32 s25, $0x8;
	s22 =	sadd.s32 s26, s21;
	s18 =	smul.u32 $0x1C0000, s7  }
0x23: {  	s6 =	sshrl.u32 s6, $0x3;
	s3 =	ssub.s32 s12, s13;
	s12 =	smul.u32 $0x150000, s14  }
0x24: {  	s21 =	rddreg [dreg:$0x4];
	s14 =	smul.u32 $0x70000, s7;
	s7 =	simm.s32 $0xE000  }
0x25: {  	[dreg:$0x6] =	wrdreg s22;
	s6 =	sadd.s32 s26, s6;
	s3 =	sand.u32 $0xFE, s3  }
0x26: {  	s22 =	sadd.s32 $0x7000, s4;
	s4 =	simm.s32 $0x7000;
	[dreg:$0x8] =	wrdreg s6  }
0x27: {  	s6 =	sadd.s32 s24, s15;
	s3 =	sshrl.u32 s3, $0x1;
	s20 =	sadd.s32 s17, s18  }
0x28: {  	[tilespmem:s4], [sflag:$0x2] =	stream.linear.gather [hbm4b:s21+s2], $0x7000, $0x38;
	[tilespmem:$0x1C000] =	vst v63  }
0x29: {  	s23 =	sshrl.u32 s22, $0x3;
	s15 =	sadd.s32 $0x3, s1;
	s5 =	sadd.s32 s13, s3  }
0x2a: {  	s3 =	simm.s32 $0x1;
	[dreg:$0x9] =	wrdreg s6;
	s16 =	sand.u32 $0x7, s15  }
0x2b: {  	s5 =	sshrl.u32 s5, $0x2;
	_ =	swait.ge [sflag:s3], $0x7000;
	s22 =	smul.u32 $0x47B, s16  }
0x2c: {  	s5 =	smul.u32 $0xE000, s5;
	s25 =	rddreg [dreg:$0x5];
	[sflag:s3] =	ssyncset.done $0x0  }
0x2d: {  	s17 =	smul.u32 $0x1F, s16;
	s13 =	rddreg [dreg:$0x6];
	[sflag:s3] =	ssyncadd.s32 $0xFFFF9000  }
0x2e: {  	s18 =	sshrl.u32 s22, $0x8;
	s11 =	sadd.s32 s5, s20;
	s5 =	sadd.s32 s24, s23  }
0x2f: {  	[hbm4b:s25+s2] =	stream.linear.scatter [tilespmem:s2], [sflag:$0x5], $0x7000, $0x38;
	[tilespmem:$0x1C000] =	vst v63  }
0x30: {  	s17 =	ssub.s32 s17, s18;
	s6 =	sshrl.u32 s11, $0x3;
	s11 =	sadd.s32 $0x7000, s11  }
0x31: {  	[tilespmem:s7], [sflag:$0x3] =	stream.linear.gather [hbm4b:s13+s2], $0x7000, $0x38;
	[tilespmem:$0x1C000] =	vst v63  }
0x32: {  	s0 =	sadd.s32 s26, s6;
	s21 =	sshrl.u32 s11, $0x3;
	_ =	swait.ge [sflag:s8], $0x7000  }
0x33: {  	s6 =	smul.u32 $0xE000, s9;
	s20 =	sadd.s32 s26, s21;
	[sflag:s8] =	ssyncset.done $0x0  }
0x34: {  	s21 =	sand.u32 $0xFF, s15;
	s23 =	rddreg [dreg:$0x7];
	[sflag:s8] =	ssyncadd.s32 $0xFFFF9000  }
0x35: {  	[hbm4b:s23+s2] =	stream.linear.scatter [tilespmem:s4], [sflag:$0x6], $0x7000, $0x38;
	[tilespmem:$0x1C000] =	vst v63  }
0x36: {  	s11 =	simm.s32 $0x3;
	s19 =	rddreg [dreg:$0x8];
	s25 =	smul.u32 $0xAB, s21  }
0x37: {  	[tilespmem:s10], [sflag:$0x4] =	stream.linear.gather [hbm4b:s19+s2], $0x7000, $0x38;
	[tilespmem:$0x1C000] =	vst v63  }
0x38: {  	s21 =	sadd.s32 s12, s6;
	s6 =	sand.u32 $0xFE, s17;
	s19 =	sshrl.u32 s25, $0xC  }
0x39: {  	s17 =	sshrl.u32 s6, $0x1;
	_ =	swait.ge [sflag:s11], $0x7000;
	s22 =	smul.u32 $0xFFFFFFFD, s19  }
0x3a: {  	s23 =	sshrl.u32 s15, $0x3;
	s9 =	rddreg [dreg:$0x9];
	[sflag:s11] =	ssyncset.done $0x0  }
0x3b: {  	[sflag:s11] =	ssyncadd.s32 $0xFFFF9000;
	s6 =	sadd.s32 s23, s22;
	s23 =	smul.u32 $0xE000, s16  }
0x3c: {  	[hbm4b:s9+s2] =	stream.linear.scatter [tilespmem:s7], [sflag:$0x7], $0x7000, $0x38;
	[tilespmem:$0x1C000] =	vst v63  }
0x3d: {  	s13 =	simm.s32 $0x4;
	s9 =	smul.u32 $0x540000, s19  }
0x3e: {  	s12 =	simm.s32 $0x5;
	s21 =	sadd.s32 s14, s21;
	s22 =	smul.u32 $0x1C0000, s6  }
0x3f: {  	s14 =	simm.s32 $0x6;
	s25 =	sadd.s32 s18, s17;
	s19 =	smul.u32 $0x150000, s19  }
0x40: {  	s15 =	sshrl.u32 s25, $0x2;
	s16 =	simm.s32 $0x7;
	s25 =	smul.u32 $0x70000, s6  }
0x41: {  	s6 =	smov.u32 s20;
	_ =	swait.ge [sflag:s12], $0x7000;
	[dreg:$0xa] =	wrdreg s0  }
0x42: {  	[sflag:s12] =	ssyncset.done $0x0;
	s18 =	sadd.s32 s9, s22;
	s22 =	smul.u32 $0xE000, s15  }
0x43: {  	s9 =	smov.u32 s5;
	s15 =	sadd.s32 s19, s23;
	[sflag:s12] =	ssyncadd.s32 $0xFFFF9000  }
0x44: {  	[tilespmem:s2], [sflag:$0x1] =	stream.linear.gather [hbm4b:s0+s2], $0x7000, $0x38;
	[tilespmem:$0x1C000] =	vst v63  }
0x45: {  	s25 =	sadd.s32 s25, s15;
	s22 =	sadd.s32 s22, s18;
	s18 =	sadd.s32 $0x4, s1  }
0x46: {  	s0 =	sshrl.u32 s21, $0x3;
	s21 =	sadd.s32 $0x7000, s21;
	_ =	swait.ge [sflag:s13], $0x7000  }
0x47: {  	s1 =	sadd.s32 $0x5, s1;
	s23 =	sand.u32 $0x6, s18;
	[sflag:s13] =	ssyncset.done $0x0  }
0x48: {  	s15 =	sadd.s32 s24, s0;
	s17 =	smul.u32 $0x1F, s23;
	[sflag:s13] =	ssyncadd.s32 $0xFFFF9000  }
0x49: {  	[hbm4b:s5+s2] =	stream.linear.scatter [tilespmem:s10], [sflag:$0x8], $0x7000, $0x38;
	[tilespmem:$0x1C000] =	vst v63  }
0x4a: {  	s0 =	sshrl.u32 s22, $0x3;
	s5 =	smul.u32 $0x47B, s23;
	_ =	swait.ge [sflag:s14], $0x7000  }
0x4b: {  	s21 =	sshrl.u32 s21, $0x3;
	s23 =	smul.u32 $0xE000, s23;
	[sflag:s14] =	ssyncset.done $0x0  }
0x4c: {  	s19 =	sshrl.u32 s5, $0x8;
	s5 =	sadd.s32 $0x7000, s22;
	[sflag:s14] =	ssyncadd.s32 $0xFFFF9000  }
0x4d: {  	s28 =	ssub.s32 s17, s19;
	s17 =	sadd.s32 s26, s0;
	s0 =	sshrl.u32 s25, $0x3  }
0x4e: {  	[tilespmem:s4], [sflag:$0x2] =	stream.linear.gather [hbm4b:s20+s2], $0x7000, $0x38;
	[tilespmem:$0x1C000] =	vst v63  }
0x4f: {  	s20 =	sand.u32 $0xFE, s18;
	s28 =	sand.u32 $0xFE, s28;
	_ =	swait.ge [sflag:s3], $0x7000  }
0x50: {  	s29 =	smul.u32 $0xAB, s20;
	s28 =	sshrl.u32 s28, $0x1;
	[sflag:s3] =	ssyncset.done $0x0  }
0x51: {  	s20 =	sand.u32 $0xFF, s1;
	s19 =	sadd.s32 s19, s28;
	[sflag:s3] =	ssyncadd.s32 $0xFFFF9000  }
0x52: {  	[hbm4b:s15+s2] =	stream.linear.scatter [tilespmem:s2], [sflag:$0x5], $0x7000, $0x38;
	[tilespmem:$0x1C000] =	vst v63  }
0x53: {  	s20 =	smul.u32 $0xAB, s20;
	s29 =	sshrl.u32 s29, $0xC;
	_ =	swait.ge [sflag:s16], $0x7000  }
0x54: {  	s19 =	sshrl.u32 s19, $0x2;
	s28 =	smul.u32 $0xFFFFFFFD, s29;
	[sflag:s16] =	ssyncset.done $0x0  }
0x55: {  	s18 =	sshrl.u32 s18, $0x3;
	s30 =	smul.u32 $0xE000, s19;
	[sflag:s16] =	ssyncadd.s32 $0xFFFF9000  }
0x56: {  	[tilespmem:s7], [sflag:$0x3] =	stream.linear.gather [hbm4b:s17+s2], $0x7000, $0x38;
	[tilespmem:$0x1C000] =	vst v63  }
0x57: {  	s22 =	sadd.s32 s24, s0;
	s31 =	smul.u32 $0x540000, s29;
	_ =	swait.ge [sflag:s8], $0x7000  }
0x58: {  	s19 =	simm.s32 $0x8;
	s29 =	smul.u32 $0x150000, s29;
	[sflag:s8] =	ssyncset.done $0x0  }
0x59: {  	s28 =	sadd.s32 s18, s28;
	s18 =	sadd.s32 s24, s21;
	[sflag:s8] =	ssyncadd.s32 $0xFFFF9000  }
0x5a: {  	[hbm4b:s18+s2] =	stream.linear.scatter [tilespmem:s4], [sflag:$0x6], $0x7000, $0x38;
	[tilespmem:$0x1C000] =	vst v63  }
0x5b: {  	s21 =	sshrl.u32 s5, $0x3;
	s24 =	sshrl.u32 s20, $0xC;
	_ =	swait.ge [sflag:s19], $0x7000  }
0x5c: {  	s23 =	sadd.s32 s29, s23;
	s5 =	smul.u32 $0x1C0000, s28;
	[sflag:s19] =	ssyncset.done $0x0  }
0x5d: {  	s21 =	sadd.s32 s26, s21;
	s29 =	smul.u32 $0xFFFFFFFD, s24;
	[sflag:s19] =	ssyncadd.s32 $0xFFFF9000  }
0x5e: {  	[tilespmem:s10], [sflag:$0x4] =	stream.linear.gather [hbm4b:s21+s2], $0x7000, $0x38;
	[tilespmem:$0x1C000] =	vst v63  }
0x5f: {  	s0 =	sadd.s32 s31, s5;
	s5 =	sshrl.u32 s1, $0x3;
	_ =	swait.ge [sflag:s11], $0x7000  }
0x60: {  	s25 =	sadd.s32 $0x7000, s25;
	s5 =	sadd.s32 s5, s29;
	[sflag:s11] =	ssyncset.done $0x0  }
0x61: {  	s28 =	smul.u32 $0x70000, s28;
	[dreg:$0xc] =	wrdreg s5;
	[sflag:s11] =	ssyncadd.s32 $0xFFFF9000  }
0x62: {  	[hbm4b:s22+s2] =	stream.linear.scatter [tilespmem:s7], [sflag:$0x7], $0x7000, $0x38;
	[tilespmem:$0x1C000] =	vst v63  }
0x63: {  	s25 =	sshrl.u32 s25, $0x3;
	s0 =	sadd.s32 s30, s0;
	_ =	swait.ge [sflag:s12], $0x7000  }
0x64: {  	s31 =	sadd.s32 s28, s23;
	s20 =	sshrl.u32 s0, $0x3;
	[sflag:s12] =	ssyncset.done $0x0  }
0x65: {  	s0 =	sadd.s32 $0x7000, s0;
	s23 =	sadd.s32 s26, s20;
	[sflag:s12] =	ssyncadd.s32 $0xFFFF9000  }
0x66: {  	[tilespmem:s2], [sflag:$0x1] =	stream.linear.gather [hbm4b:s23+s2], $0x7000, $0x38;
	[tilespmem:$0x1C000] =	vst v63  }
0x67: {  	s20 =	sand.u32 $0x7, s1;
	s0 =	sshrl.u32 s0, $0x3;
	_ =	swait.ge [sflag:s13], $0x7000  }
0x68: {  	s28 =	smul.u32 $0x47B, s20;
	s1 =	rddreg [dreg:$0x1];
	[sflag:s13] =	ssyncset.done $0x0  }
0x69: {  	s30 =	smul.u32 $0x1F, s20;
	s25 =	sadd.s32 s1, s25;
	[sflag:s13] =	ssyncadd.s32 $0xFFFF9000  }
0x6a: {  	[hbm4b:s25+s2] =	stream.linear.scatter [tilespmem:s10], [sflag:$0x8], $0x7000, $0x38;
	[tilespmem:$0x1C000] =	vst v63  }
0x6b: {  	s29 =	sshrl.u32 s28, $0x8;
	s28 =	sadd.s32 s26, s0;
	_ =	swait.ge [sflag:s14], $0x7000  }
0x6c: {  	s5 =	smul.u32 $0x1C0000, s5;
	s1 =	ssub.s32 s30, s29;
	[sflag:s14] =	ssyncset.done $0x0  }
0x6d: {  	s30 =	smul.u32 $0x540000, s24;
	s0 =	sand.u32 $0xFE, s1;
	[sflag:s14] =	ssyncadd.s32 $0xFFFF9000  }
0x6e: {  	[tilespmem:s4], [sflag:$0x2] =	stream.linear.gather [hbm4b:s28+s2], $0x7000, $0x38;
	[tilespmem:$0x1C000] =	vst v63  }
0x6f: {  	s0 =	sshrl.u32 s0, $0x1;
	_ =	swait.ge [sflag:s3], $0x7000  }
0x70: {  	s1 =	sadd.s32 s29, s0;
	s0 =	sadd.s32 s30, s5;
	[sflag:s3] =	ssyncset.done $0x0  }
0x71: {  	s29 =	sshrl.u32 s31, $0x3;
	s1 =	sshrl.u32 s1, $0x2;
	s5 =	rddreg [dreg:$0x1]  }
0x72: {  	s1 =	smul.u32 $0xE000, s1;
	[sflag:s3] =	ssyncadd.s32 $0xFFFF9000;
	s29 =	sadd.s32 s5, s29  }
0x73: {  	[hbm4b:s29+s2] =	stream.linear.scatter [tilespmem:s2], [sflag:$0x5], $0x7000, $0x38;
	[tilespmem:$0x1C000] =	vst v63  }
0x74: {  	s0 =	sadd.s32 s1, s0;
	_ =	swait.ge [sflag:s16], $0x7000  }
0x75: {  	s1 =	sshrl.u32 s0, $0x3;
	[sflag:s16] =	ssyncset.done $0x0  }
0x76: {  	s30 =	sadd.s32 s26, s1;
	[sflag:s16] =	ssyncadd.s32 $0xFFFF9000  }
0x77: {  	[tilespmem:s7], [sflag:$0x3] =	stream.linear.gather [hbm4b:s30+s2], $0x7000, $0x38;
	[tilespmem:$0x1C000] =	vst v63  }
0x78: {  	s20 =	smul.u32 $0xE000, s20;
	s5 =	sadd.s32 $0x7000, s31;
	_ =	swait.ge [sflag:s8], $0x7000  }
0x79: {  	s1 =	sshrl.u32 s5, $0x3;
	s5 =	rddreg [dreg:$0x1];
	[sflag:s8] =	ssyncset.done $0x0  }
0x7a: {  	s24 =	smul.u32 $0x150000, s24;
	s31 =	sadd.s32 s5, s1;
	[sflag:s8] =	ssyncadd.s32 $0xFFFF9000  }
0x7b: {  	[hbm4b:s31+s2] =	stream.linear.scatter [tilespmem:s4], [sflag:$0x6], $0x7000, $0x38;
	[tilespmem:$0x1C000] =	vst v63  }
0x7c: {  	s20 =	sadd.s32 s24, s20;
	s0 =	sadd.s32 $0x7000, s0;
	_ =	swait.ge [sflag:s19], $0x7000  }
0x7d: {  	s0 =	sshrl.u32 s0, $0x3;
	[sflag:s19] =	ssyncset.done $0x0;
	s24 =	rddreg [dreg:$0xc]  }
0x7e: {  	s26 =	sadd.s32 s26, s0;
	s1 =	smul.u32 $0x70000, s24;
	[sflag:s19] =	ssyncadd.s32 $0xFFFF9000  }
0x7f: {  	[tilespmem:s10], [sflag:$0x4] =	stream.linear.gather [hbm4b:s26+s2], $0x7000, $0x38;
	[tilespmem:$0x1C000] =	vst v63  }
0x80: {  	s0 =	sadd.s32 s1, s20;
	_ =	swait.ge [sflag:s11], $0x7000  }
0x81: {  	[sflag:s11] =	ssyncset.done $0x0;
	s1 =	sshrl.u32 s0, $0x3  }
0x82: {  	s1 =	sadd.s32 s5, s1;
	[sflag:s11] =	ssyncadd.s32 $0xFFFF9000  }
0x83: {  	[hbm4b:s1+s2] =	stream.linear.scatter [tilespmem:s7], [sflag:$0x7], $0x7000, $0x38;
	[tilespmem:$0x1C000] =	vst v63  }
0x84: {  	s0 =	sadd.s32 $0x7000, s0;
	_ =	swait.ge [sflag:s13], $0x7000  }
0x85: {  	s0 =	sshrl.u32 s0, $0x3;
	[sflag:s13] =	ssyncset.done $0x0  }
0x86: {  	s24 =	sadd.s32 s5, s0;
	[sflag:s13] =	ssyncadd.s32 $0xFFFF9000  }
0x87: {  	[hbm4b:s24+s2] =	stream.linear.scatter [tilespmem:s10], [sflag:$0x8], $0x7000, $0x38;
	[tilespmem:$0x1C000] =	vst v63  }
0x88: {  	_ =	swait.ge [sflag:s12], $0x7000  }
0x89: {  	[sflag:s12] =	ssyncset.done $0x0  }
0x8a: {  	[sflag:s12] =	ssyncadd.s32 $0xFFFF9000  }
0x8b: {  	_ =	swait.ge [sflag:s14], $0x7000  }
0x8c: {  	s20 =	rddreg [dreg:$0xb]  }
0x8d: {  	s0 =	ssub.s32 $0x2, s20  }
0x8e: {  	s5 =	sshrl.u32 s0, $0x1  }
0x8f: {  	s0 =	ssub.s32 s0, s5  }
0x90: {  	s0 =	smax.u32 s0, $0x1  }
0x91: {  	[sflag:s14] =	ssyncset.done $0x0;
	p0 =	sne.s32 s0, $0x1  }
.Ltmp0:
0x92: {  	[sflag:s14] =	ssyncadd.s32 $0xFFFF9000;
	(pc) =	sbr.rel @!p0 .LBB2_2-.Ltmp0, $4  }
0x93: {  	_ =	swait.ge [sflag:s16], $0x7000  }
0x94: {  	[sflag:s16] =	ssyncset.done $0x0  }
0x95: {  	[sflag:s16] =	ssyncadd.s32 $0xFFFF9000  }
0x96: {  	s20 =	sadd.s32 $0xFFFFFFFF, s0;
	_ =	swait.ge [sflag:s19], $0x7000  }
.LBB2_1:
0x97: {  	[sflag:s19] =	ssyncset.done $0x0  }
0x98: {  	s0 =	rddreg [dreg:$0x3];
	[sflag:s19] =	ssyncadd.s32 $0xFFFF9000  }
0x99: {  	[tilespmem:s2], [sflag:$0x1] =	stream.linear.gather [hbm4b:s0+s2], $0x7000, $0x38;
	[tilespmem:$0x1C000] =	vst v63  }
0x9a: {  	s5 =	rddreg [dreg:$0x4]  }
0x9b: {  	[tilespmem:s4], [sflag:$0x2] =	stream.linear.gather [hbm4b:s5+s2], $0x7000, $0x38;
	[tilespmem:$0x1C000] =	vst v63  }
0x9c: {  	_ =	swait.ge [sflag:s3], $0x7000  }
0x9d: {  	[sflag:s3] =	ssyncset.done $0x0  }
0x9e: {  	s0 =	rddreg [dreg:$0x5];
	[sflag:s3] =	ssyncadd.s32 $0xFFFF9000  }
0x9f: {  	[hbm4b:s0+s2] =	stream.linear.scatter [tilespmem:s2], [sflag:$0x5], $0x7000, $0x38;
	[tilespmem:$0x1C000] =	vst v63  }
0xa0: {  	s5 =	rddreg [dreg:$0x6]  }
0xa1: {  	[tilespmem:s7], [sflag:$0x3] =	stream.linear.gather [hbm4b:s5+s2], $0x7000, $0x38;
	[tilespmem:$0x1C000] =	vst v63  }
0xa2: {  	_ =	swait.ge [sflag:s8], $0x7000  }
0xa3: {  	[sflag:s8] =	ssyncset.done $0x0  }
0xa4: {  	s0 =	rddreg [dreg:$0x7];
	[sflag:s8] =	ssyncadd.s32 $0xFFFF9000  }
0xa5: {  	[hbm4b:s0+s2] =	stream.linear.scatter [tilespmem:s4], [sflag:$0x6], $0x7000, $0x38;
	[tilespmem:$0x1C000] =	vst v63  }
0xa6: {  	s5 =	rddreg [dreg:$0x8]  }
0xa7: {  	[tilespmem:s10], [sflag:$0x4] =	stream.linear.gather [hbm4b:s5+s2], $0x7000, $0x38;
	[tilespmem:$0x1C000] =	vst v63  }
0xa8: {  	_ =	swait.ge [sflag:s11], $0x7000  }
0xa9: {  	[sflag:s11] =	ssyncset.done $0x0  }
0xaa: {  	s5 =	rddreg [dreg:$0x9];
	[sflag:s11] =	ssyncadd.s32 $0xFFFF9000  }
0xab: {  	[hbm4b:s5+s2] =	stream.linear.scatter [tilespmem:s7], [sflag:$0x7], $0x7000, $0x38;
	[tilespmem:$0x1C000] =	vst v63  }
0xac: {  	_ =	swait.ge [sflag:s12], $0x7000  }
0xad: {  	[sflag:s12] =	ssyncset.done $0x0  }
0xae: {  	s5 =	rddreg [dreg:$0xa];
	[sflag:s12] =	ssyncadd.s32 $0xFFFF9000  }
0xaf: {  	[tilespmem:s2], [sflag:$0x1] =	stream.linear.gather [hbm4b:s5+s2], $0x7000, $0x38;
	[tilespmem:$0x1C000] =	vst v63  }
0xb0: {  	_ =	swait.ge [sflag:s13], $0x7000  }
0xb1: {  	[sflag:s13] =	ssyncset.done $0x0  }
0xb2: {  	[sflag:s13] =	ssyncadd.s32 $0xFFFF9000  }
0xb3: {  	[hbm4b:s9+s2] =	stream.linear.scatter [tilespmem:s10], [sflag:$0x8], $0x7000, $0x38;
	[tilespmem:$0x1C000] =	vst v63  }
0xb4: {  	_ =	swait.ge [sflag:s14], $0x7000  }
0xb5: {  	[sflag:s14] =	ssyncset.done $0x0  }
0xb6: {  	[sflag:s14] =	ssyncadd.s32 $0xFFFF9000  }
0xb7: {  	[tilespmem:s4], [sflag:$0x2] =	stream.linear.gather [hbm4b:s6+s2], $0x7000, $0x38;
	[tilespmem:$0x1C000] =	vst v63  }
0xb8: {  	_ =	swait.ge [sflag:s3], $0x7000  }
0xb9: {  	[sflag:s3] =	ssyncset.done $0x0  }
0xba: {  	[sflag:s3] =	ssyncadd.s32 $0xFFFF9000  }
0xbb: {  	[hbm4b:s15+s2] =	stream.linear.scatter [tilespmem:s2], [sflag:$0x5], $0x7000, $0x38;
	[tilespmem:$0x1C000] =	vst v63  }
0xbc: {  	_ =	swait.ge [sflag:s16], $0x7000  }
0xbd: {  	[sflag:s16] =	ssyncset.done $0x0  }
0xbe: {  	[sflag:s16] =	ssyncadd.s32 $0xFFFF9000  }
0xbf: {  	[tilespmem:s7], [sflag:$0x3] =	stream.linear.gather [hbm4b:s17+s2], $0x7000, $0x38;
	[tilespmem:$0x1C000] =	vst v63  }
0xc0: {  	_ =	swait.ge [sflag:s8], $0x7000  }
0xc1: {  	[sflag:s8] =	ssyncset.done $0x0  }
0xc2: {  	[sflag:s8] =	ssyncadd.s32 $0xFFFF9000  }
0xc3: {  	[hbm4b:s18+s2] =	stream.linear.scatter [tilespmem:s4], [sflag:$0x6], $0x7000, $0x38;
	[tilespmem:$0x1C000] =	vst v63  }
0xc4: {  	_ =	swait.ge [sflag:s19], $0x7000  }
0xc5: {  	[sflag:s19] =	ssyncset.done $0x0  }
0xc6: {  	[sflag:s19] =	ssyncadd.s32 $0xFFFF9000  }
0xc7: {  	[tilespmem:s10], [sflag:$0x4] =	stream.linear.gather [hbm4b:s21+s2], $0x7000, $0x38;
	[tilespmem:$0x1C000] =	vst v63  }
0xc8: {  	_ =	swait.ge [sflag:s11], $0x7000  }
0xc9: {  	[sflag:s11] =	ssyncset.done $0x0  }
0xca: {  	[sflag:s11] =	ssyncadd.s32 $0xFFFF9000  }
0xcb: {  	[hbm4b:s22+s2] =	stream.linear.scatter [tilespmem:s7], [sflag:$0x7], $0x7000, $0x38;
	[tilespmem:$0x1C000] =	vst v63  }
0xcc: {  	_ =	swait.ge [sflag:s12], $0x7000  }
0xcd: {  	[sflag:s12] =	ssyncset.done $0x0  }
0xce: {  	[sflag:s12] =	ssyncadd.s32 $0xFFFF9000  }
0xcf: {  	[tilespmem:s2], [sflag:$0x1] =	stream.linear.gather [hbm4b:s23+s2], $0x7000, $0x38;
	[tilespmem:$0x1C000] =	vst v63  }
0xd0: {  	_ =	swait.ge [sflag:s13], $0x7000  }
0xd1: {  	[sflag:s13] =	ssyncset.done $0x0  }
0xd2: {  	[sflag:s13] =	ssyncadd.s32 $0xFFFF9000  }
0xd3: {  	[hbm4b:s25+s2] =	stream.linear.scatter [tilespmem:s10], [sflag:$0x8], $0x7000, $0x38;
	[tilespmem:$0x1C000] =	vst v63  }
0xd4: {  	_ =	swait.ge [sflag:s14], $0x7000  }
0xd5: {  	[sflag:s14] =	ssyncset.done $0x0  }
0xd6: {  	[sflag:s14] =	ssyncadd.s32 $0xFFFF9000  }
0xd7: {  	[tilespmem:s4], [sflag:$0x2] =	stream.linear.gather [hbm4b:s28+s2], $0x7000, $0x38;
	[tilespmem:$0x1C000] =	vst v63  }
0xd8: {  	_ =	swait.ge [sflag:s3], $0x7000  }
0xd9: {  	[sflag:s3] =	ssyncset.done $0x0  }
0xda: {  	[sflag:s3] =	ssyncadd.s32 $0xFFFF9000  }
0xdb: {  	[hbm4b:s29+s2] =	stream.linear.scatter [tilespmem:s2], [sflag:$0x5], $0x7000, $0x38;
	[tilespmem:$0x1C000] =	vst v63  }
0xdc: {  	_ =	swait.ge [sflag:s16], $0x7000  }
0xdd: {  	[sflag:s16] =	ssyncset.done $0x0  }
0xde: {  	[sflag:s16] =	ssyncadd.s32 $0xFFFF9000  }
0xdf: {  	[tilespmem:s7], [sflag:$0x3] =	stream.linear.gather [hbm4b:s30+s2], $0x7000, $0x38;
	[tilespmem:$0x1C000] =	vst v63  }
0xe0: {  	_ =	swait.ge [sflag:s8], $0x7000  }
0xe1: {  	[sflag:s8] =	ssyncset.done $0x0  }
0xe2: {  	[sflag:s8] =	ssyncadd.s32 $0xFFFF9000  }
0xe3: {  	[hbm4b:s31+s2] =	stream.linear.scatter [tilespmem:s4], [sflag:$0x6], $0x7000, $0x38;
	[tilespmem:$0x1C000] =	vst v63  }
0xe4: {  	_ =	swait.ge [sflag:s19], $0x7000  }
0xe5: {  	[sflag:s19] =	ssyncset.done $0x0  }
0xe6: {  	[sflag:s19] =	ssyncadd.s32 $0xFFFF9000  }
0xe7: {  	[tilespmem:s10], [sflag:$0x4] =	stream.linear.gather [hbm4b:s26+s2], $0x7000, $0x38;
	[tilespmem:$0x1C000] =	vst v63  }
0xe8: {  	_ =	swait.ge [sflag:s11], $0x7000  }
0xe9: {  	[sflag:s11] =	ssyncset.done $0x0  }
0xea: {  	[sflag:s11] =	ssyncadd.s32 $0xFFFF9000  }
0xeb: {  	[hbm4b:s1+s2] =	stream.linear.scatter [tilespmem:s7], [sflag:$0x7], $0x7000, $0x38;
	[tilespmem:$0x1C000] =	vst v63  }
0xec: {  	_ =	swait.ge [sflag:s13], $0x7000  }
0xed: {  	[sflag:s13] =	ssyncset.done $0x0  }
0xee: {  	[sflag:s13] =	ssyncadd.s32 $0xFFFF9000  }
0xef: {  	[hbm4b:s24+s2] =	stream.linear.scatter [tilespmem:s10], [sflag:$0x8], $0x7000, $0x38;
	[tilespmem:$0x1C000] =	vst v63  }
0xf0: {  	_ =	swait.ge [sflag:s12], $0x7000  }
0xf1: {  	[sflag:s12] =	ssyncset.done $0x0  }
0xf2: {  	[sflag:s12] =	ssyncadd.s32 $0xFFFF9000  }
0xf3: {  	_ =	swait.ge [sflag:s14], $0x7000  }
0xf4: {  	p0 =	sne.s32 s20, $0x1;
	[sflag:s14] =	ssyncset.done $0x0  }
.Ltmp1:
0xf5: {  	[sflag:s14] =	ssyncadd.s32 $0xFFFF9000;
	(pc) =	sbr.rel @p0 .LBB2_1-.Ltmp1, $4  }
0xf6: {  	_ =	swait.ge [sflag:s16], $0x7000  }
0xf7: {  	[sflag:s16] =	ssyncset.done $0x0  }
0xf8: {  	[sflag:s16] =	ssyncadd.s32 $0xFFFF9000  }
0xf9: {  	s20 =	sadd.s32 $0xFFFFFFFF, s20;
	_ =	swait.ge [sflag:s19], $0x7000  }
.LBB2_2:
0xfa: {  	[sflag:s19] =	ssyncset.done $0x0  }
0xfb: {  	[sflag:s19] =	ssyncadd.s32 $0xFFFF9000  }
0xfc: {  	_ =	sfence.sel $0x180000  }
0xfd: {  	[bflag:$0x0] =	sbarrier.arrive $0xFFFF  }
0xfe: {  	_ =	strace $0x90000047  }
0xff: {  	s0 =	stileid.u32;
	[bflag:$0x2] =	sbarrier.arrive $0xFFFF  }
0x100: {  	p0 =	sne.s32 s0, $0x0;
	s0 =	rddreg [dreg:$0x2]  }
0x101: {  	s0 =	sadd.s32 @!p0 $0x100000, s0  }
0x102: {  	[sflag:s0] =	ssyncadd.tile.s32 @!p0 $0x1;
	_ =	shalt  }
.Lfunc_end2:
_tile_overlayer_lowered:
.L_overlay_start_2:
0x103: {  	(tag) =	ssettag $0x2  }
0x104: {  	s0 =	rddreg [dreg:$0x0];
	s2 =	stileid.u32  }
0x105: {  	s1 =	rddreg [dreg:$0x1];
	p0 =	sne.s32 s2, $0x0  }
0x106: {  	s3 =	rddreg [dreg:$0x2];
	[bflag:$0x3] =	sbarrier.arrive $0xFFFF;
	s2 =	simm.s32 @!p0 $0x1C09  }
0x107: {  	[timem:s3], [sflag:s2] =	dma.local @!p0 [hbm:s0], s1  }
0x108: {  	s0 =	simm.s32 @!p0 $0x9  }
0x109: {  	_ =	swait.ge @!p0 [sflag:s0], s1  }
0x10a: {  	s1 =	ssub.s32 @!p0 $0x0, s1;
	[sflag:s0] =	ssyncset.done @!p0 $0x0  }
0x10b: {  	[sflag:s0] =	ssyncadd.s32 @!p0 s1  }
0x10c: {  	[bflag:$0x3] =	sbarrier.arrive $0xFFFF  }
0x10d: {  	_ =	shalt  }

</sc_bundles>
